<compile_context>
chip_gen: v7x
topology: tpu7x:2x2x1
jax: 0.10.2.dev20260603
libtpu: 0.0.44.dev20260713+nightly
codegen_flags: <defaults>
</compile_context>

<pallas_src>
import functools

import jax
import jax.numpy as jnp
from jax import lax
from jax.experimental import pallas as pl
from jax.experimental.pallas import tpu as pltpu
from jax.experimental.pallas import tpu_sc as plsc

N = 10000
E = 320000
D = 128

NPAD = 10240
NT = NPAD // 16
ET_NORM = E // 16
K = 128
IGRP = 8
CHUNKS = 80
NGRP = CHUNKS // IGRP
EPAD = 32 * CHUNKS * K
ZROWS = 80
ROWBLK = 1000

_mesh = plsc.VectorSubcoreMesh(core_axis_name="c", subcore_axis_name="s")


def _rsqrt16(d):
    i = plsc.bitcast(d, jnp.int32)
    y = plsc.bitcast(jnp.int32(0x5F3759DF) - (i >> 1), jnp.float32)
    y = y * (1.5 - 0.5 * d * y * y)
    y = y * (1.5 - 0.5 * d * y * y)
    y = y * (1.5 - 0.5 * d * y * y)
    return jnp.where(d > 0.0, y, 0.0)


@functools.partial(
    pl.kernel,
    out_type=jax.ShapeDtypeStruct((4 * NPAD,), jnp.float32),
    mesh=_mesh,
    compiler_params=pltpu.CompilerParams(needs_layout_passes=False),
    scratch_types=[
        pltpu.VMEM((ET_NORM,), jnp.int32),
        pltpu.VMEM((ET_NORM,), jnp.int32),
        pltpu.VMEM((NPAD,), jnp.float32),
        pltpu.VMEM((NPAD,), jnp.float32),
        pltpu.VMEM((NT,), jnp.float32),
        pltpu.VMEM((NT,), jnp.float32),
        pltpu.VMEM_SHARED((16, NPAD), jnp.float32),
        pltpu.VMEM_SHARED((NPAD,), jnp.float32),
    ],
)
def _norm_kernel(rows_hbm, cols_hbm, out_hbm, rows_v, cols_v, hist_v,
                 dinv_v, acc_v, tmp_v, hists_sp, dinv_sp):
    c = lax.axis_index("c")
    s = lax.axis_index("s")
    ebase = s * ET_NORM
    nbase = s * NT
    _zeros16 = jnp.zeros((16,), jnp.float32)
    _ones16 = jnp.ones((16,), jnp.float32)

    pltpu.sync_copy(rows_hbm.at[pl.ds(c * E + ebase, ET_NORM)], rows_v)
    pltpu.sync_copy(cols_hbm.at[pl.ds(c * E + ebase, ET_NORM)], cols_v)

    def _zero_hist(i, _):
        hist_v[pl.ds(i * 16, 16)] = _zeros16
        return 0

    def _reduce_and_rsqrt(out_slot):
        pltpu.sync_copy(hists_sp.at[0, pl.ds(nbase, NT)], acc_v)

        def red_t(t, _):
            pltpu.sync_copy(hists_sp.at[t, pl.ds(nbase, NT)], tmp_v)

            def add_j(j, _):
                acc_v[pl.ds(j * 16, 16)] = (
                    acc_v[pl.ds(j * 16, 16)] + tmp_v[pl.ds(j * 16, 16)])
                return 0

            lax.fori_loop(0, NT // 16, add_j, 0)
            return 0

        lax.fori_loop(1, 16, red_t, 0)

        def rs_j(j, _):
            acc_v[pl.ds(j * 16, 16)] = _rsqrt16(acc_v[pl.ds(j * 16, 16)])
            return 0

        lax.fori_loop(0, NT // 16, rs_j, 0)
        pltpu.sync_copy(
            acc_v,
            out_hbm.at[pl.ds(c * (2 * NPAD) + out_slot * NPAD + nbase, NT)])

    lax.fori_loop(0, NPAD // 16, _zero_hist, 0)

    def hist_rows(i, _):
        idx = rows_v[pl.ds(i * 16, 16)]
        plsc.addupdate_scatter(hist_v, [idx], _ones16)
        return 0

    lax.fori_loop(0, ET_NORM // 16, hist_rows, 0)
    pltpu.sync_copy(hist_v, hists_sp.at[s])
    plsc.subcore_barrier()
    _reduce_and_rsqrt(0)
    pltpu.sync_copy(acc_v, dinv_sp.at[pl.ds(nbase, NT)])
    plsc.subcore_barrier()

    pltpu.sync_copy(dinv_sp, dinv_v)
    lax.fori_loop(0, NPAD // 16, _zero_hist, 0)

    def hist_cols(i, _):
        rv = rows_v[pl.ds(i * 16, 16)]
        cv = cols_v[pl.ds(i * 16, 16)]
        w = plsc.load_gather(dinv_v, [rv])
        plsc.addupdate_scatter(hist_v, [cv], w)
        return 0

    lax.fori_loop(0, ET_NORM // 16, hist_cols, 0)
    pltpu.sync_copy(hist_v, hists_sp.at[s])
    plsc.subcore_barrier()
    _reduce_and_rsqrt(1)


@functools.partial(
    pl.kernel,
    out_type=jax.ShapeDtypeStruct((2, NPAD, D), jnp.float32),
    mesh=_mesh,
    compiler_params=pltpu.CompilerParams(needs_layout_passes=False),
    scratch_types=[
        pltpu.VMEM((2, IGRP, K), jnp.int32),
        pltpu.VMEM((2, IGRP, K), jnp.int32),
        pltpu.VMEM((K, D), jnp.float32),
        pltpu.VMEM((K, D), jnp.float32),
        pltpu.VMEM_SHARED((NPAD, D), jnp.float32),
        pltpu.SemaphoreType.DMA,
        pltpu.SemaphoreType.DMA,
        pltpu.SemaphoreType.DMA,
    ],
)
def _spmm_kernel(g_hbm, colb_hbm, rowb_hbm, out_hbm, cidx_v, ridx_v,
                 rows0_v, rows1_v, acc_sp, gsem0, gsem1, isem):
    c = lax.axis_index("c")
    s = lax.axis_index("s")
    w = s * 2 + c
    nbase = s * NT
    chunk0 = w * CHUNKS
    _zeros16 = jnp.zeros((16,), jnp.float32)
    rows = (rows0_v, rows1_v)
    gsems = (gsem0, gsem1)

    def idx_load_start(gg, slot):
        base = chunk0 + gg * IGRP
        pltpu.async_copy(colb_hbm.at[pl.ds(base, IGRP)], cidx_v.at[slot], isem)
        pltpu.async_copy(rowb_hbm.at[pl.ds(base, IGRP)], ridx_v.at[slot], isem)

    def idx_load_wait(gg, slot):
        base = chunk0 + gg * IGRP
        pltpu.make_async_copy(colb_hbm.at[pl.ds(base, IGRP)],
                              cidx_v.at[slot], isem).wait()
        pltpu.make_async_copy(rowb_hbm.at[pl.ds(base, IGRP)],
                              ridx_v.at[slot], isem).wait()

    idx_load_start(0, 0)

    def zb(i, _):
        def zb2(j, _):
            rows0_v[i, pl.ds(j * 16, 16)] = _zeros16
            return 0
        lax.fori_loop(0, D // 16, zb2, 0)
        return 0

    lax.fori_loop(0, ZROWS, zb, 0)

    def zcopy(j, _):
        pltpu.sync_copy(rows0_v.at[pl.ds(0, ZROWS)],
                        acc_sp.at[pl.ds(nbase + j * ZROWS, ZROWS)])
        return 0

    lax.fori_loop(0, NT // ZROWS, zcopy, 0)
    plsc.subcore_barrier()

    def group(g, _):
        slot = lax.rem(g, 2)
        idx_load_wait(g, slot)

        @pl.when(g + 1 < NGRP)
        def _():
            idx_load_start(g + 1, 1 - slot)

        pltpu.async_copy(g_hbm.at[cidx_v.at[slot, 0]], rows0_v, gsem0)
        for j in range(IGRP):
            b = j % 2
            pltpu.make_async_copy(g_hbm.at[cidx_v.at[slot, j]],
                                  rows[b], gsems[b]).wait()
            if j + 1 < IGRP:
                pltpu.async_copy(g_hbm.at[cidx_v.at[slot, j + 1]],
                                 rows[1 - b], gsems[1 - b])
            pltpu.sync_copy(rows[b], acc_sp.at[ridx_v.at[slot, j]],
                            add=True)
        return 0

    lax.fori_loop(0, NGRP, group, 0)
    plsc.subcore_barrier()

    pltpu.sync_copy(acc_sp.at[pl.ds(nbase, NT)],
                    out_hbm.at[c, pl.ds(nbase, NT)])


def _mm_scale_body(x_ref, w_ref, c_ref, o_ref):
    o_ref[...] = jnp.dot(x_ref[...], w_ref[...],
                         preferred_element_type=jnp.float32) * c_ref[...]


def _tc_mm_scale(x, W, cscale):
    return pl.pallas_call(
        _mm_scale_body,
        grid=(N // ROWBLK,),
        in_specs=[
            pl.BlockSpec((ROWBLK, D), lambda i: (i, 0)),
            pl.BlockSpec((D, D), lambda i: (0, 0)),
            pl.BlockSpec((ROWBLK, 1), lambda i: (i, 0)),
        ],
        out_specs=pl.BlockSpec((ROWBLK, D), lambda i: (i, 0)),
        out_shape=jax.ShapeDtypeStruct((N, D), jnp.float32),
    )(x, W, cscale)


def _mid_body(pa_ref, pb_ref, d_ref, b_ref, c_ref, w_ref, o_ref):
    t = (pa_ref[0] + pb_ref[0]) * d_ref[...] + b_ref[...]
    t = jnp.maximum(t, 0.0) * c_ref[...]
    o_ref[...] = jnp.dot(t, w_ref[...], preferred_element_type=jnp.float32)


def _tc_mid(p, dinv, b, cinv, W):
    return pl.pallas_call(
        _mid_body,
        grid=(N // ROWBLK,),
        in_specs=[
            pl.BlockSpec((1, ROWBLK, D), lambda i: (0, i, 0)),
            pl.BlockSpec((1, ROWBLK, D), lambda i: (1, i, 0)),
            pl.BlockSpec((ROWBLK, 1), lambda i: (i, 0)),
            pl.BlockSpec((1, D), lambda i: (0, 0)),
            pl.BlockSpec((ROWBLK, 1), lambda i: (i, 0)),
            pl.BlockSpec((D, D), lambda i: (0, 0)),
        ],
        out_specs=pl.BlockSpec((ROWBLK, D), lambda i: (i, 0)),
        out_shape=jax.ShapeDtypeStruct((N, D), jnp.float32),
    )(p, p, dinv, b, cinv, W)


def _fin_body(pa_ref, pb_ref, d_ref, b_ref, o_ref):
    t = (pa_ref[0] + pb_ref[0]) * d_ref[...] + b_ref[...]
    o_ref[...] = jnp.maximum(t, 0.0)


def _tc_final(p, dinv, b):
    return pl.pallas_call(
        _fin_body,
        grid=(N // ROWBLK,),
        in_specs=[
            pl.BlockSpec((1, ROWBLK, D), lambda i: (0, i, 0)),
            pl.BlockSpec((1, ROWBLK, D), lambda i: (1, i, 0)),
            pl.BlockSpec((ROWBLK, 1), lambda i: (i, 0)),
            pl.BlockSpec((1, D), lambda i: (0, 0)),
        ],
        out_specs=pl.BlockSpec((ROWBLK, D), lambda i: (i, 0)),
        out_shape=jax.ShapeDtypeStruct((N, D), jnp.float32),
    )(p, p, dinv, b)


def kernel(x, edge_index0, edge_index1, W1, b1, W2, b2):
    ei0 = edge_index0.astype(jnp.int32)
    ei1 = edge_index1.astype(jnp.int32)
    row0, col0 = ei0[0], ei0[1]
    row1, col1 = ei1[0], ei1[1]

    norm = _norm_kernel(jnp.concatenate([row0, row1]),
                        jnp.concatenate([col0, col1]))
    dinv0 = norm[0 * NPAD:0 * NPAD + N, None]
    cinv0 = norm[1 * NPAD:1 * NPAD + N, None]
    dinv1 = norm[2 * NPAD:2 * NPAD + N, None]
    cinv1 = norm[3 * NPAD:3 * NPAD + N, None]

    npad_e = EPAD - E
    pad_col = jnp.zeros((npad_e,), jnp.int32)
    pad_row = N + (jnp.arange(npad_e, dtype=jnp.int32) % (NPAD - N))
    colb0 = jnp.concatenate([col0, pad_col]).reshape(-1, K)
    rowb0 = jnp.concatenate([row0, pad_row]).reshape(-1, K)
    colb1 = jnp.concatenate([col1, pad_col]).reshape(-1, K)
    rowb1 = jnp.concatenate([row1, pad_row]).reshape(-1, K)

    g1 = _tc_mm_scale(x, W1, cinv0)
    p1 = _spmm_kernel(g1, colb0, rowb0)
    g2 = _tc_mid(p1, dinv0, b1.reshape(1, D), cinv1, W2)
    p2 = _spmm_kernel(g2, colb1, rowb1)
    return _tc_final(p2, dinv1, b2.reshape(1, D))

# --- scband reference (transcript-rebuilt; emitter-appended) ---
"""Pipeline reference for scband-gcn-36996848287791 (READ-ONLY COPY).

The authoritative reference and input builder live on the scoring server;
editing this copy changes nothing except your own understanding.
"""

import jax, jax.numpy as jnp
import numpy as np

N = 10000
E = 320000
D_IN = 128
D_HID = 128
D_OUT = 128


def gcn_norm(edge_index, n):
    # Faithful to SparseTensor-based gcn_norm: row-degree scaling first,
    # then column-degree scaling computed on the already-row-scaled matrix.
    row = edge_index[0]
    col = edge_index[1]
    w = jnp.ones(row.shape[0], dtype=jnp.float32)
    deg = jax.ops.segment_sum(w, row, num_segments=n)
    dinv = jnp.where(deg > 0, deg ** -0.5, 0.0)
    w = w * dinv[row]
    degc = jax.ops.segment_sum(w, col, num_segments=n)
    cinv = jnp.where(degc > 0, degc ** -0.5, 0.0)
    w = w * cinv[col]
    return w


def gcn_conv(x, edge_index, edge_weight, W, b, n):
    # GCNConv(add_self_loops=False, normalize=False): out = A_norm @ (x W) + b
    h = x @ W
    msgs = jnp.take(h, edge_index[1], axis=0) * edge_weight[:, None]
    out = jax.ops.segment_sum(msgs, edge_index[0], num_segments=n)
    return out + b


def setup_inputs(seed: int = 0) -> dict:
    key = jax.random.key(seed)
    k_x, k_e0, k_e1, k_w1, k_b1, k_w2, k_b2 = jax.random.split(key, 7)
    x = jax.random.normal(k_x, (N, D_IN), dtype=jnp.float32)
    edge_index0 = jax.random.randint(k_e0, (2, E), 0, N, dtype=jnp.int64)
    edge_index1 = jax.random.randint(k_e1, (2, E), 0, N, dtype=jnp.int64)
    W1 = jax.random.normal(k_w1, (D_IN, D_HID), dtype=jnp.float32) * (1.0 / np.sqrt(D_IN))
    b1 = jnp.zeros((D_HID,), dtype=jnp.float32)
    W2 = jax.random.normal(k_w2, (D_HID, D_OUT), dtype=jnp.float32) * (1.0 / np.sqrt(D_HID))
    b2 = jnp.zeros((D_OUT,), dtype=jnp.float32)
    return {"x": x, "edge_index0": edge_index0, "edge_index1": edge_index1,
            "W1": W1, "b1": b1, "W2": W2, "b2": b2}


def reference(x, edge_index0, edge_index1, W1, b1, W2, b2):
    # Layer 0 (dropout p=0.0 is identity; skipped at i==0 anyway)
    ew0 = gcn_norm(edge_index0, N)
    h = gcn_conv(x, edge_index0, ew0, W1, b1, N)
    h = jax.nn.relu(h)
    # Layer 1 (dropout p=0.0 -> identity in eval semantics)
    ew1 = gcn_norm(edge_index1, N)
    h = gcn_conv(h, edge_index1, ew1, W2, b2, N)
    h = jax.nn.relu(h)
    return h

if __name__ == "__main__":
    import jax
    _d = setup_inputs()
    print(jax.jit(kernel)(*tuple(_d.values())))

</pallas_src>

<mosaic_0001>
#map = affine_map<(d0, d1) -> (0, 0)>
#map1 = affine_map<(d0, d1) -> (0, 0, 0)>
module attributes {stable_mosaic.version = 14 : i64} {
  func.func @_spmm_kernel(%arg0: i32, %arg1: i32, %arg2: memref<10000x128xf32, #tpu.memory_space<hbm>>, %arg3: memref<2560x128xi32, #tpu.memory_space<hbm>>, %arg4: memref<2560x128xi32, #tpu.memory_space<hbm>>, %arg5: memref<2x10240x128xf32, #tpu.memory_space<hbm>>, %arg6: memref<2x8x128xi32, #tpu.memory_space<vmem>>, %arg7: memref<2x8x128xi32, #tpu.memory_space<vmem>>, %arg8: memref<128x128xf32, #tpu.memory_space<vmem>>, %arg9: memref<128x128xf32, #tpu.memory_space<vmem>>, %arg10: memref<10240x128xf32, #tpu.memory_space<vmem_shared>>, %arg11: memref<!tpu.dma_semaphore, #tpu.memory_space<semaphore_mem>>, %arg12: memref<!tpu.dma_semaphore, #tpu.memory_space<semaphore_mem>>, %arg13: memref<!tpu.dma_semaphore, #tpu.memory_space<semaphore_mem>>) attributes {dimension_semantics = [#tpu.dimension_semantics<core_parallel>, #tpu.dimension_semantics<subcore_parallel>], iteration_bounds = array<i64: 2, 16>, scalar_prefetch = 0 : i64, scratch_operands = 8 : i64, tpu.core_type = #tpu.core_type<sc_vector_subcore>, window_params = [{transform_indices = #map}, {transform_indices = #map}, {transform_indices = #map}, {transform_indices = #map1}]} {
    %mul3A = arith.constant 2 : i32
    %mul3A_0 = arith.muli %arg1, %mul3A : i32
    %add3A = arith.addi %mul3A_0, %arg0 : i32
    %mul3A_1 = arith.constant 640 : i32
    %mul3A_2 = arith.muli %arg1, %mul3A_1 : i32
    %mul3A_3 = arith.constant 80 : i32
    %mul3A_4 = arith.muli %add3A, %mul3A_3 : i32
    %broadcast_in_dim3A = arith.constant 0.000000e+00 : f32
    %broadcast_in_dim3A_5 = vector.broadcast %broadcast_in_dim3A : f32 to vector<16xf32>
    %add3A_6 = arith.constant 0 : i32
    %add3A_7 = arith.addi %mul3A_4, %add3A_6 : i32
    %dma_start3A = arith.constant 0 : i32
    %dma_start3A_8 = arith.constant 0 : i32
    %dma_start3A_9 = arith.constant 0 : i32
    %dma_start3A_10 = tpu.memref_slice %arg6[%dma_start3A, %dma_start3A_8, %dma_start3A_9] : memref<2x8x128xi32, #tpu.memory_space<vmem>> -> memref<1x8x128xi32, #tpu.memory_space<vmem>>
    %dma_start3A_11 = tpu.memref_squeeze %dma_start3A_10 : memref<1x8x128xi32, #tpu.memory_space<vmem>> -> memref<8x128xi32, #tpu.memory_space<vmem>>
    %dma_start3A_12 = arith.constant 0 : i32
    %dma_start3A_13 = tpu.memref_slice %arg3[%add3A_7, %dma_start3A_12] : memref<2560x128xi32, #tpu.memory_space<hbm>> -> memref<8x128xi32, #tpu.memory_space<hbm>>
    %dma_start3A_14 = arith.constant 0 : i32
    %dma_start3A_15 = arith.constant 0 : i32
    %dma_start3A_16 = tpu.memref_slice %arg6[%dma_start3A, %dma_start3A_14, %dma_start3A_15] : memref<2x8x128xi32, #tpu.memory_space<vmem>> -> memref<1x8x128xi32, #tpu.memory_space<vmem>>
    %dma_start3A_17 = tpu.memref_squeeze %dma_start3A_16 : memref<1x8x128xi32, #tpu.memory_space<vmem>> -> memref<8x128xi32, #tpu.memory_space<vmem>>
    %dma_start3A_18 = arith.constant 0 : i32
    %dma_start3A_19 = tpu.memref_slice %arg3[%add3A_7, %dma_start3A_18] : memref<2560x128xi32, #tpu.memory_space<hbm>> -> memref<8x128xi32, #tpu.memory_space<hbm>>
    tpu.enqueue_dma source(%dma_start3A_19 : memref<8x128xi32, #tpu.memory_space<hbm>>) target(%dma_start3A_17 : memref<8x128xi32, #tpu.memory_space<vmem>>) target_semaphore(%arg13 : memref<!tpu.dma_semaphore, #tpu.memory_space<semaphore_mem>>)
    %dma_start3A_20 = arith.constant 0 : i32
    %dma_start3A_21 = arith.constant 0 : i32
    %dma_start3A_22 = arith.constant 0 : i32
    %dma_start3A_23 = tpu.memref_slice %arg7[%dma_start3A_20, %dma_start3A_21, %dma_start3A_22] : memref<2x8x128xi32, #tpu.memory_space<vmem>> -> memref<1x8x128xi32, #tpu.memory_space<vmem>>
    %dma_start3A_24 = tpu.memref_squeeze %dma_start3A_23 : memref<1x8x128xi32, #tpu.memory_space<vmem>> -> memref<8x128xi32, #tpu.memory_space<vmem>>
    %dma_start3A_25 = arith.constant 0 : i32
    %dma_start3A_26 = tpu.memref_slice %arg4[%add3A_7, %dma_start3A_25] : memref<2560x128xi32, #tpu.memory_space<hbm>> -> memref<8x128xi32, #tpu.memory_space<hbm>>
    %dma_start3A_27 = arith.constant 0 : i32
    %dma_start3A_28 = arith.constant 0 : i32
    %dma_start3A_29 = tpu.memref_slice %arg7[%dma_start3A_20, %dma_start3A_27, %dma_start3A_28] : memref<2x8x128xi32, #tpu.memory_space<vmem>> -> memref<1x8x128xi32, #tpu.memory_space<vmem>>
    %dma_start3A_30 = tpu.memref_squeeze %dma_start3A_29 : memref<1x8x128xi32, #tpu.memory_space<vmem>> -> memref<8x128xi32, #tpu.memory_space<vmem>>
    %dma_start3A_31 = arith.constant 0 : i32
    %dma_start3A_32 = tpu.memref_slice %arg4[%add3A_7, %dma_start3A_31] : memref<2560x128xi32, #tpu.memory_space<hbm>> -> memref<8x128xi32, #tpu.memory_space<hbm>>
    tpu.enqueue_dma source(%dma_start3A_32 : memref<8x128xi32, #tpu.memory_space<hbm>>) target(%dma_start3A_30 : memref<8x128xi32, #tpu.memory_space<vmem>>) target_semaphore(%arg13 : memref<!tpu.dma_semaphore, #tpu.memory_space<semaphore_mem>>)
    %scan3A = arith.constant 0 : i32
    %scan3A_33 = arith.constant 0 : i32
    %scan3A_34 = arith.constant 80 : i32
    %scan3A_35 = arith.addi %scan3A_33, %scan3A_34 : i32
    %scan3A_36 = arith.constant 1 : i32
    %scan3A_37 = scf.for %scan3A_54 = %scan3A_33 to %scan3A_35 step %scan3A_36 iter_args(%scan3A_55 = %scan3A) -> (i32)  : i32 {
      %scan3A_56 = arith.constant 0 : i32
      %scan3A_57 = arith.constant 0 : i32
      %scan3A_58 = arith.constant 8 : i32
      %scan3A_59 = arith.addi %scan3A_57, %scan3A_58 : i32
      %scan3A_60 = arith.constant 1 : i32
      %scan3A_61 = scf.for %scan3A_64 = %scan3A_57 to %scan3A_59 step %scan3A_60 iter_args(%scan3A_65 = %scan3A_56) -> (i32)  : i32 {
        %mul3A_66 = arith.constant 16 : i32
        %mul3A_67 = arith.muli %scan3A_64, %mul3A_66 : i32
        %swap3A = arith.index_cast %scan3A_54 : i32 to index
        %swap3A_68 = arith.index_cast %mul3A_67 : i32 to index
        %swap3A_69 = tpu.vector_load %arg8[%swap3A, %swap3A_68] {strides = array<i32>} : memref<128x128xf32, #tpu.memory_space<vmem>>, vector<16xf32>,
        tpu.vector_store %arg8[%swap3A, %swap3A_68], %broadcast_in_dim3A_5 {strides = array<i32>} : memref<128x128xf32, #tpu.memory_space<vmem>>, vector<16xf32>,
        %scan3A_70 = arith.constant 0 : i32
        scf.yield %scan3A_70 : i32
      }
      %scan3A_62 = arith.constant 8 : i32
      %scan3A_63 = arith.constant 0 : i32
      scf.yield %scan3A_63 : i32
    }
    %scan3A_38 = arith.constant 80 : i32
    %scan3A_39 = arith.constant 0 : i32
    %scan3A_40 = arith.constant 0 : i32
    %scan3A_41 = arith.constant 8 : i32
    %scan3A_42 = arith.addi %scan3A_40, %scan3A_41 : i32
    %scan3A_43 = arith.constant 1 : i32
    %scan3A_44 = scf.for %scan3A_54 = %scan3A_40 to %scan3A_42 step %scan3A_43 iter_args(%scan3A_55 = %scan3A_39) -> (i32)  : i32 {
      %mul3A_56 = arith.constant 80 : i32
      %mul3A_57 = arith.muli %scan3A_54, %mul3A_56 : i32
      %add3A_58 = arith.addi %mul3A_2, %mul3A_57 : i32
      "tpu.region"() ({
        %run_scoped3A = tpu.sem_alloc : memref<!tpu.dma_semaphore, #tpu.memory_space<semaphore_mem>>
        %dma_start3A_60 = arith.constant 0 : i32
        %dma_start3A_61 = arith.constant 0 : i32
        %dma_start3A_62 = tpu.memref_slice %arg8[%dma_start3A_60, %dma_start3A_61] : memref<128x128xf32, #tpu.memory_space<vmem>> -> memref<80x128xf32, #tpu.memory_space<vmem>>
        %dma_start3A_63 = arith.constant 0 : i32
        %dma_start3A_64 = tpu.memref_slice %arg10[%add3A_58, %dma_start3A_63] : memref<10240x128xf32, #tpu.memory_space<vmem_shared>> -> memref<80x128xf32, #tpu.memory_space<vmem_shared>>
        %dma_start3A_65 = arith.constant 0 : i32
        %dma_start3A_66 = tpu.memref_slice %arg10[%add3A_58, %dma_start3A_65] : memref<10240x128xf32, #tpu.memory_space<vmem_shared>> -> memref<80x128xf32, #tpu.memory_space<vmem_shared>>
        %dma_start3A_67 = arith.constant 0 : i32
        %dma_start3A_68 = arith.constant 0 : i32
        %dma_start3A_69 = tpu.memref_slice %arg8[%dma_start3A_67, %dma_start3A_68] : memref<128x128xf32, #tpu.memory_space<vmem>> -> memref<80x128xf32, #tpu.memory_space<vmem>>
        tpu.enqueue_dma source(%dma_start3A_69 : memref<80x128xf32, #tpu.memory_space<vmem>>) target(%dma_start3A_66 : memref<80x128xf32, #tpu.memory_space<vmem_shared>>) target_semaphore(%run_scoped3A : memref<!tpu.dma_semaphore, #tpu.memory_space<semaphore_mem>>)
        %dma_wait3A = arith.constant 0 : i32
        %dma_wait3A_70 = arith.constant 0 : i32
        %dma_wait3A_71 = tpu.memref_slice %arg8[%dma_wait3A, %dma_wait3A_70] : memref<128x128xf32, #tpu.memory_space<vmem>> -> memref<80x128xf32, #tpu.memory_space<vmem>>
        %dma_wait3A_72 = arith.constant 0 : i32
        %dma_wait3A_73 = tpu.memref_slice %arg10[%add3A_58, %dma_wait3A_72] : memref<10240x128xf32, #tpu.memory_space<vmem_shared>> -> memref<80x128xf32, #tpu.memory_space<vmem_shared>>
        %dma_wait3A_74 = arith.constant 0 : i32
        %dma_wait3A_75 = tpu.memref_slice %arg10[%add3A_58, %dma_wait3A_74] : memref<10240x128xf32, #tpu.memory_space<vmem_shared>> -> memref<80x128xf32, #tpu.memory_space<vmem_shared>>
        %dma_wait3A_76 = arith.constant 0 : i32
        %dma_wait3A_77 = arith.constant 0 : i32
        %dma_wait3A_78 = tpu.memref_slice %arg8[%dma_wait3A_76, %dma_wait3A_77] : memref<128x128xf32, #tpu.memory_space<vmem>> -> memref<80x128xf32, #tpu.memory_space<vmem>>
        tpu.wait_dma2 semaphore(%run_scoped3A : memref<!tpu.dma_semaphore, #tpu.memory_space<semaphore_mem>>) src(%dma_wait3A_78 : memref<80x128xf32, #tpu.memory_space<vmem>>) dst(%dma_wait3A_75 : memref<80x128xf32, #tpu.memory_space<vmem_shared>>)
        tpu.yield
      }) : () -> ()
      %scan3A_59 = arith.constant 0 : i32
      scf.yield %scan3A_59 : i32
    }
    %scan3A_45 = arith.constant 8 : i32
    %barrier3A = arith.constant 0 : index
    tpu.barrier barrier_id(%barrier3A)
    %scan3A_46 = arith.constant 0 : i32
    %scan3A_47 = arith.constant 0 : i32
    %scan3A_48 = arith.constant 10 : i32
    %scan3A_49 = arith.addi %scan3A_47, %scan3A_48 : i32
    %scan3A_50 = arith.constant 1 : i32
    %scan3A_51 = scf.for %scan3A_54 = %scan3A_47 to %scan3A_49 step %scan3A_50 iter_args(%scan3A_55 = %scan3A_46) -> (i32)  : i32 {
      %rem3A = arith.constant 2 : i32
      %rem3A_56 = arith.remsi %scan3A_54, %rem3A : i32
      %mul3A_57 = arith.constant 8 : i32
      %mul3A_58 = arith.muli %scan3A_54, %mul3A_57 : i32
      %add3A_59 = arith.addi %mul3A_4, %mul3A_58 : i32
      %dma_wait3A = arith.constant 0 : i32
      %dma_wait3A_60 = arith.constant 0 : i32
      %dma_wait3A_61 = tpu.memref_slice %arg6[%rem3A_56, %dma_wait3A, %dma_wait3A_60] : memref<2x8x128xi32, #tpu.memory_space<vmem>> -> memref<1x8x128xi32, #tpu.memory_space<vmem>>
      %dma_wait3A_62 = tpu.memref_squeeze %dma_wait3A_61 : memref<1x8x128xi32, #tpu.memory_space<vmem>> -> memref<8x128xi32, #tpu.memory_space<vmem>>
      %dma_wait3A_63 = arith.constant 0 : i32
      %dma_wait3A_64 = tpu.memref_slice %arg3[%add3A_59, %dma_wait3A_63] : memref<2560x128xi32, #tpu.memory_space<hbm>> -> memref<8x128xi32, #tpu.memory_space<hbm>>
      %dma_wait3A_65 = arith.constant 0 : i32
      %dma_wait3A_66 = arith.constant 0 : i32
      %dma_wait3A_67 = tpu.memref_slice %arg6[%rem3A_56, %dma_wait3A_65, %dma_wait3A_66] : memref<2x8x128xi32, #tpu.memory_space<vmem>> -> memref<1x8x128xi32, #tpu.memory_space<vmem>>
      %dma_wait3A_68 = tpu.memref_squeeze %dma_wait3A_67 : memref<1x8x128xi32, #tpu.memory_space<vmem>> -> memref<8x128xi32, #tpu.memory_space<vmem>>
      %dma_wait3A_69 = arith.constant 0 : i32
      %dma_wait3A_70 = tpu.memref_slice %arg3[%add3A_59, %dma_wait3A_69] : memref<2560x128xi32, #tpu.memory_space<hbm>> -> memref<8x128xi32, #tpu.memory_space<hbm>>
      tpu.wait_dma2 semaphore(%arg13 : memref<!tpu.dma_semaphore, #tpu.memory_space<semaphore_mem>>) src(%dma_wait3A_70 : memref<8x128xi32, #tpu.memory_space<hbm>>) dst(%dma_wait3A_68 : memref<8x128xi32, #tpu.memory_space<vmem>>)
      %dma_wait3A_71 = arith.constant 0 : i32
      %dma_wait3A_72 = arith.constant 0 : i32
      %dma_wait3A_73 = tpu.memref_slice %arg7[%rem3A_56, %dma_wait3A_71, %dma_wait3A_72] : memref<2x8x128xi32, #tpu.memory_space<vmem>> -> memref<1x8x128xi32, #tpu.memory_space<vmem>>
      %dma_wait3A_74 = tpu.memref_squeeze %dma_wait3A_73 : memref<1x8x128xi32, #tpu.memory_space<vmem>> -> memref<8x128xi32, #tpu.memory_space<vmem>>
      %dma_wait3A_75 = arith.constant 0 : i32
      %dma_wait3A_76 = tpu.memref_slice %arg4[%add3A_59, %dma_wait3A_75] : memref<2560x128xi32, #tpu.memory_space<hbm>> -> memref<8x128xi32, #tpu.memory_space<hbm>>
      %dma_wait3A_77 = arith.constant 0 : i32
      %dma_wait3A_78 = arith.constant 0 : i32
      %dma_wait3A_79 = tpu.memref_slice %arg7[%rem3A_56, %dma_wait3A_77, %dma_wait3A_78] : memref<2x8x128xi32, #tpu.memory_space<vmem>> -> memref<1x8x128xi32, #tpu.memory_space<vmem>>
      %dma_wait3A_80 = tpu.memref_squeeze %dma_wait3A_79 : memref<1x8x128xi32, #tpu.memory_space<vmem>> -> memref<8x128xi32, #tpu.memory_space<vmem>>
      %dma_wait3A_81 = arith.constant 0 : i32
      %dma_wait3A_82 = tpu.memref_slice %arg4[%add3A_59, %dma_wait3A_81] : memref<2560x128xi32, #tpu.memory_space<hbm>> -> memref<8x128xi32, #tpu.memory_space<hbm>>
      tpu.wait_dma2 semaphore(%arg13 : memref<!tpu.dma_semaphore, #tpu.memory_space<semaphore_mem>>) src(%dma_wait3A_82 : memref<8x128xi32, #tpu.memory_space<hbm>>) dst(%dma_wait3A_80 : memref<8x128xi32, #tpu.memory_space<vmem>>)
      %add3A_83 = arith.constant 1 : i32
      %add3A_84 = arith.addi %scan3A_54, %add3A_83 : i32
      %lt3A = arith.constant 10 : i32
      %lt3A_85 = arith.cmpi slt, %add3A_84, %lt3A : i32
      %convert_element_type3A = arith.extui %lt3A_85 : i1 to i32
      %cond3A = arith.constant 0 : i32
      %cond3A_86 = arith.cmpi ne, %convert_element_type3A, %cond3A : i32
      scf.if %cond3A_86 {
        %add3A_207 = arith.constant 1 : i32
        %add3A_208 = arith.addi %scan3A_54, %add3A_207 : i32
        %sub3A = arith.constant 1 : i32
        %sub3A_209 = arith.subi %sub3A, %rem3A_56 : i32
        %mul3A_210 = arith.constant 8 : i32
        %mul3A_211 = arith.muli %add3A_208, %mul3A_210 : i32
        %add3A_212 = arith.addi %mul3A_4, %mul3A_211 : i32
        %dma_start3A_213 = arith.constant 0 : i32
        %dma_start3A_214 = arith.constant 0 : i32
        %dma_start3A_215 = tpu.memref_slice %arg6[%sub3A_209, %dma_start3A_213, %dma_start3A_214] : memref<2x8x128xi32, #tpu.memory_space<vmem>> -> memref<1x8x128xi32, #tpu.memory_space<vmem>>
        %dma_start3A_216 = tpu.memref_squeeze %dma_start3A_215 : memref<1x8x128xi32, #tpu.memory_space<vmem>> -> memref<8x128xi32, #tpu.memory_space<vmem>>
        %dma_start3A_217 = arith.constant 0 : i32
        %dma_start3A_218 = tpu.memref_slice %arg3[%add3A_212, %dma_start3A_217] : memref<2560x128xi32, #tpu.memory_space<hbm>> -> memref<8x128xi32, #tpu.memory_space<hbm>>
        %dma_start3A_219 = arith.constant 0 : i32
        %dma_start3A_220 = arith.constant 0 : i32
        %dma_start3A_221 = tpu.memref_slice %arg6[%sub3A_209, %dma_start3A_219, %dma_start3A_220] : memref<2x8x128xi32, #tpu.memory_space<vmem>> -> memref<1x8x128xi32, #tpu.memory_space<vmem>>
        %dma_start3A_222 = tpu.memref_squeeze %dma_start3A_221 : memref<1x8x128xi32, #tpu.memory_space<vmem>> -> memref<8x128xi32, #tpu.memory_space<vmem>>
        %dma_start3A_223 = arith.constant 0 : i32
        %dma_start3A_224 = tpu.memref_slice %arg3[%add3A_212, %dma_start3A_223] : memref<2560x128xi32, #tpu.memory_space<hbm>> -> memref<8x128xi32, #tpu.memory_space<hbm>>
        tpu.enqueue_dma source(%dma_start3A_224 : memref<8x128xi32, #tpu.memory_space<hbm>>) target(%dma_start3A_222 : memref<8x128xi32, #tpu.memory_space<vmem>>) target_semaphore(%arg13 : memref<!tpu.dma_semaphore, #tpu.memory_space<semaphore_mem>>)
        %dma_start3A_225 = arith.constant 0 : i32
        %dma_start3A_226 = arith.constant 0 : i32
        %dma_start3A_227 = tpu.memref_slice %arg7[%sub3A_209, %dma_start3A_225, %dma_start3A_226] : memref<2x8x128xi32, #tpu.memory_space<vmem>> -> memref<1x8x128xi32, #tpu.memory_space<vmem>>
        %dma_start3A_228 = tpu.memref_squeeze %dma_start3A_227 : memref<1x8x128xi32, #tpu.memory_space<vmem>> -> memref<8x128xi32, #tpu.memory_space<vmem>>
        %dma_start3A_229 = arith.constant 0 : i32
        %dma_start3A_230 = tpu.memref_slice %arg4[%add3A_212, %dma_start3A_229] : memref<2560x128xi32, #tpu.memory_space<hbm>> -> memref<8x128xi32, #tpu.memory_space<hbm>>
        %dma_start3A_231 = arith.constant 0 : i32
        %dma_start3A_232 = arith.constant 0 : i32
        %dma_start3A_233 = tpu.memref_slice %arg7[%sub3A_209, %dma_start3A_231, %dma_start3A_232] : memref<2x8x128xi32, #tpu.memory_space<vmem>> -> memref<1x8x128xi32, #tpu.memory_space<vmem>>
        %dma_start3A_234 = tpu.memref_squeeze %dma_start3A_233 : memref<1x8x128xi32, #tpu.memory_space<vmem>> -> memref<8x128xi32, #tpu.memory_space<vmem>>
        %dma_start3A_235 = arith.constant 0 : i32
        %dma_start3A_236 = tpu.memref_slice %arg4[%add3A_212, %dma_start3A_235] : memref<2560x128xi32, #tpu.memory_space<hbm>> -> memref<8x128xi32, #tpu.memory_space<hbm>>
        tpu.enqueue_dma source(%dma_start3A_236 : memref<8x128xi32, #tpu.memory_space<hbm>>) target(%dma_start3A_234 : memref<8x128xi32, #tpu.memory_space<vmem>>) target_semaphore(%arg13 : memref<!tpu.dma_semaphore, #tpu.memory_space<semaphore_mem>>)
      } else {
      }
      %dma_start3A_87 = arith.constant 0 : i32
      %dma_start3A_88 = arith.constant 0 : i32
      %dma_start3A_89 = tpu.memref_slice %arg6[%rem3A_56, %dma_start3A_87, %dma_start3A_88] : memref<2x8x128xi32, #tpu.memory_space<vmem>> -> memref<1x1x128xi32, #tpu.memory_space<vmem>>
      %dma_start3A_90 = tpu.memref_squeeze %dma_start3A_89 : memref<1x1x128xi32, #tpu.memory_space<vmem>> -> memref<128xi32, #tpu.memory_space<vmem>>
      %dma_start3A_91 = arith.constant 0 : i32
      %dma_start3A_92 = arith.constant 0 : i32
      %dma_start3A_93 = tpu.memref_slice %arg2[%dma_start3A_91, %dma_start3A_92] : memref<10000x128xf32, #tpu.memory_space<hbm>> -> memref<10000x128xf32, #tpu.memory_space<hbm>>
      tpu.enqueue_indirect_dma source(%dma_start3A_93 : memref<10000x128xf32, #tpu.memory_space<hbm>>) target(%arg8 : memref<128x128xf32, #tpu.memory_space<vmem>>) offsets(%dma_start3A_90 : memref<128xi32, #tpu.memory_space<vmem>>) semaphore(%arg11 : memref<!tpu.dma_semaphore, #tpu.memory_space<semaphore_mem>>)
      %dma_wait3A_94 = arith.constant 0 : i32
      %dma_wait3A_95 = arith.constant 0 : i32
      %dma_wait3A_96 = tpu.memref_slice %arg6[%rem3A_56, %dma_wait3A_94, %dma_wait3A_95] : memref<2x8x128xi32, #tpu.memory_space<vmem>> -> memref<1x1x128xi32, #tpu.memory_space<vmem>>
      %dma_wait3A_97 = tpu.memref_squeeze %dma_wait3A_96 : memref<1x1x128xi32, #tpu.memory_space<vmem>> -> memref<128xi32, #tpu.memory_space<vmem>>
      %dma_wait3A_98 = arith.constant 0 : i32
      %dma_wait3A_99 = arith.constant 0 : i32
      %dma_wait3A_100 = tpu.memref_slice %arg2[%dma_wait3A_98, %dma_wait3A_99] : memref<10000x128xf32, #tpu.memory_space<hbm>> -> memref<10000x128xf32, #tpu.memory_space<hbm>>
      tpu.wait_indirect_dma semaphore(%arg11 : memref<!tpu.dma_semaphore, #tpu.memory_space<semaphore_mem>>) src(%dma_wait3A_100 : memref<10000x128xf32, #tpu.memory_space<hbm>>) dst(%arg8 : memref<128x128xf32, #tpu.memory_space<vmem>>)
      %dma_start3A_101 = arith.constant 1 : i32
      %dma_start3A_102 = arith.constant 0 : i32
      %dma_start3A_103 = tpu.memref_slice %arg6[%rem3A_56, %dma_start3A_101, %dma_start3A_102] : memref<2x8x128xi32, #tpu.memory_space<vmem>> -> memref<1x1x128xi32, #tpu.memory_space<vmem>>
      %dma_start3A_104 = tpu.memref_squeeze %dma_start3A_103 : memref<1x1x128xi32, #tpu.memory_space<vmem>> -> memref<128xi32, #tpu.memory_space<vmem>>
      %dma_start3A_105 = arith.constant 0 : i32
      %dma_start3A_106 = arith.constant 0 : i32
      %dma_start3A_107 = tpu.memref_slice %arg2[%dma_start3A_105, %dma_start3A_106] : memref<10000x128xf32, #tpu.memory_space<hbm>> -> memref<10000x128xf32, #tpu.memory_space<hbm>>
      tpu.enqueue_indirect_dma source(%dma_start3A_107 : memref<10000x128xf32, #tpu.memory_space<hbm>>) target(%arg9 : memref<128x128xf32, #tpu.memory_space<vmem>>) offsets(%dma_start3A_104 : memref<128xi32, #tpu.memory_space<vmem>>) semaphore(%arg12 : memref<!tpu.dma_semaphore, #tpu.memory_space<semaphore_mem>>)
      %run_scoped3A = arith.constant 0 : i32
      "tpu.region"() ({
        %run_scoped3A_207 = tpu.sem_alloc : memref<!tpu.dma_semaphore, #tpu.memory_space<semaphore_mem>>
        %dma_start3A_208 = arith.constant 0 : i32
        %dma_start3A_209 = tpu.memref_slice %arg7[%rem3A_56, %run_scoped3A, %dma_start3A_208] : memref<2x8x128xi32, #tpu.memory_space<vmem>> -> memref<1x1x128xi32, #tpu.memory_space<vmem>>
        %dma_start3A_210 = tpu.memref_squeeze %dma_start3A_209 : memref<1x1x128xi32, #tpu.memory_space<vmem>> -> memref<128xi32, #tpu.memory_space<vmem>>
        %dma_start3A_211 = arith.constant 0 : i32
        %dma_start3A_212 = arith.constant 0 : i32
        %dma_start3A_213 = tpu.memref_slice %arg10[%dma_start3A_211, %dma_start3A_212] : memref<10240x128xf32, #tpu.memory_space<vmem_shared>> -> memref<10240x128xf32, #tpu.memory_space<vmem_shared>>
        tpu.enqueue_indirect_dma source(%arg8 : memref<128x128xf32, #tpu.memory_space<vmem>>) target(%dma_start3A_213 : memref<10240x128xf32, #tpu.memory_space<vmem_shared>>) offsets(%dma_start3A_210 : memref<128xi32, #tpu.memory_space<vmem>>) semaphore(%run_scoped3A_207 : memref<!tpu.dma_semaphore, #tpu.memory_space<semaphore_mem>>) {add = true}
        %dma_wait3A_214 = arith.constant 0 : i32
        %dma_wait3A_215 = tpu.memref_slice %arg7[%rem3A_56, %run_scoped3A, %dma_wait3A_214] : memref<2x8x128xi32, #tpu.memory_space<vmem>> -> memref<1x1x128xi32, #tpu.memory_space<vmem>>
        %dma_wait3A_216 = tpu.memref_squeeze %dma_wait3A_215 : memref<1x1x128xi32, #tpu.memory_space<vmem>> -> memref<128xi32, #tpu.memory_space<vmem>>
        %dma_wait3A_217 = arith.constant 0 : i32
        %dma_wait3A_218 = arith.constant 0 : i32
        %dma_wait3A_219 = tpu.memref_slice %arg10[%dma_wait3A_217, %dma_wait3A_218] : memref<10240x128xf32, #tpu.memory_space<vmem_shared>> -> memref<10240x128xf32, #tpu.memory_space<vmem_shared>>
        tpu.wait_indirect_dma semaphore(%run_scoped3A_207 : memref<!tpu.dma_semaphore, #tpu.memory_space<semaphore_mem>>) src(%arg8 : memref<128x128xf32, #tpu.memory_space<vmem>>) dst(%dma_wait3A_219 : memref<10240x128xf32, #tpu.memory_space<vmem_shared>>)
        tpu.yield
      }) : () -> ()
      %dma_wait3A_108 = arith.constant 1 : i32
      %dma_wait3A_109 = arith.constant 0 : i32
      %dma_wait3A_110 = tpu.memref_slice %arg6[%rem3A_56, %dma_wait3A_108, %dma_wait3A_109] : memref<2x8x128xi32, #tpu.memory_space<vmem>> -> memref<1x1x128xi32, #tpu.memory_space<vmem>>
      %dma_wait3A_111 = tpu.memref_squeeze %dma_wait3A_110 : memref<1x1x128xi32, #tpu.memory_space<vmem>> -> memref<128xi32, #tpu.memory_space<vmem>>
      %dma_wait3A_112 = arith.constant 0 : i32
      %dma_wait3A_113 = arith.constant 0 : i32
      %dma_wait3A_114 = tpu.memref_slice %arg2[%dma_wait3A_112, %dma_wait3A_113] : memref<10000x128xf32, #tpu.memory_space<hbm>> -> memref<10000x128xf32, #tpu.memory_space<hbm>>
      tpu.wait_indirect_dma semaphore(%arg12 : memref<!tpu.dma_semaphore, #tpu.memory_space<semaphore_mem>>) src(%dma_wait3A_114 : memref<10000x128xf32, #tpu.memory_space<hbm>>) dst(%arg9 : memref<128x128xf32, #tpu.memory_space<vmem>>)
      %dma_start3A_115 = arith.constant 2 : i32
      %dma_start3A_116 = arith.constant 0 : i32
      %dma_start3A_117 = tpu.memref_slice %arg6[%rem3A_56, %dma_start3A_115, %dma_start3A_116] : memref<2x8x128xi32, #tpu.memory_space<vmem>> -> memref<1x1x128xi32, #tpu.memory_space<vmem>>
      %dma_start3A_118 = tpu.memref_squeeze %dma_start3A_117 : memref<1x1x128xi32, #tpu.memory_space<vmem>> -> memref<128xi32, #tpu.memory_space<vmem>>
      %dma_start3A_119 = arith.constant 0 : i32
      %dma_start3A_120 = arith.constant 0 : i32
      %dma_start3A_121 = tpu.memref_slice %arg2[%dma_start3A_119, %dma_start3A_120] : memref<10000x128xf32, #tpu.memory_space<hbm>> -> memref<10000x128xf32, #tpu.memory_space<hbm>>
      tpu.enqueue_indirect_dma source(%dma_start3A_121 : memref<10000x128xf32, #tpu.memory_space<hbm>>) target(%arg8 : memref<128x128xf32, #tpu.memory_space<vmem>>) offsets(%dma_start3A_118 : memref<128xi32, #tpu.memory_space<vmem>>) semaphore(%arg11 : memref<!tpu.dma_semaphore, #tpu.memory_space<semaphore_mem>>)
      %run_scoped3A_122 = arith.constant 1 : i32
      "tpu.region"() ({
        %run_scoped3A_207 = tpu.sem_alloc : memref<!tpu.dma_semaphore, #tpu.memory_space<semaphore_mem>>
        %dma_start3A_208 = arith.constant 0 : i32
        %dma_start3A_209 = tpu.memref_slice %arg7[%rem3A_56, %run_scoped3A_122, %dma_start3A_208] : memref<2x8x128xi32, #tpu.memory_space<vmem>> -> memref<1x1x128xi32, #tpu.memory_space<vmem>>
        %dma_start3A_210 = tpu.memref_squeeze %dma_start3A_209 : memref<1x1x128xi32, #tpu.memory_space<vmem>> -> memref<128xi32, #tpu.memory_space<vmem>>
        %dma_start3A_211 = arith.constant 0 : i32
        %dma_start3A_212 = arith.constant 0 : i32
        %dma_start3A_213 = tpu.memref_slice %arg10[%dma_start3A_211, %dma_start3A_212] : memref<10240x128xf32, #tpu.memory_space<vmem_shared>> -> memref<10240x128xf32, #tpu.memory_space<vmem_shared>>
        tpu.enqueue_indirect_dma source(%arg9 : memref<128x128xf32, #tpu.memory_space<vmem>>) target(%dma_start3A_213 : memref<10240x128xf32, #tpu.memory_space<vmem_shared>>) offsets(%dma_start3A_210 : memref<128xi32, #tpu.memory_space<vmem>>) semaphore(%run_scoped3A_207 : memref<!tpu.dma_semaphore, #tpu.memory_space<semaphore_mem>>) {add = true}
        %dma_wait3A_214 = arith.constant 0 : i32
        %dma_wait3A_215 = tpu.memref_slice %arg7[%rem3A_56, %run_scoped3A_122, %dma_wait3A_214] : memref<2x8x128xi32, #tpu.memory_space<vmem>> -> memref<1x1x128xi32, #tpu.memory_space<vmem>>
        %dma_wait3A_216 = tpu.memref_squeeze %dma_wait3A_215 : memref<1x1x128xi32, #tpu.memory_space<vmem>> -> memref<128xi32, #tpu.memory_space<vmem>>
        %dma_wait3A_217 = arith.constant 0 : i32
        %dma_wait3A_218 = arith.constant 0 : i32
        %dma_wait3A_219 = tpu.memref_slice %arg10[%dma_wait3A_217, %dma_wait3A_218] : memref<10240x128xf32, #tpu.memory_space<vmem_shared>> -> memref<10240x128xf32, #tpu.memory_space<vmem_shared>>
        tpu.wait_indirect_dma semaphore(%run_scoped3A_207 : memref<!tpu.dma_semaphore, #tpu.memory_space<semaphore_mem>>) src(%arg9 : memref<128x128xf32, #tpu.memory_space<vmem>>) dst(%dma_wait3A_219 : memref<10240x128xf32, #tpu.memory_space<vmem_shared>>)
        tpu.yield
      }) : () -> ()
      %dma_wait3A_123 = arith.constant 2 : i32
      %dma_wait3A_124 = arith.constant 0 : i32
      %dma_wait3A_125 = tpu.memref_slice %arg6[%rem3A_56, %dma_wait3A_123, %dma_wait3A_124] : memref<2x8x128xi32, #tpu.memory_space<vmem>> -> memref<1x1x128xi32, #tpu.memory_space<vmem>>
      %dma_wait3A_126 = tpu.memref_squeeze %dma_wait3A_125 : memref<1x1x128xi32, #tpu.memory_space<vmem>> -> memref<128xi32, #tpu.memory_space<vmem>>
      %dma_wait3A_127 = arith.constant 0 : i32
      %dma_wait3A_128 = arith.constant 0 : i32
      %dma_wait3A_129 = tpu.memref_slice %arg2[%dma_wait3A_127, %dma_wait3A_128] : memref<10000x128xf32, #tpu.memory_space<hbm>> -> memref<10000x128xf32, #tpu.memory_space<hbm>>
      tpu.wait_indirect_dma semaphore(%arg11 : memref<!tpu.dma_semaphore, #tpu.memory_space<semaphore_mem>>) src(%dma_wait3A_129 : memref<10000x128xf32, #tpu.memory_space<hbm>>) dst(%arg8 : memref<128x128xf32, #tpu.memory_space<vmem>>)
      %dma_start3A_130 = arith.constant 3 : i32
      %dma_start3A_131 = arith.constant 0 : i32
      %dma_start3A_132 = tpu.memref_slice %arg6[%rem3A_56, %dma_start3A_130, %dma_start3A_131] : memref<2x8x128xi32, #tpu.memory_space<vmem>> -> memref<1x1x128xi32, #tpu.memory_space<vmem>>
      %dma_start3A_133 = tpu.memref_squeeze %dma_start3A_132 : memref<1x1x128xi32, #tpu.memory_space<vmem>> -> memref<128xi32, #tpu.memory_space<vmem>>
      %dma_start3A_134 = arith.constant 0 : i32
      %dma_start3A_135 = arith.constant 0 : i32
      %dma_start3A_136 = tpu.memref_slice %arg2[%dma_start3A_134, %dma_start3A_135] : memref<10000x128xf32, #tpu.memory_space<hbm>> -> memref<10000x128xf32, #tpu.memory_space<hbm>>
      tpu.enqueue_indirect_dma source(%dma_start3A_136 : memref<10000x128xf32, #tpu.memory_space<hbm>>) target(%arg9 : memref<128x128xf32, #tpu.memory_space<vmem>>) offsets(%dma_start3A_133 : memref<128xi32, #tpu.memory_space<vmem>>) semaphore(%arg12 : memref<!tpu.dma_semaphore, #tpu.memory_space<semaphore_mem>>)
      %run_scoped3A_137 = arith.constant 2 : i32
      "tpu.region"() ({
        %run_scoped3A_207 = tpu.sem_alloc : memref<!tpu.dma_semaphore, #tpu.memory_space<semaphore_mem>>
        %dma_start3A_208 = arith.constant 0 : i32
        %dma_start3A_209 = tpu.memref_slice %arg7[%rem3A_56, %run_scoped3A_137, %dma_start3A_208] : memref<2x8x128xi32, #tpu.memory_space<vmem>> -> memref<1x1x128xi32, #tpu.memory_space<vmem>>
        %dma_start3A_210 = tpu.memref_squeeze %dma_start3A_209 : memref<1x1x128xi32, #tpu.memory_space<vmem>> -> memref<128xi32, #tpu.memory_space<vmem>>
        %dma_start3A_211 = arith.constant 0 : i32
        %dma_start3A_212 = arith.constant 0 : i32
        %dma_start3A_213 = tpu.memref_slice %arg10[%dma_start3A_211, %dma_start3A_212] : memref<10240x128xf32, #tpu.memory_space<vmem_shared>> -> memref<10240x128xf32, #tpu.memory_space<vmem_shared>>
        tpu.enqueue_indirect_dma source(%arg8 : memref<128x128xf32, #tpu.memory_space<vmem>>) target(%dma_start3A_213 : memref<10240x128xf32, #tpu.memory_space<vmem_shared>>) offsets(%dma_start3A_210 : memref<128xi32, #tpu.memory_space<vmem>>) semaphore(%run_scoped3A_207 : memref<!tpu.dma_semaphore, #tpu.memory_space<semaphore_mem>>) {add = true}
        %dma_wait3A_214 = arith.constant 0 : i32
        %dma_wait3A_215 = tpu.memref_slice %arg7[%rem3A_56, %run_scoped3A_137, %dma_wait3A_214] : memref<2x8x128xi32, #tpu.memory_space<vmem>> -> memref<1x1x128xi32, #tpu.memory_space<vmem>>
        %dma_wait3A_216 = tpu.memref_squeeze %dma_wait3A_215 : memref<1x1x128xi32, #tpu.memory_space<vmem>> -> memref<128xi32, #tpu.memory_space<vmem>>
        %dma_wait3A_217 = arith.constant 0 : i32
        %dma_wait3A_218 = arith.constant 0 : i32
        %dma_wait3A_219 = tpu.memref_slice %arg10[%dma_wait3A_217, %dma_wait3A_218] : memref<10240x128xf32, #tpu.memory_space<vmem_shared>> -> memref<10240x128xf32, #tpu.memory_space<vmem_shared>>
        tpu.wait_indirect_dma semaphore(%run_scoped3A_207 : memref<!tpu.dma_semaphore, #tpu.memory_space<semaphore_mem>>) src(%arg8 : memref<128x128xf32, #tpu.memory_space<vmem>>) dst(%dma_wait3A_219 : memref<10240x128xf32, #tpu.memory_space<vmem_shared>>)
        tpu.yield
      }) : () -> ()
      %dma_wait3A_138 = arith.constant 3 : i32
      %dma_wait3A_139 = arith.constant 0 : i32
      %dma_wait3A_140 = tpu.memref_slice %arg6[%rem3A_56, %dma_wait3A_138, %dma_wait3A_139] : memref<2x8x128xi32, #tpu.memory_space<vmem>> -> memref<1x1x128xi32, #tpu.memory_space<vmem>>
      %dma_wait3A_141 = tpu.memref_squeeze %dma_wait3A_140 : memref<1x1x128xi32, #tpu.memory_space<vmem>> -> memref<128xi32, #tpu.memory_space<vmem>>
      %dma_wait3A_142 = arith.constant 0 : i32
      %dma_wait3A_143 = arith.constant 0 : i32
      %dma_wait3A_144 = tpu.memref_slice %arg2[%dma_wait3A_142, %dma_wait3A_143] : memref<10000x128xf32, #tpu.memory_space<hbm>> -> memref<10000x128xf32, #tpu.memory_space<hbm>>
      tpu.wait_indirect_dma semaphore(%arg12 : memref<!tpu.dma_semaphore, #tpu.memory_space<semaphore_mem>>) src(%dma_wait3A_144 : memref<10000x128xf32, #tpu.memory_space<hbm>>) dst(%arg9 : memref<128x128xf32, #tpu.memory_space<vmem>>)
      %dma_start3A_145 = arith.constant 4 : i32
      %dma_start3A_146 = arith.constant 0 : i32
      %dma_start3A_147 = tpu.memref_slice %arg6[%rem3A_56, %dma_start3A_145, %dma_start3A_146] : memref<2x8x128xi32, #tpu.memory_space<vmem>> -> memref<1x1x128xi32, #tpu.memory_space<vmem>>
      %dma_start3A_148 = tpu.memref_squeeze %dma_start3A_147 : memref<1x1x128xi32, #tpu.memory_space<vmem>> -> memref<128xi32, #tpu.memory_space<vmem>>
      %dma_start3A_149 = arith.constant 0 : i32
      %dma_start3A_150 = arith.constant 0 : i32
      %dma_start3A_151 = tpu.memref_slice %arg2[%dma_start3A_149, %dma_start3A_150] : memref<10000x128xf32, #tpu.memory_space<hbm>> -> memref<10000x128xf32, #tpu.memory_space<hbm>>
      tpu.enqueue_indirect_dma source(%dma_start3A_151 : memref<10000x128xf32, #tpu.memory_space<hbm>>) target(%arg8 : memref<128x128xf32, #tpu.memory_space<vmem>>) offsets(%dma_start3A_148 : memref<128xi32, #tpu.memory_space<vmem>>) semaphore(%arg11 : memref<!tpu.dma_semaphore, #tpu.memory_space<semaphore_mem>>)
      %run_scoped3A_152 = arith.constant 3 : i32
      "tpu.region"() ({
        %run_scoped3A_207 = tpu.sem_alloc : memref<!tpu.dma_semaphore, #tpu.memory_space<semaphore_mem>>
        %dma_start3A_208 = arith.constant 0 : i32
        %dma_start3A_209 = tpu.memref_slice %arg7[%rem3A_56, %run_scoped3A_152, %dma_start3A_208] : memref<2x8x128xi32, #tpu.memory_space<vmem>> -> memref<1x1x128xi32, #tpu.memory_space<vmem>>
        %dma_start3A_210 = tpu.memref_squeeze %dma_start3A_209 : memref<1x1x128xi32, #tpu.memory_space<vmem>> -> memref<128xi32, #tpu.memory_space<vmem>>
        %dma_start3A_211 = arith.constant 0 : i32
        %dma_start3A_212 = arith.constant 0 : i32
        %dma_start3A_213 = tpu.memref_slice %arg10[%dma_start3A_211, %dma_start3A_212] : memref<10240x128xf32, #tpu.memory_space<vmem_shared>> -> memref<10240x128xf32, #tpu.memory_space<vmem_shared>>
        tpu.enqueue_indirect_dma source(%arg9 : memref<128x128xf32, #tpu.memory_space<vmem>>) target(%dma_start3A_213 : memref<10240x128xf32, #tpu.memory_space<vmem_shared>>) offsets(%dma_start3A_210 : memref<128xi32, #tpu.memory_space<vmem>>) semaphore(%run_scoped3A_207 : memref<!tpu.dma_semaphore, #tpu.memory_space<semaphore_mem>>) {add = true}
        %dma_wait3A_214 = arith.constant 0 : i32
        %dma_wait3A_215 = tpu.memref_slice %arg7[%rem3A_56, %run_scoped3A_152, %dma_wait3A_214] : memref<2x8x128xi32, #tpu.memory_space<vmem>> -> memref<1x1x128xi32, #tpu.memory_space<vmem>>
        %dma_wait3A_216 = tpu.memref_squeeze %dma_wait3A_215 : memref<1x1x128xi32, #tpu.memory_space<vmem>> -> memref<128xi32, #tpu.memory_space<vmem>>
        %dma_wait3A_217 = arith.constant 0 : i32
        %dma_wait3A_218 = arith.constant 0 : i32
        %dma_wait3A_219 = tpu.memref_slice %arg10[%dma_wait3A_217, %dma_wait3A_218] : memref<10240x128xf32, #tpu.memory_space<vmem_shared>> -> memref<10240x128xf32, #tpu.memory_space<vmem_shared>>
        tpu.wait_indirect_dma semaphore(%run_scoped3A_207 : memref<!tpu.dma_semaphore, #tpu.memory_space<semaphore_mem>>) src(%arg9 : memref<128x128xf32, #tpu.memory_space<vmem>>) dst(%dma_wait3A_219 : memref<10240x128xf32, #tpu.memory_space<vmem_shared>>)
        tpu.yield
      }) : () -> ()
      %dma_wait3A_153 = arith.constant 4 : i32
      %dma_wait3A_154 = arith.constant 0 : i32
      %dma_wait3A_155 = tpu.memref_slice %arg6[%rem3A_56, %dma_wait3A_153, %dma_wait3A_154] : memref<2x8x128xi32, #tpu.memory_space<vmem>> -> memref<1x1x128xi32, #tpu.memory_space<vmem>>
      %dma_wait3A_156 = tpu.memref_squeeze %dma_wait3A_155 : memref<1x1x128xi32, #tpu.memory_space<vmem>> -> memref<128xi32, #tpu.memory_space<vmem>>
      %dma_wait3A_157 = arith.constant 0 : i32
      %dma_wait3A_158 = arith.constant 0 : i32
      %dma_wait3A_159 = tpu.memref_slice %arg2[%dma_wait3A_157, %dma_wait3A_158] : memref<10000x128xf32, #tpu.memory_space<hbm>> -> memref<10000x128xf32, #tpu.memory_space<hbm>>
      tpu.wait_indirect_dma semaphore(%arg11 : memref<!tpu.dma_semaphore, #tpu.memory_space<semaphore_mem>>) src(%dma_wait3A_159 : memref<10000x128xf32, #tpu.memory_space<hbm>>) dst(%arg8 : memref<128x128xf32, #tpu.memory_space<vmem>>)
      %dma_start3A_160 = arith.constant 5 : i32
      %dma_start3A_161 = arith.constant 0 : i32
      %dma_start3A_162 = tpu.memref_slice %arg6[%rem3A_56, %dma_start3A_160, %dma_start3A_161] : memref<2x8x128xi32, #tpu.memory_space<vmem>> -> memref<1x1x128xi32, #tpu.memory_space<vmem>>
      %dma_start3A_163 = tpu.memref_squeeze %dma_start3A_162 : memref<1x1x128xi32, #tpu.memory_space<vmem>> -> memref<128xi32, #tpu.memory_space<vmem>>
      %dma_start3A_164 = arith.constant 0 : i32
      %dma_start3A_165 = arith.constant 0 : i32
      %dma_start3A_166 = tpu.memref_slice %arg2[%dma_start3A_164, %dma_start3A_165] : memref<10000x128xf32, #tpu.memory_space<hbm>> -> memref<10000x128xf32, #tpu.memory_space<hbm>>
      tpu.enqueue_indirect_dma source(%dma_start3A_166 : memref<10000x128xf32, #tpu.memory_space<hbm>>) target(%arg9 : memref<128x128xf32, #tpu.memory_space<vmem>>) offsets(%dma_start3A_163 : memref<128xi32, #tpu.memory_space<vmem>>) semaphore(%arg12 : memref<!tpu.dma_semaphore, #tpu.memory_space<semaphore_mem>>)
      %run_scoped3A_167 = arith.constant 4 : i32
      "tpu.region"() ({
        %run_scoped3A_207 = tpu.sem_alloc : memref<!tpu.dma_semaphore, #tpu.memory_space<semaphore_mem>>
        %dma_start3A_208 = arith.constant 0 : i32
        %dma_start3A_209 = tpu.memref_slice %arg7[%rem3A_56, %run_scoped3A_167, %dma_start3A_208] : memref<2x8x128xi32, #tpu.memory_space<vmem>> -> memref<1x1x128xi32, #tpu.memory_space<vmem>>
        %dma_start3A_210 = tpu.memref_squeeze %dma_start3A_209 : memref<1x1x128xi32, #tpu.memory_space<vmem>> -> memref<128xi32, #tpu.memory_space<vmem>>
        %dma_start3A_211 = arith.constant 0 : i32
        %dma_start3A_212 = arith.constant 0 : i32
        %dma_start3A_213 = tpu.memref_slice %arg10[%dma_start3A_211, %dma_start3A_212] : memref<10240x128xf32, #tpu.memory_space<vmem_shared>> -> memref<10240x128xf32, #tpu.memory_space<vmem_shared>>
        tpu.enqueue_indirect_dma source(%arg8 : memref<128x128xf32, #tpu.memory_space<vmem>>) target(%dma_start3A_213 : memref<10240x128xf32, #tpu.memory_space<vmem_shared>>) offsets(%dma_start3A_210 : memref<128xi32, #tpu.memory_space<vmem>>) semaphore(%run_scoped3A_207 : memref<!tpu.dma_semaphore, #tpu.memory_space<semaphore_mem>>) {add = true}
        %dma_wait3A_214 = arith.constant 0 : i32
        %dma_wait3A_215 = tpu.memref_slice %arg7[%rem3A_56, %run_scoped3A_167, %dma_wait3A_214] : memref<2x8x128xi32, #tpu.memory_space<vmem>> -> memref<1x1x128xi32, #tpu.memory_space<vmem>>
        %dma_wait3A_216 = tpu.memref_squeeze %dma_wait3A_215 : memref<1x1x128xi32, #tpu.memory_space<vmem>> -> memref<128xi32, #tpu.memory_space<vmem>>
        %dma_wait3A_217 = arith.constant 0 : i32
        %dma_wait3A_218 = arith.constant 0 : i32
        %dma_wait3A_219 = tpu.memref_slice %arg10[%dma_wait3A_217, %dma_wait3A_218] : memref<10240x128xf32, #tpu.memory_space<vmem_shared>> -> memref<10240x128xf32, #tpu.memory_space<vmem_shared>>
        tpu.wait_indirect_dma semaphore(%run_scoped3A_207 : memref<!tpu.dma_semaphore, #tpu.memory_space<semaphore_mem>>) src(%arg8 : memref<128x128xf32, #tpu.memory_space<vmem>>) dst(%dma_wait3A_219 : memref<10240x128xf32, #tpu.memory_space<vmem_shared>>)
        tpu.yield
      }) : () -> ()
      %dma_wait3A_168 = arith.constant 5 : i32
      %dma_wait3A_169 = arith.constant 0 : i32
      %dma_wait3A_170 = tpu.memref_slice %arg6[%rem3A_56, %dma_wait3A_168, %dma_wait3A_169] : memref<2x8x128xi32, #tpu.memory_space<vmem>> -> memref<1x1x128xi32, #tpu.memory_space<vmem>>
      %dma_wait3A_171 = tpu.memref_squeeze %dma_wait3A_170 : memref<1x1x128xi32, #tpu.memory_space<vmem>> -> memref<128xi32, #tpu.memory_space<vmem>>
      %dma_wait3A_172 = arith.constant 0 : i32
      %dma_wait3A_173 = arith.constant 0 : i32
      %dma_wait3A_174 = tpu.memref_slice %arg2[%dma_wait3A_172, %dma_wait3A_173] : memref<10000x128xf32, #tpu.memory_space<hbm>> -> memref<10000x128xf32, #tpu.memory_space<hbm>>
      tpu.wait_indirect_dma semaphore(%arg12 : memref<!tpu.dma_semaphore, #tpu.memory_space<semaphore_mem>>) src(%dma_wait3A_174 : memref<10000x128xf32, #tpu.memory_space<hbm>>) dst(%arg9 : memref<128x128xf32, #tpu.memory_space<vmem>>)
      %dma_start3A_175 = arith.constant 6 : i32
      %dma_start3A_176 = arith.constant 0 : i32
      %dma_start3A_177 = tpu.memref_slice %arg6[%rem3A_56, %dma_start3A_175, %dma_start3A_176] : memref<2x8x128xi32, #tpu.memory_space<vmem>> -> memref<1x1x128xi32, #tpu.memory_space<vmem>>
      %dma_start3A_178 = tpu.memref_squeeze %dma_start3A_177 : memref<1x1x128xi32, #tpu.memory_space<vmem>> -> memref<128xi32, #tpu.memory_space<vmem>>
      %dma_start3A_179 = arith.constant 0 : i32
      %dma_start3A_180 = arith.constant 0 : i32
      %dma_start3A_181 = tpu.memref_slice %arg2[%dma_start3A_179, %dma_start3A_180] : memref<10000x128xf32, #tpu.memory_space<hbm>> -> memref<10000x128xf32, #tpu.memory_space<hbm>>
      tpu.enqueue_indirect_dma source(%dma_start3A_181 : memref<10000x128xf32, #tpu.memory_space<hbm>>) target(%arg8 : memref<128x128xf32, #tpu.memory_space<vmem>>) offsets(%dma_start3A_178 : memref<128xi32, #tpu.memory_space<vmem>>) semaphore(%arg11 : memref<!tpu.dma_semaphore, #tpu.memory_space<semaphore_mem>>)
      %run_scoped3A_182 = arith.constant 5 : i32
      "tpu.region"() ({
        %run_scoped3A_207 = tpu.sem_alloc : memref<!tpu.dma_semaphore, #tpu.memory_space<semaphore_mem>>
        %dma_start3A_208 = arith.constant 0 : i32
        %dma_start3A_209 = tpu.memref_slice %arg7[%rem3A_56, %run_scoped3A_182, %dma_start3A_208] : memref<2x8x128xi32, #tpu.memory_space<vmem>> -> memref<1x1x128xi32, #tpu.memory_space<vmem>>
        %dma_start3A_210 = tpu.memref_squeeze %dma_start3A_209 : memref<1x1x128xi32, #tpu.memory_space<vmem>> -> memref<128xi32, #tpu.memory_space<vmem>>
        %dma_start3A_211 = arith.constant 0 : i32
        %dma_start3A_212 = arith.constant 0 : i32
        %dma_start3A_213 = tpu.memref_slice %arg10[%dma_start3A_211, %dma_start3A_212] : memref<10240x128xf32, #tpu.memory_space<vmem_shared>> -> memref<10240x128xf32, #tpu.memory_space<vmem_shared>>
        tpu.enqueue_indirect_dma source(%arg9 : memref<128x128xf32, #tpu.memory_space<vmem>>) target(%dma_start3A_213 : memref<10240x128xf32, #tpu.memory_space<vmem_shared>>) offsets(%dma_start3A_210 : memref<128xi32, #tpu.memory_space<vmem>>) semaphore(%run_scoped3A_207 : memref<!tpu.dma_semaphore, #tpu.memory_space<semaphore_mem>>) {add = true}
        %dma_wait3A_214 = arith.constant 0 : i32
        %dma_wait3A_215 = tpu.memref_slice %arg7[%rem3A_56, %run_scoped3A_182, %dma_wait3A_214] : memref<2x8x128xi32, #tpu.memory_space<vmem>> -> memref<1x1x128xi32, #tpu.memory_space<vmem>>
        %dma_wait3A_216 = tpu.memref_squeeze %dma_wait3A_215 : memref<1x1x128xi32, #tpu.memory_space<vmem>> -> memref<128xi32, #tpu.memory_space<vmem>>
        %dma_wait3A_217 = arith.constant 0 : i32
        %dma_wait3A_218 = arith.constant 0 : i32
        %dma_wait3A_219 = tpu.memref_slice %arg10[%dma_wait3A_217, %dma_wait3A_218] : memref<10240x128xf32, #tpu.memory_space<vmem_shared>> -> memref<10240x128xf32, #tpu.memory_space<vmem_shared>>
        tpu.wait_indirect_dma semaphore(%run_scoped3A_207 : memref<!tpu.dma_semaphore, #tpu.memory_space<semaphore_mem>>) src(%arg9 : memref<128x128xf32, #tpu.memory_space<vmem>>) dst(%dma_wait3A_219 : memref<10240x128xf32, #tpu.memory_space<vmem_shared>>)
        tpu.yield
      }) : () -> ()
      %dma_wait3A_183 = arith.constant 6 : i32
      %dma_wait3A_184 = arith.constant 0 : i32
      %dma_wait3A_185 = tpu.memref_slice %arg6[%rem3A_56, %dma_wait3A_183, %dma_wait3A_184] : memref<2x8x128xi32, #tpu.memory_space<vmem>> -> memref<1x1x128xi32, #tpu.memory_space<vmem>>
      %dma_wait3A_186 = tpu.memref_squeeze %dma_wait3A_185 : memref<1x1x128xi32, #tpu.memory_space<vmem>> -> memref<128xi32, #tpu.memory_space<vmem>>
      %dma_wait3A_187 = arith.constant 0 : i32
      %dma_wait3A_188 = arith.constant 0 : i32
      %dma_wait3A_189 = tpu.memref_slice %arg2[%dma_wait3A_187, %dma_wait3A_188] : memref<10000x128xf32, #tpu.memory_space<hbm>> -> memref<10000x128xf32, #tpu.memory_space<hbm>>
      tpu.wait_indirect_dma semaphore(%arg11 : memref<!tpu.dma_semaphore, #tpu.memory_space<semaphore_mem>>) src(%dma_wait3A_189 : memref<10000x128xf32, #tpu.memory_space<hbm>>) dst(%arg8 : memref<128x128xf32, #tpu.memory_space<vmem>>)
      %dma_start3A_190 = arith.constant 7 : i32
      %dma_start3A_191 = arith.constant 0 : i32
      %dma_start3A_192 = tpu.memref_slice %arg6[%rem3A_56, %dma_start3A_190, %dma_start3A_191] : memref<2x8x128xi32, #tpu.memory_space<vmem>> -> memref<1x1x128xi32, #tpu.memory_space<vmem>>
      %dma_start3A_193 = tpu.memref_squeeze %dma_start3A_192 : memref<1x1x128xi32, #tpu.memory_space<vmem>> -> memref<128xi32, #tpu.memory_space<vmem>>
      %dma_start3A_194 = arith.constant 0 : i32
      %dma_start3A_195 = arith.constant 0 : i32
      %dma_start3A_196 = tpu.memref_slice %arg2[%dma_start3A_194, %dma_start3A_195] : memref<10000x128xf32, #tpu.memory_space<hbm>> -> memref<10000x128xf32, #tpu.memory_space<hbm>>
      tpu.enqueue_indirect_dma source(%dma_start3A_196 : memref<10000x128xf32, #tpu.memory_space<hbm>>) target(%arg9 : memref<128x128xf32, #tpu.memory_space<vmem>>) offsets(%dma_start3A_193 : memref<128xi32, #tpu.memory_space<vmem>>) semaphore(%arg12 : memref<!tpu.dma_semaphore, #tpu.memory_space<semaphore_mem>>)
      %run_scoped3A_197 = arith.constant 6 : i32
      "tpu.region"() ({
        %run_scoped3A_207 = tpu.sem_alloc : memref<!tpu.dma_semaphore, #tpu.memory_space<semaphore_mem>>
        %dma_start3A_208 = arith.constant 0 : i32
        %dma_start3A_209 = tpu.memref_slice %arg7[%rem3A_56, %run_scoped3A_197, %dma_start3A_208] : memref<2x8x128xi32, #tpu.memory_space<vmem>> -> memref<1x1x128xi32, #tpu.memory_space<vmem>>
        %dma_start3A_210 = tpu.memref_squeeze %dma_start3A_209 : memref<1x1x128xi32, #tpu.memory_space<vmem>> -> memref<128xi32, #tpu.memory_space<vmem>>
        %dma_start3A_211 = arith.constant 0 : i32
        %dma_start3A_212 = arith.constant 0 : i32
        %dma_start3A_213 = tpu.memref_slice %arg10[%dma_start3A_211, %dma_start3A_212] : memref<10240x128xf32, #tpu.memory_space<vmem_shared>> -> memref<10240x128xf32, #tpu.memory_space<vmem_shared>>
        tpu.enqueue_indirect_dma source(%arg8 : memref<128x128xf32, #tpu.memory_space<vmem>>) target(%dma_start3A_213 : memref<10240x128xf32, #tpu.memory_space<vmem_shared>>) offsets(%dma_start3A_210 : memref<128xi32, #tpu.memory_space<vmem>>) semaphore(%run_scoped3A_207 : memref<!tpu.dma_semaphore, #tpu.memory_space<semaphore_mem>>) {add = true}
        %dma_wait3A_214 = arith.constant 0 : i32
        %dma_wait3A_215 = tpu.memref_slice %arg7[%rem3A_56, %run_scoped3A_197, %dma_wait3A_214] : memref<2x8x128xi32, #tpu.memory_space<vmem>> -> memref<1x1x128xi32, #tpu.memory_space<vmem>>
        %dma_wait3A_216 = tpu.memref_squeeze %dma_wait3A_215 : memref<1x1x128xi32, #tpu.memory_space<vmem>> -> memref<128xi32, #tpu.memory_space<vmem>>
        %dma_wait3A_217 = arith.constant 0 : i32
        %dma_wait3A_218 = arith.constant 0 : i32
        %dma_wait3A_219 = tpu.memref_slice %arg10[%dma_wait3A_217, %dma_wait3A_218] : memref<10240x128xf32, #tpu.memory_space<vmem_shared>> -> memref<10240x128xf32, #tpu.memory_space<vmem_shared>>
        tpu.wait_indirect_dma semaphore(%run_scoped3A_207 : memref<!tpu.dma_semaphore, #tpu.memory_space<semaphore_mem>>) src(%arg8 : memref<128x128xf32, #tpu.memory_space<vmem>>) dst(%dma_wait3A_219 : memref<10240x128xf32, #tpu.memory_space<vmem_shared>>)
        tpu.yield
      }) : () -> ()
      %dma_wait3A_198 = arith.constant 7 : i32
      %dma_wait3A_199 = arith.constant 0 : i32
      %dma_wait3A_200 = tpu.memref_slice %arg6[%rem3A_56, %dma_wait3A_198, %dma_wait3A_199] : memref<2x8x128xi32, #tpu.memory_space<vmem>> -> memref<1x1x128xi32, #tpu.memory_space<vmem>>
      %dma_wait3A_201 = tpu.memref_squeeze %dma_wait3A_200 : memref<1x1x128xi32, #tpu.memory_space<vmem>> -> memref<128xi32, #tpu.memory_space<vmem>>
      %dma_wait3A_202 = arith.constant 0 : i32
      %dma_wait3A_203 = arith.constant 0 : i32
      %dma_wait3A_204 = tpu.memref_slice %arg2[%dma_wait3A_202, %dma_wait3A_203] : memref<10000x128xf32, #tpu.memory_space<hbm>> -> memref<10000x128xf32, #tpu.memory_space<hbm>>
      tpu.wait_indirect_dma semaphore(%arg12 : memref<!tpu.dma_semaphore, #tpu.memory_space<semaphore_mem>>) src(%dma_wait3A_204 : memref<10000x128xf32, #tpu.memory_space<hbm>>) dst(%arg9 : memref<128x128xf32, #tpu.memory_space<vmem>>)
      %run_scoped3A_205 = arith.constant 7 : i32
      "tpu.region"() ({
        %run_scoped3A_207 = tpu.sem_alloc : memref<!tpu.dma_semaphore, #tpu.memory_space<semaphore_mem>>
        %dma_start3A_208 = arith.constant 0 : i32
        %dma_start3A_209 = tpu.memref_slice %arg7[%rem3A_56, %run_scoped3A_205, %dma_start3A_208] : memref<2x8x128xi32, #tpu.memory_space<vmem>> -> memref<1x1x128xi32, #tpu.memory_space<vmem>>
        %dma_start3A_210 = tpu.memref_squeeze %dma_start3A_209 : memref<1x1x128xi32, #tpu.memory_space<vmem>> -> memref<128xi32, #tpu.memory_space<vmem>>
        %dma_start3A_211 = arith.constant 0 : i32
        %dma_start3A_212 = arith.constant 0 : i32
        %dma_start3A_213 = tpu.memref_slice %arg10[%dma_start3A_211, %dma_start3A_212] : memref<10240x128xf32, #tpu.memory_space<vmem_shared>> -> memref<10240x128xf32, #tpu.memory_space<vmem_shared>>
        tpu.enqueue_indirect_dma source(%arg9 : memref<128x128xf32, #tpu.memory_space<vmem>>) target(%dma_start3A_213 : memref<10240x128xf32, #tpu.memory_space<vmem_shared>>) offsets(%dma_start3A_210 : memref<128xi32, #tpu.memory_space<vmem>>) semaphore(%run_scoped3A_207 : memref<!tpu.dma_semaphore, #tpu.memory_space<semaphore_mem>>) {add = true}
        %dma_wait3A_214 = arith.constant 0 : i32
        %dma_wait3A_215 = tpu.memref_slice %arg7[%rem3A_56, %run_scoped3A_205, %dma_wait3A_214] : memref<2x8x128xi32, #tpu.memory_space<vmem>> -> memref<1x1x128xi32, #tpu.memory_space<vmem>>
        %dma_wait3A_216 = tpu.memref_squeeze %dma_wait3A_215 : memref<1x1x128xi32, #tpu.memory_space<vmem>> -> memref<128xi32, #tpu.memory_space<vmem>>
        %dma_wait3A_217 = arith.constant 0 : i32
        %dma_wait3A_218 = arith.constant 0 : i32
        %dma_wait3A_219 = tpu.memref_slice %arg10[%dma_wait3A_217, %dma_wait3A_218] : memref<10240x128xf32, #tpu.memory_space<vmem_shared>> -> memref<10240x128xf32, #tpu.memory_space<vmem_shared>>
        tpu.wait_indirect_dma semaphore(%run_scoped3A_207 : memref<!tpu.dma_semaphore, #tpu.memory_space<semaphore_mem>>) src(%arg9 : memref<128x128xf32, #tpu.memory_space<vmem>>) dst(%dma_wait3A_219 : memref<10240x128xf32, #tpu.memory_space<vmem_shared>>)
        tpu.yield
      }) : () -> ()
      %scan3A_206 = arith.constant 0 : i32
      scf.yield %scan3A_206 : i32
    }
    %scan3A_52 = arith.constant 10 : i32
    %barrier3A_53 = arith.constant 0 : index
    tpu.barrier barrier_id(%barrier3A_53)
    "tpu.region"() ({
      %run_scoped3A = tpu.sem_alloc : memref<!tpu.dma_semaphore, #tpu.memory_space<semaphore_mem>>
      %dma_start3A_54 = arith.constant 0 : i32
      %dma_start3A_55 = tpu.memref_slice %arg5[%arg0, %mul3A_2, %dma_start3A_54] : memref<2x10240x128xf32, #tpu.memory_space<hbm>> -> memref<1x640x128xf32, #tpu.memory_space<hbm>>
      %dma_start3A_56 = tpu.memref_squeeze %dma_start3A_55 : memref<1x640x128xf32, #tpu.memory_space<hbm>> -> memref<640x128xf32, #tpu.memory_space<hbm>>
      %dma_start3A_57 = arith.constant 0 : i32
      %dma_start3A_58 = tpu.memref_slice %arg10[%mul3A_2, %dma_start3A_57] : memref<10240x128xf32, #tpu.memory_space<vmem_shared>> -> memref<640x128xf32, #tpu.memory_space<vmem_shared>>
      tpu.enqueue_dma source(%dma_start3A_58 : memref<640x128xf32, #tpu.memory_space<vmem_shared>>) target(%dma_start3A_56 : memref<640x128xf32, #tpu.memory_space<hbm>>) target_semaphore(%run_scoped3A : memref<!tpu.dma_semaphore, #tpu.memory_space<semaphore_mem>>)
      %dma_wait3A = arith.constant 0 : i32
      %dma_wait3A_59 = tpu.memref_slice %arg5[%arg0, %mul3A_2, %dma_wait3A] : memref<2x10240x128xf32, #tpu.memory_space<hbm>> -> memref<1x640x128xf32, #tpu.memory_space<hbm>>
      %dma_wait3A_60 = tpu.memref_squeeze %dma_wait3A_59 : memref<1x640x128xf32, #tpu.memory_space<hbm>> -> memref<640x128xf32, #tpu.memory_space<hbm>>
      %dma_wait3A_61 = arith.constant 0 : i32
      %dma_wait3A_62 = tpu.memref_slice %arg10[%mul3A_2, %dma_wait3A_61] : memref<10240x128xf32, #tpu.memory_space<vmem_shared>> -> memref<640x128xf32, #tpu.memory_space<vmem_shared>>
      tpu.wait_dma2 semaphore(%run_scoped3A : memref<!tpu.dma_semaphore, #tpu.memory_space<semaphore_mem>>) src(%dma_wait3A_62 : memref<640x128xf32, #tpu.memory_space<vmem_shared>>) dst(%dma_wait3A_60 : memref<640x128xf32, #tpu.memory_space<hbm>>)
      tpu.yield
    }) : () -> ()
    return
  }
}

#map = affine_map<(d0, d1) -> (0)>
module attributes {stable_mosaic.version = 14 : i64} {
  func.func @_norm_kernel(%arg0: i32, %arg1: i32, %arg2: memref<640000xi32, #tpu.memory_space<hbm>>, %arg3: memref<640000xi32, #tpu.memory_space<hbm>>, %arg4: memref<40960xf32, #tpu.memory_space<hbm>>, %arg5: memref<20000xi32, #tpu.memory_space<vmem>>, %arg6: memref<20000xi32, #tpu.memory_space<vmem>>, %arg7: memref<10240xf32, #tpu.memory_space<vmem>>, %arg8: memref<10240xf32, #tpu.memory_space<vmem>>, %arg9: memref<640xf32, #tpu.memory_space<vmem>>, %arg10: memref<640xf32, #tpu.memory_space<vmem>>, %arg11: memref<16x10240xf32, #tpu.memory_space<vmem_shared>>, %arg12: memref<10240xf32, #tpu.memory_space<vmem_shared>>) attributes {dimension_semantics = [#tpu.dimension_semantics<core_parallel>, #tpu.dimension_semantics<subcore_parallel>], iteration_bounds = array<i64: 2, 16>, scalar_prefetch = 0 : i64, scratch_operands = 8 : i64, tpu.core_type = #tpu.core_type<sc_vector_subcore>, window_params = [{transform_indices = #map}, {transform_indices = #map}, {transform_indices = #map}]} {
    %mul3A = arith.constant 20000 : i32
    %mul3A_0 = arith.muli %arg1, %mul3A : i32
    %mul3A_1 = arith.constant 640 : i32
    %mul3A_2 = arith.muli %arg1, %mul3A_1 : i32
    %broadcast_in_dim3A = arith.constant 0.000000e+00 : f32
    %broadcast_in_dim3A_3 = vector.broadcast %broadcast_in_dim3A : f32 to vector<16xf32>
    %broadcast_in_dim3A_4 = arith.constant 1.000000e+00 : f32
    %broadcast_in_dim3A_5 = vector.broadcast %broadcast_in_dim3A_4 : f32 to vector<16xf32>
    %mul3A_6 = arith.constant 320000 : i32
    %mul3A_7 = arith.muli %arg0, %mul3A_6 : i32
    %add3A = arith.addi %mul3A_7, %mul3A_0 : i32
    "tpu.region"() ({
      %run_scoped3A_79 = tpu.sem_alloc : memref<!tpu.dma_semaphore, #tpu.memory_space<semaphore_mem>>
      %dma_start3A = tpu.memref_slice %arg2[%add3A] : memref<640000xi32, #tpu.memory_space<hbm>> -> memref<20000xi32, #tpu.memory_space<hbm>>
      %dma_start3A_80 = tpu.memref_slice %arg2[%add3A] : memref<640000xi32, #tpu.memory_space<hbm>> -> memref<20000xi32, #tpu.memory_space<hbm>>
      tpu.enqueue_dma source(%dma_start3A_80 : memref<20000xi32, #tpu.memory_space<hbm>>) target(%arg5 : memref<20000xi32, #tpu.memory_space<vmem>>) target_semaphore(%run_scoped3A_79 : memref<!tpu.dma_semaphore, #tpu.memory_space<semaphore_mem>>)
      %dma_wait3A = tpu.memref_slice %arg2[%add3A] : memref<640000xi32, #tpu.memory_space<hbm>> -> memref<20000xi32, #tpu.memory_space<hbm>>
      %dma_wait3A_81 = tpu.memref_slice %arg2[%add3A] : memref<640000xi32, #tpu.memory_space<hbm>> -> memref<20000xi32, #tpu.memory_space<hbm>>
      tpu.wait_dma2 semaphore(%run_scoped3A_79 : memref<!tpu.dma_semaphore, #tpu.memory_space<semaphore_mem>>) src(%dma_wait3A_81 : memref<20000xi32, #tpu.memory_space<hbm>>) dst(%arg5 : memref<20000xi32, #tpu.memory_space<vmem>>)
      tpu.yield
    }) : () -> ()
    %mul3A_8 = arith.constant 320000 : i32
    %mul3A_9 = arith.muli %arg0, %mul3A_8 : i32
    %add3A_10 = arith.addi %mul3A_9, %mul3A_0 : i32
    "tpu.region"() ({
      %run_scoped3A_79 = tpu.sem_alloc : memref<!tpu.dma_semaphore, #tpu.memory_space<semaphore_mem>>
      %dma_start3A = tpu.memref_slice %arg3[%add3A_10] : memref<640000xi32, #tpu.memory_space<hbm>> -> memref<20000xi32, #tpu.memory_space<hbm>>
      %dma_start3A_80 = tpu.memref_slice %arg3[%add3A_10] : memref<640000xi32, #tpu.memory_space<hbm>> -> memref<20000xi32, #tpu.memory_space<hbm>>
      tpu.enqueue_dma source(%dma_start3A_80 : memref<20000xi32, #tpu.memory_space<hbm>>) target(%arg6 : memref<20000xi32, #tpu.memory_space<vmem>>) target_semaphore(%run_scoped3A_79 : memref<!tpu.dma_semaphore, #tpu.memory_space<semaphore_mem>>)
      %dma_wait3A = tpu.memref_slice %arg3[%add3A_10] : memref<640000xi32, #tpu.memory_space<hbm>> -> memref<20000xi32, #tpu.memory_space<hbm>>
      %dma_wait3A_81 = tpu.memref_slice %arg3[%add3A_10] : memref<640000xi32, #tpu.memory_space<hbm>> -> memref<20000xi32, #tpu.memory_space<hbm>>
      tpu.wait_dma2 semaphore(%run_scoped3A_79 : memref<!tpu.dma_semaphore, #tpu.memory_space<semaphore_mem>>) src(%dma_wait3A_81 : memref<20000xi32, #tpu.memory_space<hbm>>) dst(%arg6 : memref<20000xi32, #tpu.memory_space<vmem>>)
      tpu.yield
    }) : () -> ()
    %scan3A = arith.constant 0 : i32
    %scan3A_11 = arith.constant 0 : i32
    %scan3A_12 = arith.constant 640 : i32
    %scan3A_13 = arith.addi %scan3A_11, %scan3A_12 : i32
    %scan3A_14 = arith.constant 1 : i32
    %scan3A_15 = scf.for %scan3A_79 = %scan3A_11 to %scan3A_13 step %scan3A_14 iter_args(%scan3A_80 = %scan3A) -> (i32)  : i32 {
      %mul3A_81 = arith.constant 16 : i32
      %mul3A_82 = arith.muli %scan3A_79, %mul3A_81 : i32
      %swap3A = arith.index_cast %mul3A_82 : i32 to index
      %swap3A_83 = tpu.vector_load %arg7[%swap3A] {strides = array<i32>} : memref<10240xf32, #tpu.memory_space<vmem>>, vector<16xf32>,
      tpu.vector_store %arg7[%swap3A], %broadcast_in_dim3A_3 {strides = array<i32>} : memref<10240xf32, #tpu.memory_space<vmem>>, vector<16xf32>,
      %scan3A_84 = arith.constant 0 : i32
      scf.yield %scan3A_84 : i32
    }
    %scan3A_16 = arith.constant 640 : i32
    %scan3A_17 = arith.constant 0 : i32
    %scan3A_18 = arith.constant 0 : i32
    %scan3A_19 = arith.constant 1250 : i32
    %scan3A_20 = arith.addi %scan3A_18, %scan3A_19 : i32
    %scan3A_21 = arith.constant 1 : i32
    %scan3A_22 = scf.for %scan3A_79 = %scan3A_18 to %scan3A_20 step %scan3A_21 iter_args(%scan3A_80 = %scan3A_17) -> (i32)  : i32 {
      %mul3A_81 = arith.constant 16 : i32
      %mul3A_82 = arith.muli %scan3A_79, %mul3A_81 : i32
      %get3A = arith.index_cast %mul3A_82 : i32 to index
      %get3A_83 = tpu.vector_load %arg5[%get3A] {strides = array<i32>} : memref<20000xi32, #tpu.memory_space<vmem>>, vector<16xi32>,
      tpu.vector_store_idx %arg7[%get3A_83], %broadcast_in_dim3A_5 {add = true} : memref<10240xf32, #tpu.memory_space<vmem>>[vector<16xi32>], vector<16xf32>,
      %scan3A_84 = arith.constant 0 : i32
      scf.yield %scan3A_84 : i32
    }
    %scan3A_23 = arith.constant 1250 : i32
    "tpu.region"() ({
      %run_scoped3A_79 = tpu.sem_alloc : memref<!tpu.dma_semaphore, #tpu.memory_space<semaphore_mem>>
      %dma_start3A = arith.constant 0 : i32
      %dma_start3A_80 = tpu.memref_slice %arg11[%arg1, %dma_start3A] : memref<16x10240xf32, #tpu.memory_space<vmem_shared>> -> memref<1x10240xf32, #tpu.memory_space<vmem_shared>>
      %dma_start3A_81 = tpu.memref_squeeze %dma_start3A_80 : memref<1x10240xf32, #tpu.memory_space<vmem_shared>> -> memref<10240xf32, #tpu.memory_space<vmem_shared>>
      %dma_start3A_82 = arith.constant 0 : i32
      %dma_start3A_83 = tpu.memref_slice %arg11[%arg1, %dma_start3A_82] : memref<16x10240xf32, #tpu.memory_space<vmem_shared>> -> memref<1x10240xf32, #tpu.memory_space<vmem_shared>>
      %dma_start3A_84 = tpu.memref_squeeze %dma_start3A_83 : memref<1x10240xf32, #tpu.memory_space<vmem_shared>> -> memref<10240xf32, #tpu.memory_space<vmem_shared>>
      tpu.enqueue_dma source(%arg7 : memref<10240xf32, #tpu.memory_space<vmem>>) target(%dma_start3A_84 : memref<10240xf32, #tpu.memory_space<vmem_shared>>) target_semaphore(%run_scoped3A_79 : memref<!tpu.dma_semaphore, #tpu.memory_space<semaphore_mem>>)
      %dma_wait3A = arith.constant 0 : i32
      %dma_wait3A_85 = tpu.memref_slice %arg11[%arg1, %dma_wait3A] : memref<16x10240xf32, #tpu.memory_space<vmem_shared>> -> memref<1x10240xf32, #tpu.memory_space<vmem_shared>>
      %dma_wait3A_86 = tpu.memref_squeeze %dma_wait3A_85 : memref<1x10240xf32, #tpu.memory_space<vmem_shared>> -> memref<10240xf32, #tpu.memory_space<vmem_shared>>
      %dma_wait3A_87 = arith.constant 0 : i32
      %dma_wait3A_88 = tpu.memref_slice %arg11[%arg1, %dma_wait3A_87] : memref<16x10240xf32, #tpu.memory_space<vmem_shared>> -> memref<1x10240xf32, #tpu.memory_space<vmem_shared>>
      %dma_wait3A_89 = tpu.memref_squeeze %dma_wait3A_88 : memref<1x10240xf32, #tpu.memory_space<vmem_shared>> -> memref<10240xf32, #tpu.memory_space<vmem_shared>>
      tpu.wait_dma2 semaphore(%run_scoped3A_79 : memref<!tpu.dma_semaphore, #tpu.memory_space<semaphore_mem>>) src(%arg7 : memref<10240xf32, #tpu.memory_space<vmem>>) dst(%dma_wait3A_89 : memref<10240xf32, #tpu.memory_space<vmem_shared>>)
      tpu.yield
    }) : () -> ()
    %barrier3A = arith.constant 0 : index
    tpu.barrier barrier_id(%barrier3A)
    %run_scoped3A = arith.constant 0 : i32
    "tpu.region"() ({
      %run_scoped3A_79 = tpu.sem_alloc : memref<!tpu.dma_semaphore, #tpu.memory_space<semaphore_mem>>
      %dma_start3A = tpu.memref_slice %arg11[%run_scoped3A, %mul3A_2] : memref<16x10240xf32, #tpu.memory_space<vmem_shared>> -> memref<1x640xf32, #tpu.memory_space<vmem_shared>>
      %dma_start3A_80 = tpu.memref_squeeze %dma_start3A : memref<1x640xf32, #tpu.memory_space<vmem_shared>> -> memref<640xf32, #tpu.memory_space<vmem_shared>>
      %dma_start3A_81 = tpu.memref_slice %arg11[%run_scoped3A, %mul3A_2] : memref<16x10240xf32, #tpu.memory_space<vmem_shared>> -> memref<1x640xf32, #tpu.memory_space<vmem_shared>>
      %dma_start3A_82 = tpu.memref_squeeze %dma_start3A_81 : memref<1x640xf32, #tpu.memory_space<vmem_shared>> -> memref<640xf32, #tpu.memory_space<vmem_shared>>
      tpu.enqueue_dma source(%dma_start3A_82 : memref<640xf32, #tpu.memory_space<vmem_shared>>) target(%arg9 : memref<640xf32, #tpu.memory_space<vmem>>) target_semaphore(%run_scoped3A_79 : memref<!tpu.dma_semaphore, #tpu.memory_space<semaphore_mem>>)
      %dma_wait3A = tpu.memref_slice %arg11[%run_scoped3A, %mul3A_2] : memref<16x10240xf32, #tpu.memory_space<vmem_shared>> -> memref<1x640xf32, #tpu.memory_space<vmem_shared>>
      %dma_wait3A_83 = tpu.memref_squeeze %dma_wait3A : memref<1x640xf32, #tpu.memory_space<vmem_shared>> -> memref<640xf32, #tpu.memory_space<vmem_shared>>
      %dma_wait3A_84 = tpu.memref_slice %arg11[%run_scoped3A, %mul3A_2] : memref<16x10240xf32, #tpu.memory_space<vmem_shared>> -> memref<1x640xf32, #tpu.memory_space<vmem_shared>>
      %dma_wait3A_85 = tpu.memref_squeeze %dma_wait3A_84 : memref<1x640xf32, #tpu.memory_space<vmem_shared>> -> memref<640xf32, #tpu.memory_space<vmem_shared>>
      tpu.wait_dma2 semaphore(%run_scoped3A_79 : memref<!tpu.dma_semaphore, #tpu.memory_space<semaphore_mem>>) src(%dma_wait3A_85 : memref<640xf32, #tpu.memory_space<vmem_shared>>) dst(%arg9 : memref<640xf32, #tpu.memory_space<vmem>>)
      tpu.yield
    }) : () -> ()
    %scan3A_24 = arith.constant 0 : i32
    %scan3A_25 = arith.constant 1 : i32
    %scan3A_26 = arith.constant 15 : i32
    %scan3A_27 = arith.addi %scan3A_25, %scan3A_26 : i32
    %scan3A_28 = arith.constant 1 : i32
    %scan3A_29 = scf.for %scan3A_79 = %scan3A_25 to %scan3A_27 step %scan3A_28 iter_args(%scan3A_80 = %scan3A_24) -> (i32)  : i32 {
      "tpu.region"() ({
        %run_scoped3A_89 = tpu.sem_alloc : memref<!tpu.dma_semaphore, #tpu.memory_space<semaphore_mem>>
        %dma_start3A = tpu.memref_slice %arg11[%scan3A_79, %mul3A_2] : memref<16x10240xf32, #tpu.memory_space<vmem_shared>> -> memref<1x640xf32, #tpu.memory_space<vmem_shared>>
        %dma_start3A_90 = tpu.memref_squeeze %dma_start3A : memref<1x640xf32, #tpu.memory_space<vmem_shared>> -> memref<640xf32, #tpu.memory_space<vmem_shared>>
        %dma_start3A_91 = tpu.memref_slice %arg11[%scan3A_79, %mul3A_2] : memref<16x10240xf32, #tpu.memory_space<vmem_shared>> -> memref<1x640xf32, #tpu.memory_space<vmem_shared>>
        %dma_start3A_92 = tpu.memref_squeeze %dma_start3A_91 : memref<1x640xf32, #tpu.memory_space<vmem_shared>> -> memref<640xf32, #tpu.memory_space<vmem_shared>>
        tpu.enqueue_dma source(%dma_start3A_92 : memref<640xf32, #tpu.memory_space<vmem_shared>>) target(%arg10 : memref<640xf32, #tpu.memory_space<vmem>>) target_semaphore(%run_scoped3A_89 : memref<!tpu.dma_semaphore, #tpu.memory_space<semaphore_mem>>)
        %dma_wait3A = tpu.memref_slice %arg11[%scan3A_79, %mul3A_2] : memref<16x10240xf32, #tpu.memory_space<vmem_shared>> -> memref<1x640xf32, #tpu.memory_space<vmem_shared>>
        %dma_wait3A_93 = tpu.memref_squeeze %dma_wait3A : memref<1x640xf32, #tpu.memory_space<vmem_shared>> -> memref<640xf32, #tpu.memory_space<vmem_shared>>
        %dma_wait3A_94 = tpu.memref_slice %arg11[%scan3A_79, %mul3A_2] : memref<16x10240xf32, #tpu.memory_space<vmem_shared>> -> memref<1x640xf32, #tpu.memory_space<vmem_shared>>
        %dma_wait3A_95 = tpu.memref_squeeze %dma_wait3A_94 : memref<1x640xf32, #tpu.memory_space<vmem_shared>> -> memref<640xf32, #tpu.memory_space<vmem_shared>>
        tpu.wait_dma2 semaphore(%run_scoped3A_89 : memref<!tpu.dma_semaphore, #tpu.memory_space<semaphore_mem>>) src(%dma_wait3A_95 : memref<640xf32, #tpu.memory_space<vmem_shared>>) dst(%arg10 : memref<640xf32, #tpu.memory_space<vmem>>)
        tpu.yield
      }) : () -> ()
      %scan3A_81 = arith.constant 0 : i32
      %scan3A_82 = arith.constant 0 : i32
      %scan3A_83 = arith.constant 40 : i32
      %scan3A_84 = arith.addi %scan3A_82, %scan3A_83 : i32
      %scan3A_85 = arith.constant 1 : i32
      %scan3A_86 = scf.for %scan3A_89 = %scan3A_82 to %scan3A_84 step %scan3A_85 iter_args(%scan3A_90 = %scan3A_81) -> (i32)  : i32 {
        %mul3A_91 = arith.constant 16 : i32
        %mul3A_92 = arith.muli %scan3A_89, %mul3A_91 : i32
        %get3A = arith.index_cast %mul3A_92 : i32 to index
        %get3A_93 = tpu.vector_load %arg9[%get3A] {strides = array<i32>} : memref<640xf32, #tpu.memory_space<vmem>>, vector<16xf32>,
        %mul3A_94 = arith.constant 16 : i32
        %mul3A_95 = arith.muli %scan3A_89, %mul3A_94 : i32
        %get3A_96 = arith.index_cast %mul3A_95 : i32 to index
        %get3A_97 = tpu.vector_load %arg10[%get3A_96] {strides = array<i32>} : memref<640xf32, #tpu.memory_space<vmem>>, vector<16xf32>,
        %add3A_98 = arith.addf %get3A_93, %get3A_97 : vector<16xf32>
        %mul3A_99 = arith.constant 16 : i32
        %mul3A_100 = arith.muli %scan3A_89, %mul3A_99 : i32
        %swap3A = arith.index_cast %mul3A_100 : i32 to index
        %swap3A_101 = tpu.vector_load %arg9[%swap3A] {strides = array<i32>} : memref<640xf32, #tpu.memory_space<vmem>>, vector<16xf32>,
        tpu.vector_store %arg9[%swap3A], %add3A_98 {strides = array<i32>} : memref<640xf32, #tpu.memory_space<vmem>>, vector<16xf32>,
        %scan3A_102 = arith.constant 0 : i32
        scf.yield %scan3A_102 : i32
      }
      %scan3A_87 = arith.constant 40 : i32
      %scan3A_88 = arith.constant 0 : i32
      scf.yield %scan3A_88 : i32
    }
    %scan3A_30 = arith.constant 15 : i32
    %scan3A_31 = arith.constant 0 : i32
    %scan3A_32 = arith.constant 0 : i32
    %scan3A_33 = arith.constant 40 : i32
    %scan3A_34 = arith.addi %scan3A_32, %scan3A_33 : i32
    %scan3A_35 = arith.constant 1 : i32
    %scan3A_36 = scf.for %scan3A_79 = %scan3A_32 to %scan3A_34 step %scan3A_35 iter_args(%scan3A_80 = %scan3A_31) -> (i32)  : i32 {
      %mul3A_81 = arith.constant 16 : i32
      %mul3A_82 = arith.muli %scan3A_79, %mul3A_81 : i32
      %get3A = arith.index_cast %mul3A_82 : i32 to index
      %get3A_83 = tpu.vector_load %arg9[%get3A] {strides = array<i32>} : memref<640xf32, #tpu.memory_space<vmem>>, vector<16xf32>,
      %bitcast3A = vector.bitcast %get3A_83 : vector<16xf32> to vector<16xi32>
      %shift_right_arithmetic3A = arith.constant 1 : i32
      %shift_right_arithmetic3A_84 = vector.broadcast %shift_right_arithmetic3A : i32 to vector<16xi32>
      %shift_right_arithmetic3A_85 = arith.shrsi %bitcast3A, %shift_right_arithmetic3A_84 : vector<16xi32>
      %sub3A = arith.constant 1597463007 : i32
      %sub3A_86 = vector.broadcast %sub3A : i32 to vector<16xi32>
      %sub3A_87 = arith.subi %sub3A_86, %shift_right_arithmetic3A_85 : vector<16xi32>
      %bitcast3A_88 = vector.bitcast %sub3A_87 : vector<16xi32> to vector<16xf32>
      %mul3A_89 = arith.constant 5.000000e-01 : f32
      %mul3A_90 = vector.broadcast %mul3A_89 : f32 to vector<16xf32>
      %mul3A_91 = arith.mulf %mul3A_90, %get3A_83 : vector<16xf32>
      %mul3A_92 = arith.mulf %mul3A_91, %bitcast3A_88 : vector<16xf32>
      %mul3A_93 = arith.mulf %mul3A_92, %bitcast3A_88 : vector<16xf32>
      %sub3A_94 = arith.constant 1.500000e+00 : f32
      %sub3A_95 = vector.broadcast %sub3A_94 : f32 to vector<16xf32>
      %sub3A_96 = arith.subf %sub3A_95, %mul3A_93 : vector<16xf32>
      %mul3A_97 = arith.mulf %bitcast3A_88, %sub3A_96 : vector<16xf32>
      %mul3A_98 = arith.constant 5.000000e-01 : f32
      %mul3A_99 = vector.broadcast %mul3A_98 : f32 to vector<16xf32>
      %mul3A_100 = arith.mulf %mul3A_99, %get3A_83 : vector<16xf32>
      %mul3A_101 = arith.mulf %mul3A_100, %mul3A_97 : vector<16xf32>
      %mul3A_102 = arith.mulf %mul3A_101, %mul3A_97 : vector<16xf32>
      %sub3A_103 = arith.constant 1.500000e+00 : f32
      %sub3A_104 = vector.broadcast %sub3A_103 : f32 to vector<16xf32>
      %sub3A_105 = arith.subf %sub3A_104, %mul3A_102 : vector<16xf32>
      %mul3A_106 = arith.mulf %mul3A_97, %sub3A_105 : vector<16xf32>
      %mul3A_107 = arith.constant 5.000000e-01 : f32
      %mul3A_108 = vector.broadcast %mul3A_107 : f32 to vector<16xf32>
      %mul3A_109 = arith.mulf %mul3A_108, %get3A_83 : vector<16xf32>
      %mul3A_110 = arith.mulf %mul3A_109, %mul3A_106 : vector<16xf32>
      %mul3A_111 = arith.mulf %mul3A_110, %mul3A_106 : vector<16xf32>
      %sub3A_112 = arith.constant 1.500000e+00 : f32
      %sub3A_113 = vector.broadcast %sub3A_112 : f32 to vector<16xf32>
      %sub3A_114 = arith.subf %sub3A_113, %mul3A_111 : vector<16xf32>
      %mul3A_115 = arith.mulf %mul3A_106, %sub3A_114 : vector<16xf32>
      %gt3A = arith.constant 0.000000e+00 : f32
      %gt3A_116 = vector.broadcast %gt3A : f32 to vector<16xf32>
      %gt3A_117 = arith.cmpf ogt, %get3A_83, %gt3A_116 : vector<16xf32>
      %jit3A = arith.constant 0.000000e+00 : f32
      %broadcast_in_dim3A_118 = vector.broadcast %jit3A : f32 to vector<16xf32>
      %select_n3A = arith.select %gt3A_117, %mul3A_115, %broadcast_in_dim3A_118 : vector<16xi1>, vector<16xf32>
      %mul3A_119 = arith.constant 16 : i32
      %mul3A_120 = arith.muli %scan3A_79, %mul3A_119 : i32
      %swap3A = arith.index_cast %mul3A_120 : i32 to index
      %swap3A_121 = tpu.vector_load %arg9[%swap3A] {strides = array<i32>} : memref<640xf32, #tpu.memory_space<vmem>>, vector<16xf32>,
      tpu.vector_store %arg9[%swap3A], %select_n3A {strides = array<i32>} : memref<640xf32, #tpu.memory_space<vmem>>, vector<16xf32>,
      %scan3A_122 = arith.constant 0 : i32
      scf.yield %scan3A_122 : i32
    }
    %scan3A_37 = arith.constant 40 : i32
    %mul3A_38 = arith.constant 20480 : i32
    %mul3A_39 = arith.muli %arg0, %mul3A_38 : i32
    %add3A_40 = arith.constant 0 : i32
    %add3A_41 = arith.addi %mul3A_39, %add3A_40 : i32
    %add3A_42 = arith.addi %add3A_41, %mul3A_2 : i32
    "tpu.region"() ({
      %run_scoped3A_79 = tpu.sem_alloc : memref<!tpu.dma_semaphore, #tpu.memory_space<semaphore_mem>>
      %dma_start3A = tpu.memref_slice %arg4[%add3A_42] : memref<40960xf32, #tpu.memory_space<hbm>> -> memref<640xf32, #tpu.memory_space<hbm>>
      %dma_start3A_80 = tpu.memref_slice %arg4[%add3A_42] : memref<40960xf32, #tpu.memory_space<hbm>> -> memref<640xf32, #tpu.memory_space<hbm>>
      tpu.enqueue_dma source(%arg9 : memref<640xf32, #tpu.memory_space<vmem>>) target(%dma_start3A_80 : memref<640xf32, #tpu.memory_space<hbm>>) target_semaphore(%run_scoped3A_79 : memref<!tpu.dma_semaphore, #tpu.memory_space<semaphore_mem>>)
      %dma_wait3A = tpu.memref_slice %arg4[%add3A_42] : memref<40960xf32, #tpu.memory_space<hbm>> -> memref<640xf32, #tpu.memory_space<hbm>>
      %dma_wait3A_81 = tpu.memref_slice %arg4[%add3A_42] : memref<40960xf32, #tpu.memory_space<hbm>> -> memref<640xf32, #tpu.memory_space<hbm>>
      tpu.wait_dma2 semaphore(%run_scoped3A_79 : memref<!tpu.dma_semaphore, #tpu.memory_space<semaphore_mem>>) src(%arg9 : memref<640xf32, #tpu.memory_space<vmem>>) dst(%dma_wait3A_81 : memref<640xf32, #tpu.memory_space<hbm>>)
      tpu.yield
    }) : () -> ()
    "tpu.region"() ({
      %run_scoped3A_79 = tpu.sem_alloc : memref<!tpu.dma_semaphore, #tpu.memory_space<semaphore_mem>>
      %dma_start3A = tpu.memref_slice %arg12[%mul3A_2] : memref<10240xf32, #tpu.memory_space<vmem_shared>> -> memref<640xf32, #tpu.memory_space<vmem_shared>>
      %dma_start3A_80 = tpu.memref_slice %arg12[%mul3A_2] : memref<10240xf32, #tpu.memory_space<vmem_shared>> -> memref<640xf32, #tpu.memory_space<vmem_shared>>
      tpu.enqueue_dma source(%arg9 : memref<640xf32, #tpu.memory_space<vmem>>) target(%dma_start3A_80 : memref<640xf32, #tpu.memory_space<vmem_shared>>) target_semaphore(%run_scoped3A_79 : memref<!tpu.dma_semaphore, #tpu.memory_space<semaphore_mem>>)
      %dma_wait3A = tpu.memref_slice %arg12[%mul3A_2] : memref<10240xf32, #tpu.memory_space<vmem_shared>> -> memref<640xf32, #tpu.memory_space<vmem_shared>>
      %dma_wait3A_81 = tpu.memref_slice %arg12[%mul3A_2] : memref<10240xf32, #tpu.memory_space<vmem_shared>> -> memref<640xf32, #tpu.memory_space<vmem_shared>>
      tpu.wait_dma2 semaphore(%run_scoped3A_79 : memref<!tpu.dma_semaphore, #tpu.memory_space<semaphore_mem>>) src(%arg9 : memref<640xf32, #tpu.memory_space<vmem>>) dst(%dma_wait3A_81 : memref<640xf32, #tpu.memory_space<vmem_shared>>)
      tpu.yield
    }) : () -> ()
    %barrier3A_43 = arith.constant 0 : index
    tpu.barrier barrier_id(%barrier3A_43)
    "tpu.region"() ({
      %run_scoped3A_79 = tpu.sem_alloc : memref<!tpu.dma_semaphore, #tpu.memory_space<semaphore_mem>>
      tpu.enqueue_dma source(%arg12 : memref<10240xf32, #tpu.memory_space<vmem_shared>>) target(%arg8 : memref<10240xf32, #tpu.memory_space<vmem>>) target_semaphore(%run_scoped3A_79 : memref<!tpu.dma_semaphore, #tpu.memory_space<semaphore_mem>>)
      tpu.wait_dma2 semaphore(%run_scoped3A_79 : memref<!tpu.dma_semaphore, #tpu.memory_space<semaphore_mem>>) src(%arg12 : memref<10240xf32, #tpu.memory_space<vmem_shared>>) dst(%arg8 : memref<10240xf32, #tpu.memory_space<vmem>>)
      tpu.yield
    }) : () -> ()
    %scan3A_44 = arith.constant 0 : i32
    %scan3A_45 = arith.constant 0 : i32
    %scan3A_46 = arith.constant 640 : i32
    %scan3A_47 = arith.addi %scan3A_45, %scan3A_46 : i32
    %scan3A_48 = arith.constant 1 : i32
    %scan3A_49 = scf.for %scan3A_79 = %scan3A_45 to %scan3A_47 step %scan3A_48 iter_args(%scan3A_80 = %scan3A_44) -> (i32)  : i32 {
      %mul3A_81 = arith.constant 16 : i32
      %mul3A_82 = arith.muli %scan3A_79, %mul3A_81 : i32
      %swap3A = arith.index_cast %mul3A_82 : i32 to index
      %swap3A_83 = tpu.vector_load %arg7[%swap3A] {strides = array<i32>} : memref<10240xf32, #tpu.memory_space<vmem>>, vector<16xf32>,
      tpu.vector_store %arg7[%swap3A], %broadcast_in_dim3A_3 {strides = array<i32>} : memref<10240xf32, #tpu.memory_space<vmem>>, vector<16xf32>,
      %scan3A_84 = arith.constant 0 : i32
      scf.yield %scan3A_84 : i32
    }
    %scan3A_50 = arith.constant 640 : i32
    %scan3A_51 = arith.constant 0 : i32
    %scan3A_52 = arith.constant 0 : i32
    %scan3A_53 = arith.constant 1250 : i32
    %scan3A_54 = arith.addi %scan3A_52, %scan3A_53 : i32
    %scan3A_55 = arith.constant 1 : i32
    %scan3A_56 = scf.for %scan3A_79 = %scan3A_52 to %scan3A_54 step %scan3A_55 iter_args(%scan3A_80 = %scan3A_51) -> (i32)  : i32 {
      %mul3A_81 = arith.constant 16 : i32
      %mul3A_82 = arith.muli %scan3A_79, %mul3A_81 : i32
      %get3A = arith.index_cast %mul3A_82 : i32 to index
      %get3A_83 = tpu.vector_load %arg5[%get3A] {strides = array<i32>} : memref<20000xi32, #tpu.memory_space<vmem>>, vector<16xi32>,
      %mul3A_84 = arith.constant 16 : i32
      %mul3A_85 = arith.muli %scan3A_79, %mul3A_84 : i32
      %get3A_86 = arith.index_cast %mul3A_85 : i32 to index
      %get3A_87 = tpu.vector_load %arg6[%get3A_86] {strides = array<i32>} : memref<20000xi32, #tpu.memory_space<vmem>>, vector<16xi32>,
      %gather3A = tpu.vector_load_idx %arg8[%get3A_83] : memref<10240xf32, #tpu.memory_space<vmem>>[vector<16xi32>], vector<16xf32>,
      tpu.vector_store_idx %arg7[%get3A_87], %gather3A {add = true} : memref<10240xf32, #tpu.memory_space<vmem>>[vector<16xi32>], vector<16xf32>,
      %scan3A_88 = arith.constant 0 : i32
      scf.yield %scan3A_88 : i32
    }
    %scan3A_57 = arith.constant 1250 : i32
    "tpu.region"() ({
      %run_scoped3A_79 = tpu.sem_alloc : memref<!tpu.dma_semaphore, #tpu.memory_space<semaphore_mem>>
      %dma_start3A = arith.constant 0 : i32
      %dma_start3A_80 = tpu.memref_slice %arg11[%arg1, %dma_start3A] : memref<16x10240xf32, #tpu.memory_space<vmem_shared>> -> memref<1x10240xf32, #tpu.memory_space<vmem_shared>>
      %dma_start3A_81 = tpu.memref_squeeze %dma_start3A_80 : memref<1x10240xf32, #tpu.memory_space<vmem_shared>> -> memref<10240xf32, #tpu.memory_space<vmem_shared>>
      %dma_start3A_82 = arith.constant 0 : i32
      %dma_start3A_83 = tpu.memref_slice %arg11[%arg1, %dma_start3A_82] : memref<16x10240xf32, #tpu.memory_space<vmem_shared>> -> memref<1x10240xf32, #tpu.memory_space<vmem_shared>>
      %dma_start3A_84 = tpu.memref_squeeze %dma_start3A_83 : memref<1x10240xf32, #tpu.memory_space<vmem_shared>> -> memref<10240xf32, #tpu.memory_space<vmem_shared>>
      tpu.enqueue_dma source(%arg7 : memref<10240xf32, #tpu.memory_space<vmem>>) target(%dma_start3A_84 : memref<10240xf32, #tpu.memory_space<vmem_shared>>) target_semaphore(%run_scoped3A_79 : memref<!tpu.dma_semaphore, #tpu.memory_space<semaphore_mem>>)
      %dma_wait3A = arith.constant 0 : i32
      %dma_wait3A_85 = tpu.memref_slice %arg11[%arg1, %dma_wait3A] : memref<16x10240xf32, #tpu.memory_space<vmem_shared>> -> memref<1x10240xf32, #tpu.memory_space<vmem_shared>>
      %dma_wait3A_86 = tpu.memref_squeeze %dma_wait3A_85 : memref<1x10240xf32, #tpu.memory_space<vmem_shared>> -> memref<10240xf32, #tpu.memory_space<vmem_shared>>
      %dma_wait3A_87 = arith.constant 0 : i32
      %dma_wait3A_88 = tpu.memref_slice %arg11[%arg1, %dma_wait3A_87] : memref<16x10240xf32, #tpu.memory_space<vmem_shared>> -> memref<1x10240xf32, #tpu.memory_space<vmem_shared>>
      %dma_wait3A_89 = tpu.memref_squeeze %dma_wait3A_88 : memref<1x10240xf32, #tpu.memory_space<vmem_shared>> -> memref<10240xf32, #tpu.memory_space<vmem_shared>>
      tpu.wait_dma2 semaphore(%run_scoped3A_79 : memref<!tpu.dma_semaphore, #tpu.memory_space<semaphore_mem>>) src(%arg7 : memref<10240xf32, #tpu.memory_space<vmem>>) dst(%dma_wait3A_89 : memref<10240xf32, #tpu.memory_space<vmem_shared>>)
      tpu.yield
    }) : () -> ()
    %barrier3A_58 = arith.constant 0 : index
    tpu.barrier barrier_id(%barrier3A_58)
    %run_scoped3A_59 = arith.constant 0 : i32
    "tpu.region"() ({
      %run_scoped3A_79 = tpu.sem_alloc : memref<!tpu.dma_semaphore, #tpu.memory_space<semaphore_mem>>
      %dma_start3A = tpu.memref_slice %arg11[%run_scoped3A_59, %mul3A_2] : memref<16x10240xf32, #tpu.memory_space<vmem_shared>> -> memref<1x640xf32, #tpu.memory_space<vmem_shared>>
      %dma_start3A_80 = tpu.memref_squeeze %dma_start3A : memref<1x640xf32, #tpu.memory_space<vmem_shared>> -> memref<640xf32, #tpu.memory_space<vmem_shared>>
      %dma_start3A_81 = tpu.memref_slice %arg11[%run_scoped3A_59, %mul3A_2] : memref<16x10240xf32, #tpu.memory_space<vmem_shared>> -> memref<1x640xf32, #tpu.memory_space<vmem_shared>>
      %dma_start3A_82 = tpu.memref_squeeze %dma_start3A_81 : memref<1x640xf32, #tpu.memory_space<vmem_shared>> -> memref<640xf32, #tpu.memory_space<vmem_shared>>
      tpu.enqueue_dma source(%dma_start3A_82 : memref<640xf32, #tpu.memory_space<vmem_shared>>) target(%arg9 : memref<640xf32, #tpu.memory_space<vmem>>) target_semaphore(%run_scoped3A_79 : memref<!tpu.dma_semaphore, #tpu.memory_space<semaphore_mem>>)
      %dma_wait3A = tpu.memref_slice %arg11[%run_scoped3A_59, %mul3A_2] : memref<16x10240xf32, #tpu.memory_space<vmem_shared>> -> memref<1x640xf32, #tpu.memory_space<vmem_shared>>
      %dma_wait3A_83 = tpu.memref_squeeze %dma_wait3A : memref<1x640xf32, #tpu.memory_space<vmem_shared>> -> memref<640xf32, #tpu.memory_space<vmem_shared>>
      %dma_wait3A_84 = tpu.memref_slice %arg11[%run_scoped3A_59, %mul3A_2] : memref<16x10240xf32, #tpu.memory_space<vmem_shared>> -> memref<1x640xf32, #tpu.memory_space<vmem_shared>>
      %dma_wait3A_85 = tpu.memref_squeeze %dma_wait3A_84 : memref<1x640xf32, #tpu.memory_space<vmem_shared>> -> memref<640xf32, #tpu.memory_space<vmem_shared>>
      tpu.wait_dma2 semaphore(%run_scoped3A_79 : memref<!tpu.dma_semaphore, #tpu.memory_space<semaphore_mem>>) src(%dma_wait3A_85 : memref<640xf32, #tpu.memory_space<vmem_shared>>) dst(%arg9 : memref<640xf32, #tpu.memory_space<vmem>>)
      tpu.yield
    }) : () -> ()
    %scan3A_60 = arith.constant 0 : i32
    %scan3A_61 = arith.constant 1 : i32
    %scan3A_62 = arith.constant 15 : i32
    %scan3A_63 = arith.addi %scan3A_61, %scan3A_62 : i32
    %scan3A_64 = arith.constant 1 : i32
    %scan3A_65 = scf.for %scan3A_79 = %scan3A_61 to %scan3A_63 step %scan3A_64 iter_args(%scan3A_80 = %scan3A_60) -> (i32)  : i32 {
      "tpu.region"() ({
        %run_scoped3A_89 = tpu.sem_alloc : memref<!tpu.dma_semaphore, #tpu.memory_space<semaphore_mem>>
        %dma_start3A = tpu.memref_slice %arg11[%scan3A_79, %mul3A_2] : memref<16x10240xf32, #tpu.memory_space<vmem_shared>> -> memref<1x640xf32, #tpu.memory_space<vmem_shared>>
        %dma_start3A_90 = tpu.memref_squeeze %dma_start3A : memref<1x640xf32, #tpu.memory_space<vmem_shared>> -> memref<640xf32, #tpu.memory_space<vmem_shared>>
        %dma_start3A_91 = tpu.memref_slice %arg11[%scan3A_79, %mul3A_2] : memref<16x10240xf32, #tpu.memory_space<vmem_shared>> -> memref<1x640xf32, #tpu.memory_space<vmem_shared>>
        %dma_start3A_92 = tpu.memref_squeeze %dma_start3A_91 : memref<1x640xf32, #tpu.memory_space<vmem_shared>> -> memref<640xf32, #tpu.memory_space<vmem_shared>>
        tpu.enqueue_dma source(%dma_start3A_92 : memref<640xf32, #tpu.memory_space<vmem_shared>>) target(%arg10 : memref<640xf32, #tpu.memory_space<vmem>>) target_semaphore(%run_scoped3A_89 : memref<!tpu.dma_semaphore, #tpu.memory_space<semaphore_mem>>)
        %dma_wait3A = tpu.memref_slice %arg11[%scan3A_79, %mul3A_2] : memref<16x10240xf32, #tpu.memory_space<vmem_shared>> -> memref<1x640xf32, #tpu.memory_space<vmem_shared>>
        %dma_wait3A_93 = tpu.memref_squeeze %dma_wait3A : memref<1x640xf32, #tpu.memory_space<vmem_shared>> -> memref<640xf32, #tpu.memory_space<vmem_shared>>
        %dma_wait3A_94 = tpu.memref_slice %arg11[%scan3A_79, %mul3A_2] : memref<16x10240xf32, #tpu.memory_space<vmem_shared>> -> memref<1x640xf32, #tpu.memory_space<vmem_shared>>
        %dma_wait3A_95 = tpu.memref_squeeze %dma_wait3A_94 : memref<1x640xf32, #tpu.memory_space<vmem_shared>> -> memref<640xf32, #tpu.memory_space<vmem_shared>>
        tpu.wait_dma2 semaphore(%run_scoped3A_89 : memref<!tpu.dma_semaphore, #tpu.memory_space<semaphore_mem>>) src(%dma_wait3A_95 : memref<640xf32, #tpu.memory_space<vmem_shared>>) dst(%arg10 : memref<640xf32, #tpu.memory_space<vmem>>)
        tpu.yield
      }) : () -> ()
      %scan3A_81 = arith.constant 0 : i32
      %scan3A_82 = arith.constant 0 : i32
      %scan3A_83 = arith.constant 40 : i32
      %scan3A_84 = arith.addi %scan3A_82, %scan3A_83 : i32
      %scan3A_85 = arith.constant 1 : i32
      %scan3A_86 = scf.for %scan3A_89 = %scan3A_82 to %scan3A_84 step %scan3A_85 iter_args(%scan3A_90 = %scan3A_81) -> (i32)  : i32 {
        %mul3A_91 = arith.constant 16 : i32
        %mul3A_92 = arith.muli %scan3A_89, %mul3A_91 : i32
        %get3A = arith.index_cast %mul3A_92 : i32 to index
        %get3A_93 = tpu.vector_load %arg9[%get3A] {strides = array<i32>} : memref<640xf32, #tpu.memory_space<vmem>>, vector<16xf32>,
        %mul3A_94 = arith.constant 16 : i32
        %mul3A_95 = arith.muli %scan3A_89, %mul3A_94 : i32
        %get3A_96 = arith.index_cast %mul3A_95 : i32 to index
        %get3A_97 = tpu.vector_load %arg10[%get3A_96] {strides = array<i32>} : memref<640xf32, #tpu.memory_space<vmem>>, vector<16xf32>,
        %add3A_98 = arith.addf %get3A_93, %get3A_97 : vector<16xf32>
        %mul3A_99 = arith.constant 16 : i32
        %mul3A_100 = arith.muli %scan3A_89, %mul3A_99 : i32
        %swap3A = arith.index_cast %mul3A_100 : i32 to index
        %swap3A_101 = tpu.vector_load %arg9[%swap3A] {strides = array<i32>} : memref<640xf32, #tpu.memory_space<vmem>>, vector<16xf32>,
        tpu.vector_store %arg9[%swap3A], %add3A_98 {strides = array<i32>} : memref<640xf32, #tpu.memory_space<vmem>>, vector<16xf32>,
        %scan3A_102 = arith.constant 0 : i32
        scf.yield %scan3A_102 : i32
      }
      %scan3A_87 = arith.constant 40 : i32
      %scan3A_88 = arith.constant 0 : i32
      scf.yield %scan3A_88 : i32
    }
    %scan3A_66 = arith.constant 15 : i32
    %scan3A_67 = arith.constant 0 : i32
    %scan3A_68 = arith.constant 0 : i32
    %scan3A_69 = arith.constant 40 : i32
    %scan3A_70 = arith.addi %scan3A_68, %scan3A_69 : i32
    %scan3A_71 = arith.constant 1 : i32
    %scan3A_72 = scf.for %scan3A_79 = %scan3A_68 to %scan3A_70 step %scan3A_71 iter_args(%scan3A_80 = %scan3A_67) -> (i32)  : i32 {
      %mul3A_81 = arith.constant 16 : i32
      %mul3A_82 = arith.muli %scan3A_79, %mul3A_81 : i32
      %get3A = arith.index_cast %mul3A_82 : i32 to index
      %get3A_83 = tpu.vector_load %arg9[%get3A] {strides = array<i32>} : memref<640xf32, #tpu.memory_space<vmem>>, vector<16xf32>,
      %bitcast3A = vector.bitcast %get3A_83 : vector<16xf32> to vector<16xi32>
      %shift_right_arithmetic3A = arith.constant 1 : i32
      %shift_right_arithmetic3A_84 = vector.broadcast %shift_right_arithmetic3A : i32 to vector<16xi32>
      %shift_right_arithmetic3A_85 = arith.shrsi %bitcast3A, %shift_right_arithmetic3A_84 : vector<16xi32>
      %sub3A = arith.constant 1597463007 : i32
      %sub3A_86 = vector.broadcast %sub3A : i32 to vector<16xi32>
      %sub3A_87 = arith.subi %sub3A_86, %shift_right_arithmetic3A_85 : vector<16xi32>
      %bitcast3A_88 = vector.bitcast %sub3A_87 : vector<16xi32> to vector<16xf32>
      %mul3A_89 = arith.constant 5.000000e-01 : f32
      %mul3A_90 = vector.broadcast %mul3A_89 : f32 to vector<16xf32>
      %mul3A_91 = arith.mulf %mul3A_90, %get3A_83 : vector<16xf32>
      %mul3A_92 = arith.mulf %mul3A_91, %bitcast3A_88 : vector<16xf32>
      %mul3A_93 = arith.mulf %mul3A_92, %bitcast3A_88 : vector<16xf32>
      %sub3A_94 = arith.constant 1.500000e+00 : f32
      %sub3A_95 = vector.broadcast %sub3A_94 : f32 to vector<16xf32>
      %sub3A_96 = arith.subf %sub3A_95, %mul3A_93 : vector<16xf32>
      %mul3A_97 = arith.mulf %bitcast3A_88, %sub3A_96 : vector<16xf32>
      %mul3A_98 = arith.constant 5.000000e-01 : f32
      %mul3A_99 = vector.broadcast %mul3A_98 : f32 to vector<16xf32>
      %mul3A_100 = arith.mulf %mul3A_99, %get3A_83 : vector<16xf32>
      %mul3A_101 = arith.mulf %mul3A_100, %mul3A_97 : vector<16xf32>
      %mul3A_102 = arith.mulf %mul3A_101, %mul3A_97 : vector<16xf32>
      %sub3A_103 = arith.constant 1.500000e+00 : f32
      %sub3A_104 = vector.broadcast %sub3A_103 : f32 to vector<16xf32>
      %sub3A_105 = arith.subf %sub3A_104, %mul3A_102 : vector<16xf32>
      %mul3A_106 = arith.mulf %mul3A_97, %sub3A_105 : vector<16xf32>
      %mul3A_107 = arith.constant 5.000000e-01 : f32
      %mul3A_108 = vector.broadcast %mul3A_107 : f32 to vector<16xf32>
      %mul3A_109 = arith.mulf %mul3A_108, %get3A_83 : vector<16xf32>
      %mul3A_110 = arith.mulf %mul3A_109, %mul3A_106 : vector<16xf32>
      %mul3A_111 = arith.mulf %mul3A_110, %mul3A_106 : vector<16xf32>
      %sub3A_112 = arith.constant 1.500000e+00 : f32
      %sub3A_113 = vector.broadcast %sub3A_112 : f32 to vector<16xf32>
      %sub3A_114 = arith.subf %sub3A_113, %mul3A_111 : vector<16xf32>
      %mul3A_115 = arith.mulf %mul3A_106, %sub3A_114 : vector<16xf32>
      %gt3A = arith.constant 0.000000e+00 : f32
      %gt3A_116 = vector.broadcast %gt3A : f32 to vector<16xf32>
      %gt3A_117 = arith.cmpf ogt, %get3A_83, %gt3A_116 : vector<16xf32>
      %jit3A = arith.constant 0.000000e+00 : f32
      %broadcast_in_dim3A_118 = vector.broadcast %jit3A : f32 to vector<16xf32>
      %select_n3A = arith.select %gt3A_117, %mul3A_115, %broadcast_in_dim3A_118 : vector<16xi1>, vector<16xf32>
      %mul3A_119 = arith.constant 16 : i32
      %mul3A_120 = arith.muli %scan3A_79, %mul3A_119 : i32
      %swap3A = arith.index_cast %mul3A_120 : i32 to index
      %swap3A_121 = tpu.vector_load %arg9[%swap3A] {strides = array<i32>} : memref<640xf32, #tpu.memory_space<vmem>>, vector<16xf32>,
      tpu.vector_store %arg9[%swap3A], %select_n3A {strides = array<i32>} : memref<640xf32, #tpu.memory_space<vmem>>, vector<16xf32>,
      %scan3A_122 = arith.constant 0 : i32
      scf.yield %scan3A_122 : i32
    }
    %scan3A_73 = arith.constant 40 : i32
    %mul3A_74 = arith.constant 20480 : i32
    %mul3A_75 = arith.muli %arg0, %mul3A_74 : i32
    %add3A_76 = arith.constant 10240 : i32
    %add3A_77 = arith.addi %mul3A_75, %add3A_76 : i32
    %add3A_78 = arith.addi %add3A_77, %mul3A_2 : i32
    "tpu.region"() ({
      %run_scoped3A_79 = tpu.sem_alloc : memref<!tpu.dma_semaphore, #tpu.memory_space<semaphore_mem>>
      %dma_start3A = tpu.memref_slice %arg4[%add3A_78] : memref<40960xf32, #tpu.memory_space<hbm>> -> memref<640xf32, #tpu.memory_space<hbm>>
      %dma_start3A_80 = tpu.memref_slice %arg4[%add3A_78] : memref<40960xf32, #tpu.memory_space<hbm>> -> memref<640xf32, #tpu.memory_space<hbm>>
      tpu.enqueue_dma source(%arg9 : memref<640xf32, #tpu.memory_space<vmem>>) target(%dma_start3A_80 : memref<640xf32, #tpu.memory_space<hbm>>) target_semaphore(%run_scoped3A_79 : memref<!tpu.dma_semaphore, #tpu.memory_space<semaphore_mem>>)
      %dma_wait3A = tpu.memref_slice %arg4[%add3A_78] : memref<40960xf32, #tpu.memory_space<hbm>> -> memref<640xf32, #tpu.memory_space<hbm>>
      %dma_wait3A_81 = tpu.memref_slice %arg4[%add3A_78] : memref<40960xf32, #tpu.memory_space<hbm>> -> memref<640xf32, #tpu.memory_space<hbm>>
      tpu.wait_dma2 semaphore(%run_scoped3A_79 : memref<!tpu.dma_semaphore, #tpu.memory_space<semaphore_mem>>) src(%arg9 : memref<640xf32, #tpu.memory_space<vmem>>) dst(%dma_wait3A_81 : memref<640xf32, #tpu.memory_space<hbm>>)
      tpu.yield
    }) : () -> ()
    return
  }
}

#map = affine_map<(d0, d1) -> (0, 0)>
#map1 = affine_map<(d0, d1) -> (0, 0, 0)>
module attributes {stable_mosaic.version = 14 : i64} {
  func.func @_spmm_kernel(%arg0: i32, %arg1: i32, %arg2: memref<10000x128xf32, #tpu.memory_space<hbm>>, %arg3: memref<2560x128xi32, #tpu.memory_space<hbm>>, %arg4: memref<2560x128xi32, #tpu.memory_space<hbm>>, %arg5: memref<2x10240x128xf32, #tpu.memory_space<hbm>>, %arg6: memref<2x8x128xi32, #tpu.memory_space<vmem>>, %arg7: memref<2x8x128xi32, #tpu.memory_space<vmem>>, %arg8: memref<128x128xf32, #tpu.memory_space<vmem>>, %arg9: memref<128x128xf32, #tpu.memory_space<vmem>>, %arg10: memref<10240x128xf32, #tpu.memory_space<vmem_shared>>, %arg11: memref<!tpu.dma_semaphore, #tpu.memory_space<semaphore_mem>>, %arg12: memref<!tpu.dma_semaphore, #tpu.memory_space<semaphore_mem>>, %arg13: memref<!tpu.dma_semaphore, #tpu.memory_space<semaphore_mem>>) attributes {dimension_semantics = [#tpu.dimension_semantics<core_parallel>, #tpu.dimension_semantics<subcore_parallel>], iteration_bounds = array<i64: 2, 16>, scalar_prefetch = 0 : i64, scratch_operands = 8 : i64, tpu.core_type = #tpu.core_type<sc_vector_subcore>, window_params = [{transform_indices = #map}, {transform_indices = #map}, {transform_indices = #map}, {transform_indices = #map1}]} {
    %mul3A = arith.constant 2 : i32
    %mul3A_0 = arith.muli %arg1, %mul3A : i32
    %add3A = arith.addi %mul3A_0, %arg0 : i32
    %mul3A_1 = arith.constant 640 : i32
    %mul3A_2 = arith.muli %arg1, %mul3A_1 : i32
    %mul3A_3 = arith.constant 80 : i32
    %mul3A_4 = arith.muli %add3A, %mul3A_3 : i32
    %broadcast_in_dim3A = arith.constant 0.000000e+00 : f32
    %broadcast_in_dim3A_5 = vector.broadcast %broadcast_in_dim3A : f32 to vector<16xf32>
    %add3A_6 = arith.constant 0 : i32
    %add3A_7 = arith.addi %mul3A_4, %add3A_6 : i32
    %dma_start3A = arith.constant 0 : i32
    %dma_start3A_8 = arith.constant 0 : i32
    %dma_start3A_9 = arith.constant 0 : i32
    %dma_start3A_10 = tpu.memref_slice %arg6[%dma_start3A, %dma_start3A_8, %dma_start3A_9] : memref<2x8x128xi32, #tpu.memory_space<vmem>> -> memref<1x8x128xi32, #tpu.memory_space<vmem>>
    %dma_start3A_11 = tpu.memref_squeeze %dma_start3A_10 : memref<1x8x128xi32, #tpu.memory_space<vmem>> -> memref<8x128xi32, #tpu.memory_space<vmem>>
    %dma_start3A_12 = arith.constant 0 : i32
    %dma_start3A_13 = tpu.memref_slice %arg3[%add3A_7, %dma_start3A_12] : memref<2560x128xi32, #tpu.memory_space<hbm>> -> memref<8x128xi32, #tpu.memory_space<hbm>>
    %dma_start3A_14 = arith.constant 0 : i32
    %dma_start3A_15 = arith.constant 0 : i32
    %dma_start3A_16 = tpu.memref_slice %arg6[%dma_start3A, %dma_start3A_14, %dma_start3A_15] : memref<2x8x128xi32, #tpu.memory_space<vmem>> -> memref<1x8x128xi32, #tpu.memory_space<vmem>>
    %dma_start3A_17 = tpu.memref_squeeze %dma_start3A_16 : memref<1x8x128xi32, #tpu.memory_space<vmem>> -> memref<8x128xi32, #tpu.memory_space<vmem>>
    %dma_start3A_18 = arith.constant 0 : i32
    %dma_start3A_19 = tpu.memref_slice %arg3[%add3A_7, %dma_start3A_18] : memref<2560x128xi32, #tpu.memory_space<hbm>> -> memref<8x128xi32, #tpu.memory_space<hbm>>
    tpu.enqueue_dma source(%dma_start3A_19 : memref<8x128xi32, #tpu.memory_space<hbm>>) target(%dma_start3A_17 : memref<8x128xi32, #tpu.memory_space<vmem>>) target_semaphore(%arg13 : memref<!tpu.dma_semaphore, #tpu.memory_space<semaphore_mem>>)
    %dma_start3A_20 = arith.constant 0 : i32
    %dma_start3A_21 = arith.constant 0 : i32
    %dma_start3A_22 = arith.constant 0 : i32
    %dma_start3A_23 = tpu.memref_slice %arg7[%dma_start3A_20, %dma_start3A_21, %dma_start3A_22] : memref<2x8x128xi32, #tpu.memory_space<vmem>> -> memref<1x8x128xi32, #tpu.memory_space<vmem>>
    %dma_start3A_24 = tpu.memref_squeeze %dma_start3A_23 : memref<1x8x128xi32, #tpu.memory_space<vmem>> -> memref<8x128xi32, #tpu.memory_space<vmem>>
    %dma_start3A_25 = arith.constant 0 : i32
    %dma_start3A_26 = tpu.memref_slice %arg4[%add3A_7, %dma_start3A_25] : memref<2560x128xi32, #tpu.memory_space<hbm>> -> memref<8x128xi32, #tpu.memory_space<hbm>>
    %dma_start3A_27 = arith.constant 0 : i32
    %dma_start3A_28 = arith.constant 0 : i32
    %dma_start3A_29 = tpu.memref_slice %arg7[%dma_start3A_20, %dma_start3A_27, %dma_start3A_28] : memref<2x8x128xi32, #tpu.memory_space<vmem>> -> memref<1x8x128xi32, #tpu.memory_space<vmem>>
    %dma_start3A_30 = tpu.memref_squeeze %dma_start3A_29 : memref<1x8x128xi32, #tpu.memory_space<vmem>> -> memref<8x128xi32, #tpu.memory_space<vmem>>
    %dma_start3A_31 = arith.constant 0 : i32
    %dma_start3A_32 = tpu.memref_slice %arg4[%add3A_7, %dma_start3A_31] : memref<2560x128xi32, #tpu.memory_space<hbm>> -> memref<8x128xi32, #tpu.memory_space<hbm>>
    tpu.enqueue_dma source(%dma_start3A_32 : memref<8x128xi32, #tpu.memory_space<hbm>>) target(%dma_start3A_30 : memref<8x128xi32, #tpu.memory_space<vmem>>) target_semaphore(%arg13 : memref<!tpu.dma_semaphore, #tpu.memory_space<semaphore_mem>>)
    %scan3A = arith.constant 0 : i32
    %scan3A_33 = arith.constant 0 : i32
    %scan3A_34 = arith.constant 80 : i32
    %scan3A_35 = arith.addi %scan3A_33, %scan3A_34 : i32
    %scan3A_36 = arith.constant 1 : i32
    %scan3A_37 = scf.for %scan3A_54 = %scan3A_33 to %scan3A_35 step %scan3A_36 iter_args(%scan3A_55 = %scan3A) -> (i32)  : i32 {
      %scan3A_56 = arith.constant 0 : i32
      %scan3A_57 = arith.constant 0 : i32
      %scan3A_58 = arith.constant 8 : i32
      %scan3A_59 = arith.addi %scan3A_57, %scan3A_58 : i32
      %scan3A_60 = arith.constant 1 : i32
      %scan3A_61 = scf.for %scan3A_64 = %scan3A_57 to %scan3A_59 step %scan3A_60 iter_args(%scan3A_65 = %scan3A_56) -> (i32)  : i32 {
        %mul3A_66 = arith.constant 16 : i32
        %mul3A_67 = arith.muli %scan3A_64, %mul3A_66 : i32
        %swap3A = arith.index_cast %scan3A_54 : i32 to index
        %swap3A_68 = arith.index_cast %mul3A_67 : i32 to index
        %swap3A_69 = tpu.vector_load %arg8[%swap3A, %swap3A_68] {strides = array<i32>} : memref<128x128xf32, #tpu.memory_space<vmem>>, vector<16xf32>,
        tpu.vector_store %arg8[%swap3A, %swap3A_68], %broadcast_in_dim3A_5 {strides = array<i32>} : memref<128x128xf32, #tpu.memory_space<vmem>>, vector<16xf32>,
        %scan3A_70 = arith.constant 0 : i32
        scf.yield %scan3A_70 : i32
      }
      %scan3A_62 = arith.constant 8 : i32
      %scan3A_63 = arith.constant 0 : i32
      scf.yield %scan3A_63 : i32
    }
    %scan3A_38 = arith.constant 80 : i32
    %scan3A_39 = arith.constant 0 : i32
    %scan3A_40 = arith.constant 0 : i32
    %scan3A_41 = arith.constant 8 : i32
    %scan3A_42 = arith.addi %scan3A_40, %scan3A_41 : i32
    %scan3A_43 = arith.constant 1 : i32
    %scan3A_44 = scf.for %scan3A_54 = %scan3A_40 to %scan3A_42 step %scan3A_43 iter_args(%scan3A_55 = %scan3A_39) -> (i32)  : i32 {
      %mul3A_56 = arith.constant 80 : i32
      %mul3A_57 = arith.muli %scan3A_54, %mul3A_56 : i32
      %add3A_58 = arith.addi %mul3A_2, %mul3A_57 : i32
      "tpu.region"() ({
        %run_scoped3A = tpu.sem_alloc : memref<!tpu.dma_semaphore, #tpu.memory_space<semaphore_mem>>
        %dma_start3A_60 = arith.constant 0 : i32
        %dma_start3A_61 = arith.constant 0 : i32
        %dma_start3A_62 = tpu.memref_slice %arg8[%dma_start3A_60, %dma_start3A_61] : memref<128x128xf32, #tpu.memory_space<vmem>> -> memref<80x128xf32, #tpu.memory_space<vmem>>
        %dma_start3A_63 = arith.constant 0 : i32
        %dma_start3A_64 = tpu.memref_slice %arg10[%add3A_58, %dma_start3A_63] : memref<10240x128xf32, #tpu.memory_space<vmem_shared>> -> memref<80x128xf32, #tpu.memory_space<vmem_shared>>
        %dma_start3A_65 = arith.constant 0 : i32
        %dma_start3A_66 = tpu.memref_slice %arg10[%add3A_58, %dma_start3A_65] : memref<10240x128xf32, #tpu.memory_space<vmem_shared>> -> memref<80x128xf32, #tpu.memory_space<vmem_shared>>
        %dma_start3A_67 = arith.constant 0 : i32
        %dma_start3A_68 = arith.constant 0 : i32
        %dma_start3A_69 = tpu.memref_slice %arg8[%dma_start3A_67, %dma_start3A_68] : memref<128x128xf32, #tpu.memory_space<vmem>> -> memref<80x128xf32, #tpu.memory_space<vmem>>
        tpu.enqueue_dma source(%dma_start3A_69 : memref<80x128xf32, #tpu.memory_space<vmem>>) target(%dma_start3A_66 : memref<80x128xf32, #tpu.memory_space<vmem_shared>>) target_semaphore(%run_scoped3A : memref<!tpu.dma_semaphore, #tpu.memory_space<semaphore_mem>>)
        %dma_wait3A = arith.constant 0 : i32
        %dma_wait3A_70 = arith.constant 0 : i32
        %dma_wait3A_71 = tpu.memref_slice %arg8[%dma_wait3A, %dma_wait3A_70] : memref<128x128xf32, #tpu.memory_space<vmem>> -> memref<80x128xf32, #tpu.memory_space<vmem>>
        %dma_wait3A_72 = arith.constant 0 : i32
        %dma_wait3A_73 = tpu.memref_slice %arg10[%add3A_58, %dma_wait3A_72] : memref<10240x128xf32, #tpu.memory_space<vmem_shared>> -> memref<80x128xf32, #tpu.memory_space<vmem_shared>>
        %dma_wait3A_74 = arith.constant 0 : i32
        %dma_wait3A_75 = tpu.memref_slice %arg10[%add3A_58, %dma_wait3A_74] : memref<10240x128xf32, #tpu.memory_space<vmem_shared>> -> memref<80x128xf32, #tpu.memory_space<vmem_shared>>
        %dma_wait3A_76 = arith.constant 0 : i32
        %dma_wait3A_77 = arith.constant 0 : i32
        %dma_wait3A_78 = tpu.memref_slice %arg8[%dma_wait3A_76, %dma_wait3A_77] : memref<128x128xf32, #tpu.memory_space<vmem>> -> memref<80x128xf32, #tpu.memory_space<vmem>>
        tpu.wait_dma2 semaphore(%run_scoped3A : memref<!tpu.dma_semaphore, #tpu.memory_space<semaphore_mem>>) src(%dma_wait3A_78 : memref<80x128xf32, #tpu.memory_space<vmem>>) dst(%dma_wait3A_75 : memref<80x128xf32, #tpu.memory_space<vmem_shared>>)
        tpu.yield
      }) : () -> ()
      %scan3A_59 = arith.constant 0 : i32
      scf.yield %scan3A_59 : i32
    }
    %scan3A_45 = arith.constant 8 : i32
    %barrier3A = arith.constant 0 : index
    tpu.barrier barrier_id(%barrier3A)
    %scan3A_46 = arith.constant 0 : i32
    %scan3A_47 = arith.constant 0 : i32
    %scan3A_48 = arith.constant 10 : i32
    %scan3A_49 = arith.addi %scan3A_47, %scan3A_48 : i32
    %scan3A_50 = arith.constant 1 : i32
    %scan3A_51 = scf.for %scan3A_54 = %scan3A_47 to %scan3A_49 step %scan3A_50 iter_args(%scan3A_55 = %scan3A_46) -> (i32)  : i32 {
      %rem3A = arith.constant 2 : i32
      %rem3A_56 = arith.remsi %scan3A_54, %rem3A : i32
      %mul3A_57 = arith.constant 8 : i32
      %mul3A_58 = arith.muli %scan3A_54, %mul3A_57 : i32
      %add3A_59 = arith.addi %mul3A_4, %mul3A_58 : i32
      %dma_wait3A = arith.constant 0 : i32
      %dma_wait3A_60 = arith.constant 0 : i32
      %dma_wait3A_61 = tpu.memref_slice %arg6[%rem3A_56, %dma_wait3A, %dma_wait3A_60] : memref<2x8x128xi32, #tpu.memory_space<vmem>> -> memref<1x8x128xi32, #tpu.memory_space<vmem>>
      %dma_wait3A_62 = tpu.memref_squeeze %dma_wait3A_61 : memref<1x8x128xi32, #tpu.memory_space<vmem>> -> memref<8x128xi32, #tpu.memory_space<vmem>>
      %dma_wait3A_63 = arith.constant 0 : i32
      %dma_wait3A_64 = tpu.memref_slice %arg3[%add3A_59, %dma_wait3A_63] : memref<2560x128xi32, #tpu.memory_space<hbm>> -> memref<8x128xi32, #tpu.memory_space<hbm>>
      %dma_wait3A_65 = arith.constant 0 : i32
      %dma_wait3A_66 = arith.constant 0 : i32
      %dma_wait3A_67 = tpu.memref_slice %arg6[%rem3A_56, %dma_wait3A_65, %dma_wait3A_66] : memref<2x8x128xi32, #tpu.memory_space<vmem>> -> memref<1x8x128xi32, #tpu.memory_space<vmem>>
      %dma_wait3A_68 = tpu.memref_squeeze %dma_wait3A_67 : memref<1x8x128xi32, #tpu.memory_space<vmem>> -> memref<8x128xi32, #tpu.memory_space<vmem>>
      %dma_wait3A_69 = arith.constant 0 : i32
      %dma_wait3A_70 = tpu.memref_slice %arg3[%add3A_59, %dma_wait3A_69] : memref<2560x128xi32, #tpu.memory_space<hbm>> -> memref<8x128xi32, #tpu.memory_space<hbm>>
      tpu.wait_dma2 semaphore(%arg13 : memref<!tpu.dma_semaphore, #tpu.memory_space<semaphore_mem>>) src(%dma_wait3A_70 : memref<8x128xi32, #tpu.memory_space<hbm>>) dst(%dma_wait3A_68 : memref<8x128xi32, #tpu.memory_space<vmem>>)
      %dma_wait3A_71 = arith.constant 0 : i32
      %dma_wait3A_72 = arith.constant 0 : i32
      %dma_wait3A_73 = tpu.memref_slice %arg7[%rem3A_56, %dma_wait3A_71, %dma_wait3A_72] : memref<2x8x128xi32, #tpu.memory_space<vmem>> -> memref<1x8x128xi32, #tpu.memory_space<vmem>>
      %dma_wait3A_74 = tpu.memref_squeeze %dma_wait3A_73 : memref<1x8x128xi32, #tpu.memory_space<vmem>> -> memref<8x128xi32, #tpu.memory_space<vmem>>
      %dma_wait3A_75 = arith.constant 0 : i32
      %dma_wait3A_76 = tpu.memref_slice %arg4[%add3A_59, %dma_wait3A_75] : memref<2560x128xi32, #tpu.memory_space<hbm>> -> memref<8x128xi32, #tpu.memory_space<hbm>>
      %dma_wait3A_77 = arith.constant 0 : i32
      %dma_wait3A_78 = arith.constant 0 : i32
      %dma_wait3A_79 = tpu.memref_slice %arg7[%rem3A_56, %dma_wait3A_77, %dma_wait3A_78] : memref<2x8x128xi32, #tpu.memory_space<vmem>> -> memref<1x8x128xi32, #tpu.memory_space<vmem>>
      %dma_wait3A_80 = tpu.memref_squeeze %dma_wait3A_79 : memref<1x8x128xi32, #tpu.memory_space<vmem>> -> memref<8x128xi32, #tpu.memory_space<vmem>>
      %dma_wait3A_81 = arith.constant 0 : i32
      %dma_wait3A_82 = tpu.memref_slice %arg4[%add3A_59, %dma_wait3A_81] : memref<2560x128xi32, #tpu.memory_space<hbm>> -> memref<8x128xi32, #tpu.memory_space<hbm>>
      tpu.wait_dma2 semaphore(%arg13 : memref<!tpu.dma_semaphore, #tpu.memory_space<semaphore_mem>>) src(%dma_wait3A_82 : memref<8x128xi32, #tpu.memory_space<hbm>>) dst(%dma_wait3A_80 : memref<8x128xi32, #tpu.memory_space<vmem>>)
      %add3A_83 = arith.constant 1 : i32
      %add3A_84 = arith.addi %scan3A_54, %add3A_83 : i32
      %lt3A = arith.constant 10 : i32
      %lt3A_85 = arith.cmpi slt, %add3A_84, %lt3A : i32
      %convert_element_type3A = arith.extui %lt3A_85 : i1 to i32
      %cond3A = arith.constant 0 : i32
      %cond3A_86 = arith.cmpi ne, %convert_element_type3A, %cond3A : i32
      scf.if %cond3A_86 {
        %add3A_207 = arith.constant 1 : i32
        %add3A_208 = arith.addi %scan3A_54, %add3A_207 : i32
        %sub3A = arith.constant 1 : i32
        %sub3A_209 = arith.subi %sub3A, %rem3A_56 : i32
        %mul3A_210 = arith.constant 8 : i32
        %mul3A_211 = arith.muli %add3A_208, %mul3A_210 : i32
        %add3A_212 = arith.addi %mul3A_4, %mul3A_211 : i32
        %dma_start3A_213 = arith.constant 0 : i32
        %dma_start3A_214 = arith.constant 0 : i32
        %dma_start3A_215 = tpu.memref_slice %arg6[%sub3A_209, %dma_start3A_213, %dma_start3A_214] : memref<2x8x128xi32, #tpu.memory_space<vmem>> -> memref<1x8x128xi32, #tpu.memory_space<vmem>>
        %dma_start3A_216 = tpu.memref_squeeze %dma_start3A_215 : memref<1x8x128xi32, #tpu.memory_space<vmem>> -> memref<8x128xi32, #tpu.memory_space<vmem>>
        %dma_start3A_217 = arith.constant 0 : i32
        %dma_start3A_218 = tpu.memref_slice %arg3[%add3A_212, %dma_start3A_217] : memref<2560x128xi32, #tpu.memory_space<hbm>> -> memref<8x128xi32, #tpu.memory_space<hbm>>
        %dma_start3A_219 = arith.constant 0 : i32
        %dma_start3A_220 = arith.constant 0 : i32
        %dma_start3A_221 = tpu.memref_slice %arg6[%sub3A_209, %dma_start3A_219, %dma_start3A_220] : memref<2x8x128xi32, #tpu.memory_space<vmem>> -> memref<1x8x128xi32, #tpu.memory_space<vmem>>
        %dma_start3A_222 = tpu.memref_squeeze %dma_start3A_221 : memref<1x8x128xi32, #tpu.memory_space<vmem>> -> memref<8x128xi32, #tpu.memory_space<vmem>>
        %dma_start3A_223 = arith.constant 0 : i32
        %dma_start3A_224 = tpu.memref_slice %arg3[%add3A_212, %dma_start3A_223] : memref<2560x128xi32, #tpu.memory_space<hbm>> -> memref<8x128xi32, #tpu.memory_space<hbm>>
        tpu.enqueue_dma source(%dma_start3A_224 : memref<8x128xi32, #tpu.memory_space<hbm>>) target(%dma_start3A_222 : memref<8x128xi32, #tpu.memory_space<vmem>>) target_semaphore(%arg13 : memref<!tpu.dma_semaphore, #tpu.memory_space<semaphore_mem>>)
        %dma_start3A_225 = arith.constant 0 : i32
        %dma_start3A_226 = arith.constant 0 : i32
        %dma_start3A_227 = tpu.memref_slice %arg7[%sub3A_209, %dma_start3A_225, %dma_start3A_226] : memref<2x8x128xi32, #tpu.memory_space<vmem>> -> memref<1x8x128xi32, #tpu.memory_space<vmem>>
        %dma_start3A_228 = tpu.memref_squeeze %dma_start3A_227 : memref<1x8x128xi32, #tpu.memory_space<vmem>> -> memref<8x128xi32, #tpu.memory_space<vmem>>
        %dma_start3A_229 = arith.constant 0 : i32
        %dma_start3A_230 = tpu.memref_slice %arg4[%add3A_212, %dma_start3A_229] : memref<2560x128xi32, #tpu.memory_space<hbm>> -> memref<8x128xi32, #tpu.memory_space<hbm>>
        %dma_start3A_231 = arith.constant 0 : i32
        %dma_start3A_232 = arith.constant 0 : i32
        %dma_start3A_233 = tpu.memref_slice %arg7[%sub3A_209, %dma_start3A_231, %dma_start3A_232] : memref<2x8x128xi32, #tpu.memory_space<vmem>> -> memref<1x8x128xi32, #tpu.memory_space<vmem>>
        %dma_start3A_234 = tpu.memref_squeeze %dma_start3A_233 : memref<1x8x128xi32, #tpu.memory_space<vmem>> -> memref<8x128xi32, #tpu.memory_space<vmem>>
        %dma_start3A_235 = arith.constant 0 : i32
        %dma_start3A_236 = tpu.memref_slice %arg4[%add3A_212, %dma_start3A_235] : memref<2560x128xi32, #tpu.memory_space<hbm>> -> memref<8x128xi32, #tpu.memory_space<hbm>>
        tpu.enqueue_dma source(%dma_start3A_236 : memref<8x128xi32, #tpu.memory_space<hbm>>) target(%dma_start3A_234 : memref<8x128xi32, #tpu.memory_space<vmem>>) target_semaphore(%arg13 : memref<!tpu.dma_semaphore, #tpu.memory_space<semaphore_mem>>)
      } else {
      }
      %dma_start3A_87 = arith.constant 0 : i32
      %dma_start3A_88 = arith.constant 0 : i32
      %dma_start3A_89 = tpu.memref_slice %arg6[%rem3A_56, %dma_start3A_87, %dma_start3A_88] : memref<2x8x128xi32, #tpu.memory_space<vmem>> -> memref<1x1x128xi32, #tpu.memory_space<vmem>>
      %dma_start3A_90 = tpu.memref_squeeze %dma_start3A_89 : memref<1x1x128xi32, #tpu.memory_space<vmem>> -> memref<128xi32, #tpu.memory_space<vmem>>
      %dma_start3A_91 = arith.constant 0 : i32
      %dma_start3A_92 = arith.constant 0 : i32
      %dma_start3A_93 = tpu.memref_slice %arg2[%dma_start3A_91, %dma_start3A_92] : memref<10000x128xf32, #tpu.memory_space<hbm>> -> memref<10000x128xf32, #tpu.memory_space<hbm>>
      tpu.enqueue_indirect_dma source(%dma_start3A_93 : memref<10000x128xf32, #tpu.memory_space<hbm>>) target(%arg8 : memref<128x128xf32, #tpu.memory_space<vmem>>) offsets(%dma_start3A_90 : memref<128xi32, #tpu.memory_space<vmem>>) semaphore(%arg11 : memref<!tpu.dma_semaphore, #tpu.memory_space<semaphore_mem>>)
      %dma_wait3A_94 = arith.constant 0 : i32
      %dma_wait3A_95 = arith.constant 0 : i32
      %dma_wait3A_96 = tpu.memref_slice %arg6[%rem3A_56, %dma_wait3A_94, %dma_wait3A_95] : memref<2x8x128xi32, #tpu.memory_space<vmem>> -> memref<1x1x128xi32, #tpu.memory_space<vmem>>
      %dma_wait3A_97 = tpu.memref_squeeze %dma_wait3A_96 : memref<1x1x128xi32, #tpu.memory_space<vmem>> -> memref<128xi32, #tpu.memory_space<vmem>>
      %dma_wait3A_98 = arith.constant 0 : i32
      %dma_wait3A_99 = arith.constant 0 : i32
      %dma_wait3A_100 = tpu.memref_slice %arg2[%dma_wait3A_98, %dma_wait3A_99] : memref<10000x128xf32, #tpu.memory_space<hbm>> -> memref<10000x128xf32, #tpu.memory_space<hbm>>
      tpu.wait_indirect_dma semaphore(%arg11 : memref<!tpu.dma_semaphore, #tpu.memory_space<semaphore_mem>>) src(%dma_wait3A_100 : memref<10000x128xf32, #tpu.memory_space<hbm>>) dst(%arg8 : memref<128x128xf32, #tpu.memory_space<vmem>>)
      %dma_start3A_101 = arith.constant 1 : i32
      %dma_start3A_102 = arith.constant 0 : i32
      %dma_start3A_103 = tpu.memref_slice %arg6[%rem3A_56, %dma_start3A_101, %dma_start3A_102] : memref<2x8x128xi32, #tpu.memory_space<vmem>> -> memref<1x1x128xi32, #tpu.memory_space<vmem>>
      %dma_start3A_104 = tpu.memref_squeeze %dma_start3A_103 : memref<1x1x128xi32, #tpu.memory_space<vmem>> -> memref<128xi32, #tpu.memory_space<vmem>>
      %dma_start3A_105 = arith.constant 0 : i32
      %dma_start3A_106 = arith.constant 0 : i32
      %dma_start3A_107 = tpu.memref_slice %arg2[%dma_start3A_105, %dma_start3A_106] : memref<10000x128xf32, #tpu.memory_space<hbm>> -> memref<10000x128xf32, #tpu.memory_space<hbm>>
      tpu.enqueue_indirect_dma source(%dma_start3A_107 : memref<10000x128xf32, #tpu.memory_space<hbm>>) target(%arg9 : memref<128x128xf32, #tpu.memory_space<vmem>>) offsets(%dma_start3A_104 : memref<128xi32, #tpu.memory_space<vmem>>) semaphore(%arg12 : memref<!tpu.dma_semaphore, #tpu.memory_space<semaphore_mem>>)
      %run_scoped3A = arith.constant 0 : i32
      "tpu.region"() ({
        %run_scoped3A_207 = tpu.sem_alloc : memref<!tpu.dma_semaphore, #tpu.memory_space<semaphore_mem>>
        %dma_start3A_208 = arith.constant 0 : i32
        %dma_start3A_209 = tpu.memref_slice %arg7[%rem3A_56, %run_scoped3A, %dma_start3A_208] : memref<2x8x128xi32, #tpu.memory_space<vmem>> -> memref<1x1x128xi32, #tpu.memory_space<vmem>>
        %dma_start3A_210 = tpu.memref_squeeze %dma_start3A_209 : memref<1x1x128xi32, #tpu.memory_space<vmem>> -> memref<128xi32, #tpu.memory_space<vmem>>
        %dma_start3A_211 = arith.constant 0 : i32
        %dma_start3A_212 = arith.constant 0 : i32
        %dma_start3A_213 = tpu.memref_slice %arg10[%dma_start3A_211, %dma_start3A_212] : memref<10240x128xf32, #tpu.memory_space<vmem_shared>> -> memref<10240x128xf32, #tpu.memory_space<vmem_shared>>
        tpu.enqueue_indirect_dma source(%arg8 : memref<128x128xf32, #tpu.memory_space<vmem>>) target(%dma_start3A_213 : memref<10240x128xf32, #tpu.memory_space<vmem_shared>>) offsets(%dma_start3A_210 : memref<128xi32, #tpu.memory_space<vmem>>) semaphore(%run_scoped3A_207 : memref<!tpu.dma_semaphore, #tpu.memory_space<semaphore_mem>>) {add = true}
        %dma_wait3A_214 = arith.constant 0 : i32
        %dma_wait3A_215 = tpu.memref_slice %arg7[%rem3A_56, %run_scoped3A, %dma_wait3A_214] : memref<2x8x128xi32, #tpu.memory_space<vmem>> -> memref<1x1x128xi32, #tpu.memory_space<vmem>>
        %dma_wait3A_216 = tpu.memref_squeeze %dma_wait3A_215 : memref<1x1x128xi32, #tpu.memory_space<vmem>> -> memref<128xi32, #tpu.memory_space<vmem>>
        %dma_wait3A_217 = arith.constant 0 : i32
        %dma_wait3A_218 = arith.constant 0 : i32
        %dma_wait3A_219 = tpu.memref_slice %arg10[%dma_wait3A_217, %dma_wait3A_218] : memref<10240x128xf32, #tpu.memory_space<vmem_shared>> -> memref<10240x128xf32, #tpu.memory_space<vmem_shared>>
        tpu.wait_indirect_dma semaphore(%run_scoped3A_207 : memref<!tpu.dma_semaphore, #tpu.memory_space<semaphore_mem>>) src(%arg8 : memref<128x128xf32, #tpu.memory_space<vmem>>) dst(%dma_wait3A_219 : memref<10240x128xf32, #tpu.memory_space<vmem_shared>>)
        tpu.yield
      }) : () -> ()
      %dma_wait3A_108 = arith.constant 1 : i32
      %dma_wait3A_109 = arith.constant 0 : i32
      %dma_wait3A_110 = tpu.memref_slice %arg6[%rem3A_56, %dma_wait3A_108, %dma_wait3A_109] : memref<2x8x128xi32, #tpu.memory_space<vmem>> -> memref<1x1x128xi32, #tpu.memory_space<vmem>>
      %dma_wait3A_111 = tpu.memref_squeeze %dma_wait3A_110 : memref<1x1x128xi32, #tpu.memory_space<vmem>> -> memref<128xi32, #tpu.memory_space<vmem>>
      %dma_wait3A_112 = arith.constant 0 : i32
      %dma_wait3A_113 = arith.constant 0 : i32
      %dma_wait3A_114 = tpu.memref_slice %arg2[%dma_wait3A_112, %dma_wait3A_113] : memref<10000x128xf32, #tpu.memory_space<hbm>> -> memref<10000x128xf32, #tpu.memory_space<hbm>>
      tpu.wait_indirect_dma semaphore(%arg12 : memref<!tpu.dma_semaphore, #tpu.memory_space<semaphore_mem>>) src(%dma_wait3A_114 : memref<10000x128xf32, #tpu.memory_space<hbm>>) dst(%arg9 : memref<128x128xf32, #tpu.memory_space<vmem>>)
      %dma_start3A_115 = arith.constant 2 : i32
      %dma_start3A_116 = arith.constant 0 : i32
      %dma_start3A_117 = tpu.memref_slice %arg6[%rem3A_56, %dma_start3A_115, %dma_start3A_116] : memref<2x8x128xi32, #tpu.memory_space<vmem>> -> memref<1x1x128xi32, #tpu.memory_space<vmem>>
      %dma_start3A_118 = tpu.memref_squeeze %dma_start3A_117 : memref<1x1x128xi32, #tpu.memory_space<vmem>> -> memref<128xi32, #tpu.memory_space<vmem>>
      %dma_start3A_119 = arith.constant 0 : i32
      %dma_start3A_120 = arith.constant 0 : i32
      %dma_start3A_121 = tpu.memref_slice %arg2[%dma_start3A_119, %dma_start3A_120] : memref<10000x128xf32, #tpu.memory_space<hbm>> -> memref<10000x128xf32, #tpu.memory_space<hbm>>
      tpu.enqueue_indirect_dma source(%dma_start3A_121 : memref<10000x128xf32, #tpu.memory_space<hbm>>) target(%arg8 : memref<128x128xf32, #tpu.memory_space<vmem>>) offsets(%dma_start3A_118 : memref<128xi32, #tpu.memory_space<vmem>>) semaphore(%arg11 : memref<!tpu.dma_semaphore, #tpu.memory_space<semaphore_mem>>)
      %run_scoped3A_122 = arith.constant 1 : i32
      "tpu.region"() ({
        %run_scoped3A_207 = tpu.sem_alloc : memref<!tpu.dma_semaphore, #tpu.memory_space<semaphore_mem>>
        %dma_start3A_208 = arith.constant 0 : i32
        %dma_start3A_209 = tpu.memref_slice %arg7[%rem3A_56, %run_scoped3A_122, %dma_start3A_208] : memref<2x8x128xi32, #tpu.memory_space<vmem>> -> memref<1x1x128xi32, #tpu.memory_space<vmem>>
        %dma_start3A_210 = tpu.memref_squeeze %dma_start3A_209 : memref<1x1x128xi32, #tpu.memory_space<vmem>> -> memref<128xi32, #tpu.memory_space<vmem>>
        %dma_start3A_211 = arith.constant 0 : i32
        %dma_start3A_212 = arith.constant 0 : i32
        %dma_start3A_213 = tpu.memref_slice %arg10[%dma_start3A_211, %dma_start3A_212] : memref<10240x128xf32, #tpu.memory_space<vmem_shared>> -> memref<10240x128xf32, #tpu.memory_space<vmem_shared>>
        tpu.enqueue_indirect_dma source(%arg9 : memref<128x128xf32, #tpu.memory_space<vmem>>) target(%dma_start3A_213 : memref<10240x128xf32, #tpu.memory_space<vmem_shared>>) offsets(%dma_start3A_210 : memref<128xi32, #tpu.memory_space<vmem>>) semaphore(%run_scoped3A_207 : memref<!tpu.dma_semaphore, #tpu.memory_space<semaphore_mem>>) {add = true}
        %dma_wait3A_214 = arith.constant 0 : i32
        %dma_wait3A_215 = tpu.memref_slice %arg7[%rem3A_56, %run_scoped3A_122, %dma_wait3A_214] : memref<2x8x128xi32, #tpu.memory_space<vmem>> -> memref<1x1x128xi32, #tpu.memory_space<vmem>>
        %dma_wait3A_216 = tpu.memref_squeeze %dma_wait3A_215 : memref<1x1x128xi32, #tpu.memory_space<vmem>> -> memref<128xi32, #tpu.memory_space<vmem>>
        %dma_wait3A_217 = arith.constant 0 : i32
        %dma_wait3A_218 = arith.constant 0 : i32
        %dma_wait3A_219 = tpu.memref_slice %arg10[%dma_wait3A_217, %dma_wait3A_218] : memref<10240x128xf32, #tpu.memory_space<vmem_shared>> -> memref<10240x128xf32, #tpu.memory_space<vmem_shared>>
        tpu.wait_indirect_dma semaphore(%run_scoped3A_207 : memref<!tpu.dma_semaphore, #tpu.memory_space<semaphore_mem>>) src(%arg9 : memref<128x128xf32, #tpu.memory_space<vmem>>) dst(%dma_wait3A_219 : memref<10240x128xf32, #tpu.memory_space<vmem_shared>>)
        tpu.yield
      }) : () -> ()
      %dma_wait3A_123 = arith.constant 2 : i32
      %dma_wait3A_124 = arith.constant 0 : i32
      %dma_wait3A_125 = tpu.memref_slice %arg6[%rem3A_56, %dma_wait3A_123, %dma_wait3A_124] : memref<2x8x128xi32, #tpu.memory_space<vmem>> -> memref<1x1x128xi32, #tpu.memory_space<vmem>>
      %dma_wait3A_126 = tpu.memref_squeeze %dma_wait3A_125 : memref<1x1x128xi32, #tpu.memory_space<vmem>> -> memref<128xi32, #tpu.memory_space<vmem>>
      %dma_wait3A_127 = arith.constant 0 : i32
      %dma_wait3A_128 = arith.constant 0 : i32
      %dma_wait3A_129 = tpu.memref_slice %arg2[%dma_wait3A_127, %dma_wait3A_128] : memref<10000x128xf32, #tpu.memory_space<hbm>> -> memref<10000x128xf32, #tpu.memory_space<hbm>>
      tpu.wait_indirect_dma semaphore(%arg11 : memref<!tpu.dma_semaphore, #tpu.memory_space<semaphore_mem>>) src(%dma_wait3A_129 : memref<10000x128xf32, #tpu.memory_space<hbm>>) dst(%arg8 : memref<128x128xf32, #tpu.memory_space<vmem>>)
      %dma_start3A_130 = arith.constant 3 : i32
      %dma_start3A_131 = arith.constant 0 : i32
      %dma_start3A_132 = tpu.memref_slice %arg6[%rem3A_56, %dma_start3A_130, %dma_start3A_131] : memref<2x8x128xi32, #tpu.memory_space<vmem>> -> memref<1x1x128xi32, #tpu.memory_space<vmem>>
      %dma_start3A_133 = tpu.memref_squeeze %dma_start3A_132 : memref<1x1x128xi32, #tpu.memory_space<vmem>> -> memref<128xi32, #tpu.memory_space<vmem>>
      %dma_start3A_134 = arith.constant 0 : i32
      %dma_start3A_135 = arith.constant 0 : i32
      %dma_start3A_136 = tpu.memref_slice %arg2[%dma_start3A_134, %dma_start3A_135] : memref<10000x128xf32, #tpu.memory_space<hbm>> -> memref<10000x128xf32, #tpu.memory_space<hbm>>
      tpu.enqueue_indirect_dma source(%dma_start3A_136 : memref<10000x128xf32, #tpu.memory_space<hbm>>) target(%arg9 : memref<128x128xf32, #tpu.memory_space<vmem>>) offsets(%dma_start3A_133 : memref<128xi32, #tpu.memory_space<vmem>>) semaphore(%arg12 : memref<!tpu.dma_semaphore, #tpu.memory_space<semaphore_mem>>)
      %run_scoped3A_137 = arith.constant 2 : i32
      "tpu.region"() ({
        %run_scoped3A_207 = tpu.sem_alloc : memref<!tpu.dma_semaphore, #tpu.memory_space<semaphore_mem>>
        %dma_start3A_208 = arith.constant 0 : i32
        %dma_start3A_209 = tpu.memref_slice %arg7[%rem3A_56, %run_scoped3A_137, %dma_start3A_208] : memref<2x8x128xi32, #tpu.memory_space<vmem>> -> memref<1x1x128xi32, #tpu.memory_space<vmem>>
        %dma_start3A_210 = tpu.memref_squeeze %dma_start3A_209 : memref<1x1x128xi32, #tpu.memory_space<vmem>> -> memref<128xi32, #tpu.memory_space<vmem>>
        %dma_start3A_211 = arith.constant 0 : i32
        %dma_start3A_212 = arith.constant 0 : i32
        %dma_start3A_213 = tpu.memref_slice %arg10[%dma_start3A_211, %dma_start3A_212] : memref<10240x128xf32, #tpu.memory_space<vmem_shared>> -> memref<10240x128xf32, #tpu.memory_space<vmem_shared>>
        tpu.enqueue_indirect_dma source(%arg8 : memref<128x128xf32, #tpu.memory_space<vmem>>) target(%dma_start3A_213 : memref<10240x128xf32, #tpu.memory_space<vmem_shared>>) offsets(%dma_start3A_210 : memref<128xi32, #tpu.memory_space<vmem>>) semaphore(%run_scoped3A_207 : memref<!tpu.dma_semaphore, #tpu.memory_space<semaphore_mem>>) {add = true}
        %dma_wait3A_214 = arith.constant 0 : i32
        %dma_wait3A_215 = tpu.memref_slice %arg7[%rem3A_56, %run_scoped3A_137, %dma_wait3A_214] : memref<2x8x128xi32, #tpu.memory_space<vmem>> -> memref<1x1x128xi32, #tpu.memory_space<vmem>>
        %dma_wait3A_216 = tpu.memref_squeeze %dma_wait3A_215 : memref<1x1x128xi32, #tpu.memory_space<vmem>> -> memref<128xi32, #tpu.memory_space<vmem>>
        %dma_wait3A_217 = arith.constant 0 : i32
        %dma_wait3A_218 = arith.constant 0 : i32
        %dma_wait3A_219 = tpu.memref_slice %arg10[%dma_wait3A_217, %dma_wait3A_218] : memref<10240x128xf32, #tpu.memory_space<vmem_shared>> -> memref<10240x128xf32, #tpu.memory_space<vmem_shared>>
        tpu.wait_indirect_dma semaphore(%run_scoped3A_207 : memref<!tpu.dma_semaphore, #tpu.memory_space<semaphore_mem>>) src(%arg8 : memref<128x128xf32, #tpu.memory_space<vmem>>) dst(%dma_wait3A_219 : memref<10240x128xf32, #tpu.memory_space<vmem_shared>>)
        tpu.yield
      }) : () -> ()
      %dma_wait3A_138 = arith.constant 3 : i32
      %dma_wait3A_139 = arith.constant 0 : i32
      %dma_wait3A_140 = tpu.memref_slice %arg6[%rem3A_56, %dma_wait3A_138, %dma_wait3A_139] : memref<2x8x128xi32, #tpu.memory_space<vmem>> -> memref<1x1x128xi32, #tpu.memory_space<vmem>>
      %dma_wait3A_141 = tpu.memref_squeeze %dma_wait3A_140 : memref<1x1x128xi32, #tpu.memory_space<vmem>> -> memref<128xi32, #tpu.memory_space<vmem>>
      %dma_wait3A_142 = arith.constant 0 : i32
      %dma_wait3A_143 = arith.constant 0 : i32
      %dma_wait3A_144 = tpu.memref_slice %arg2[%dma_wait3A_142, %dma_wait3A_143] : memref<10000x128xf32, #tpu.memory_space<hbm>> -> memref<10000x128xf32, #tpu.memory_space<hbm>>
      tpu.wait_indirect_dma semaphore(%arg12 : memref<!tpu.dma_semaphore, #tpu.memory_space<semaphore_mem>>) src(%dma_wait3A_144 : memref<10000x128xf32, #tpu.memory_space<hbm>>) dst(%arg9 : memref<128x128xf32, #tpu.memory_space<vmem>>)
      %dma_start3A_145 = arith.constant 4 : i32
      %dma_start3A_146 = arith.constant 0 : i32
      %dma_start3A_147 = tpu.memref_slice %arg6[%rem3A_56, %dma_start3A_145, %dma_start3A_146] : memref<2x8x128xi32, #tpu.memory_space<vmem>> -> memref<1x1x128xi32, #tpu.memory_space<vmem>>
      %dma_start3A_148 = tpu.memref_squeeze %dma_start3A_147 : memref<1x1x128xi32, #tpu.memory_space<vmem>> -> memref<128xi32, #tpu.memory_space<vmem>>
      %dma_start3A_149 = arith.constant 0 : i32
      %dma_start3A_150 = arith.constant 0 : i32
      %dma_start3A_151 = tpu.memref_slice %arg2[%dma_start3A_149, %dma_start3A_150] : memref<10000x128xf32, #tpu.memory_space<hbm>> -> memref<10000x128xf32, #tpu.memory_space<hbm>>
      tpu.enqueue_indirect_dma source(%dma_start3A_151 : memref<10000x128xf32, #tpu.memory_space<hbm>>) target(%arg8 : memref<128x128xf32, #tpu.memory_space<vmem>>) offsets(%dma_start3A_148 : memref<128xi32, #tpu.memory_space<vmem>>) semaphore(%arg11 : memref<!tpu.dma_semaphore, #tpu.memory_space<semaphore_mem>>)
      %run_scoped3A_152 = arith.constant 3 : i32
      "tpu.region"() ({
        %run_scoped3A_207 = tpu.sem_alloc : memref<!tpu.dma_semaphore, #tpu.memory_space<semaphore_mem>>
        %dma_start3A_208 = arith.constant 0 : i32
        %dma_start3A_209 = tpu.memref_slice %arg7[%rem3A_56, %run_scoped3A_152, %dma_start3A_208] : memref<2x8x128xi32, #tpu.memory_space<vmem>> -> memref<1x1x128xi32, #tpu.memory_space<vmem>>
        %dma_start3A_210 = tpu.memref_squeeze %dma_start3A_209 : memref<1x1x128xi32, #tpu.memory_space<vmem>> -> memref<128xi32, #tpu.memory_space<vmem>>
        %dma_start3A_211 = arith.constant 0 : i32
        %dma_start3A_212 = arith.constant 0 : i32
        %dma_start3A_213 = tpu.memref_slice %arg10[%dma_start3A_211, %dma_start3A_212] : memref<10240x128xf32, #tpu.memory_space<vmem_shared>> -> memref<10240x128xf32, #tpu.memory_space<vmem_shared>>
        tpu.enqueue_indirect_dma source(%arg9 : memref<128x128xf32, #tpu.memory_space<vmem>>) target(%dma_start3A_213 : memref<10240x128xf32, #tpu.memory_space<vmem_shared>>) offsets(%dma_start3A_210 : memref<128xi32, #tpu.memory_space<vmem>>) semaphore(%run_scoped3A_207 : memref<!tpu.dma_semaphore, #tpu.memory_space<semaphore_mem>>) {add = true}
        %dma_wait3A_214 = arith.constant 0 : i32
        %dma_wait3A_215 = tpu.memref_slice %arg7[%rem3A_56, %run_scoped3A_152, %dma_wait3A_214] : memref<2x8x128xi32, #tpu.memory_space<vmem>> -> memref<1x1x128xi32, #tpu.memory_space<vmem>>
        %dma_wait3A_216 = tpu.memref_squeeze %dma_wait3A_215 : memref<1x1x128xi32, #tpu.memory_space<vmem>> -> memref<128xi32, #tpu.memory_space<vmem>>
        %dma_wait3A_217 = arith.constant 0 : i32
        %dma_wait3A_218 = arith.constant 0 : i32
        %dma_wait3A_219 = tpu.memref_slice %arg10[%dma_wait3A_217, %dma_wait3A_218] : memref<10240x128xf32, #tpu.memory_space<vmem_shared>> -> memref<10240x128xf32, #tpu.memory_space<vmem_shared>>
        tpu.wait_indirect_dma semaphore(%run_scoped3A_207 : memref<!tpu.dma_semaphore, #tpu.memory_space<semaphore_mem>>) src(%arg9 : memref<128x128xf32, #tpu.memory_space<vmem>>) dst(%dma_wait3A_219 : memref<10240x128xf32, #tpu.memory_space<vmem_shared>>)
        tpu.yield
      }) : () -> ()
      %dma_wait3A_153 = arith.constant 4 : i32
      %dma_wait3A_154 = arith.constant 0 : i32
      %dma_wait3A_155 = tpu.memref_slice %arg6[%rem3A_56, %dma_wait3A_153, %dma_wait3A_154] : memref<2x8x128xi32, #tpu.memory_space<vmem>> -> memref<1x1x128xi32, #tpu.memory_space<vmem>>
      %dma_wait3A_156 = tpu.memref_squeeze %dma_wait3A_155 : memref<1x1x128xi32, #tpu.memory_space<vmem>> -> memref<128xi32, #tpu.memory_space<vmem>>
      %dma_wait3A_157 = arith.constant 0 : i32
      %dma_wait3A_158 = arith.constant 0 : i32
      %dma_wait3A_159 = tpu.memref_slice %arg2[%dma_wait3A_157, %dma_wait3A_158] : memref<10000x128xf32, #tpu.memory_space<hbm>> -> memref<10000x128xf32, #tpu.memory_space<hbm>>
      tpu.wait_indirect_dma semaphore(%arg11 : memref<!tpu.dma_semaphore, #tpu.memory_space<semaphore_mem>>) src(%dma_wait3A_159 : memref<10000x128xf32, #tpu.memory_space<hbm>>) dst(%arg8 : memref<128x128xf32, #tpu.memory_space<vmem>>)
      %dma_start3A_160 = arith.constant 5 : i32
      %dma_start3A_161 = arith.constant 0 : i32
      %dma_start3A_162 = tpu.memref_slice %arg6[%rem3A_56, %dma_start3A_160, %dma_start3A_161] : memref<2x8x128xi32, #tpu.memory_space<vmem>> -> memref<1x1x128xi32, #tpu.memory_space<vmem>>
      %dma_start3A_163 = tpu.memref_squeeze %dma_start3A_162 : memref<1x1x128xi32, #tpu.memory_space<vmem>> -> memref<128xi32, #tpu.memory_space<vmem>>
      %dma_start3A_164 = arith.constant 0 : i32
      %dma_start3A_165 = arith.constant 0 : i32
      %dma_start3A_166 = tpu.memref_slice %arg2[%dma_start3A_164, %dma_start3A_165] : memref<10000x128xf32, #tpu.memory_space<hbm>> -> memref<10000x128xf32, #tpu.memory_space<hbm>>
      tpu.enqueue_indirect_dma source(%dma_start3A_166 : memref<10000x128xf32, #tpu.memory_space<hbm>>) target(%arg9 : memref<128x128xf32, #tpu.memory_space<vmem>>) offsets(%dma_start3A_163 : memref<128xi32, #tpu.memory_space<vmem>>) semaphore(%arg12 : memref<!tpu.dma_semaphore, #tpu.memory_space<semaphore_mem>>)
      %run_scoped3A_167 = arith.constant 4 : i32
      "tpu.region"() ({
        %run_scoped3A_207 = tpu.sem_alloc : memref<!tpu.dma_semaphore, #tpu.memory_space<semaphore_mem>>
        %dma_start3A_208 = arith.constant 0 : i32
        %dma_start3A_209 = tpu.memref_slice %arg7[%rem3A_56, %run_scoped3A_167, %dma_start3A_208] : memref<2x8x128xi32, #tpu.memory_space<vmem>> -> memref<1x1x128xi32, #tpu.memory_space<vmem>>
        %dma_start3A_210 = tpu.memref_squeeze %dma_start3A_209 : memref<1x1x128xi32, #tpu.memory_space<vmem>> -> memref<128xi32, #tpu.memory_space<vmem>>
        %dma_start3A_211 = arith.constant 0 : i32
        %dma_start3A_212 = arith.constant 0 : i32
        %dma_start3A_213 = tpu.memref_slice %arg10[%dma_start3A_211, %dma_start3A_212] : memref<10240x128xf32, #tpu.memory_space<vmem_shared>> -> memref<10240x128xf32, #tpu.memory_space<vmem_shared>>
        tpu.enqueue_indirect_dma source(%arg8 : memref<128x128xf32, #tpu.memory_space<vmem>>) target(%dma_start3A_213 : memref<10240x128xf32, #tpu.memory_space<vmem_shared>>) offsets(%dma_start3A_210 : memref<128xi32, #tpu.memory_space<vmem>>) semaphore(%run_scoped3A_207 : memref<!tpu.dma_semaphore, #tpu.memory_space<semaphore_mem>>) {add = true}
        %dma_wait3A_214 = arith.constant 0 : i32
        %dma_wait3A_215 = tpu.memref_slice %arg7[%rem3A_56, %run_scoped3A_167, %dma_wait3A_214] : memref<2x8x128xi32, #tpu.memory_space<vmem>> -> memref<1x1x128xi32, #tpu.memory_space<vmem>>
        %dma_wait3A_216 = tpu.memref_squeeze %dma_wait3A_215 : memref<1x1x128xi32, #tpu.memory_space<vmem>> -> memref<128xi32, #tpu.memory_space<vmem>>
        %dma_wait3A_217 = arith.constant 0 : i32
        %dma_wait3A_218 = arith.constant 0 : i32
        %dma_wait3A_219 = tpu.memref_slice %arg10[%dma_wait3A_217, %dma_wait3A_218] : memref<10240x128xf32, #tpu.memory_space<vmem_shared>> -> memref<10240x128xf32, #tpu.memory_space<vmem_shared>>
        tpu.wait_indirect_dma semaphore(%run_scoped3A_207 : memref<!tpu.dma_semaphore, #tpu.memory_space<semaphore_mem>>) src(%arg8 : memref<128x128xf32, #tpu.memory_space<vmem>>) dst(%dma_wait3A_219 : memref<10240x128xf32, #tpu.memory_space<vmem_shared>>)
        tpu.yield
      }) : () -> ()
      %dma_wait3A_168 = arith.constant 5 : i32
      %dma_wait3A_169 = arith.constant 0 : i32
      %dma_wait3A_170 = tpu.memref_slice %arg6[%rem3A_56, %dma_wait3A_168, %dma_wait3A_169] : memref<2x8x128xi32, #tpu.memory_space<vmem>> -> memref<1x1x128xi32, #tpu.memory_space<vmem>>
      %dma_wait3A_171 = tpu.memref_squeeze %dma_wait3A_170 : memref<1x1x128xi32, #tpu.memory_space<vmem>> -> memref<128xi32, #tpu.memory_space<vmem>>
      %dma_wait3A_172 = arith.constant 0 : i32
      %dma_wait3A_173 = arith.constant 0 : i32
      %dma_wait3A_174 = tpu.memref_slice %arg2[%dma_wait3A_172, %dma_wait3A_173] : memref<10000x128xf32, #tpu.memory_space<hbm>> -> memref<10000x128xf32, #tpu.memory_space<hbm>>
      tpu.wait_indirect_dma semaphore(%arg12 : memref<!tpu.dma_semaphore, #tpu.memory_space<semaphore_mem>>) src(%dma_wait3A_174 : memref<10000x128xf32, #tpu.memory_space<hbm>>) dst(%arg9 : memref<128x128xf32, #tpu.memory_space<vmem>>)
      %dma_start3A_175 = arith.constant 6 : i32
      %dma_start3A_176 = arith.constant 0 : i32
      %dma_start3A_177 = tpu.memref_slice %arg6[%rem3A_56, %dma_start3A_175, %dma_start3A_176] : memref<2x8x128xi32, #tpu.memory_space<vmem>> -> memref<1x1x128xi32, #tpu.memory_space<vmem>>
      %dma_start3A_178 = tpu.memref_squeeze %dma_start3A_177 : memref<1x1x128xi32, #tpu.memory_space<vmem>> -> memref<128xi32, #tpu.memory_space<vmem>>
      %dma_start3A_179 = arith.constant 0 : i32
      %dma_start3A_180 = arith.constant 0 : i32
      %dma_start3A_181 = tpu.memref_slice %arg2[%dma_start3A_179, %dma_start3A_180] : memref<10000x128xf32, #tpu.memory_space<hbm>> -> memref<10000x128xf32, #tpu.memory_space<hbm>>
      tpu.enqueue_indirect_dma source(%dma_start3A_181 : memref<10000x128xf32, #tpu.memory_space<hbm>>) target(%arg8 : memref<128x128xf32, #tpu.memory_space<vmem>>) offsets(%dma_start3A_178 : memref<128xi32, #tpu.memory_space<vmem>>) semaphore(%arg11 : memref<!tpu.dma_semaphore, #tpu.memory_space<semaphore_mem>>)
      %run_scoped3A_182 = arith.constant 5 : i32
      "tpu.region"() ({
        %run_scoped3A_207 = tpu.sem_alloc : memref<!tpu.dma_semaphore, #tpu.memory_space<semaphore_mem>>
        %dma_start3A_208 = arith.constant 0 : i32
        %dma_start3A_209 = tpu.memref_slice %arg7[%rem3A_56, %run_scoped3A_182, %dma_start3A_208] : memref<2x8x128xi32, #tpu.memory_space<vmem>> -> memref<1x1x128xi32, #tpu.memory_space<vmem>>
        %dma_start3A_210 = tpu.memref_squeeze %dma_start3A_209 : memref<1x1x128xi32, #tpu.memory_space<vmem>> -> memref<128xi32, #tpu.memory_space<vmem>>
        %dma_start3A_211 = arith.constant 0 : i32
        %dma_start3A_212 = arith.constant 0 : i32
        %dma_start3A_213 = tpu.memref_slice %arg10[%dma_start3A_211, %dma_start3A_212] : memref<10240x128xf32, #tpu.memory_space<vmem_shared>> -> memref<10240x128xf32, #tpu.memory_space<vmem_shared>>
        tpu.enqueue_indirect_dma source(%arg9 : memref<128x128xf32, #tpu.memory_space<vmem>>) target(%dma_start3A_213 : memref<10240x128xf32, #tpu.memory_space<vmem_shared>>) offsets(%dma_start3A_210 : memref<128xi32, #tpu.memory_space<vmem>>) semaphore(%run_scoped3A_207 : memref<!tpu.dma_semaphore, #tpu.memory_space<semaphore_mem>>) {add = true}
        %dma_wait3A_214 = arith.constant 0 : i32
        %dma_wait3A_215 = tpu.memref_slice %arg7[%rem3A_56, %run_scoped3A_182, %dma_wait3A_214] : memref<2x8x128xi32, #tpu.memory_space<vmem>> -> memref<1x1x128xi32, #tpu.memory_space<vmem>>
        %dma_wait3A_216 = tpu.memref_squeeze %dma_wait3A_215 : memref<1x1x128xi32, #tpu.memory_space<vmem>> -> memref<128xi32, #tpu.memory_space<vmem>>
        %dma_wait3A_217 = arith.constant 0 : i32
        %dma_wait3A_218 = arith.constant 0 : i32
        %dma_wait3A_219 = tpu.memref_slice %arg10[%dma_wait3A_217, %dma_wait3A_218] : memref<10240x128xf32, #tpu.memory_space<vmem_shared>> -> memref<10240x128xf32, #tpu.memory_space<vmem_shared>>
        tpu.wait_indirect_dma semaphore(%run_scoped3A_207 : memref<!tpu.dma_semaphore, #tpu.memory_space<semaphore_mem>>) src(%arg9 : memref<128x128xf32, #tpu.memory_space<vmem>>) dst(%dma_wait3A_219 : memref<10240x128xf32, #tpu.memory_space<vmem_shared>>)
        tpu.yield
      }) : () -> ()
      %dma_wait3A_183 = arith.constant 6 : i32
      %dma_wait3A_184 = arith.constant 0 : i32
      %dma_wait3A_185 = tpu.memref_slice %arg6[%rem3A_56, %dma_wait3A_183, %dma_wait3A_184] : memref<2x8x128xi32, #tpu.memory_space<vmem>> -> memref<1x1x128xi32, #tpu.memory_space<vmem>>
      %dma_wait3A_186 = tpu.memref_squeeze %dma_wait3A_185 : memref<1x1x128xi32, #tpu.memory_space<vmem>> -> memref<128xi32, #tpu.memory_space<vmem>>
      %dma_wait3A_187 = arith.constant 0 : i32
      %dma_wait3A_188 = arith.constant 0 : i32
      %dma_wait3A_189 = tpu.memref_slice %arg2[%dma_wait3A_187, %dma_wait3A_188] : memref<10000x128xf32, #tpu.memory_space<hbm>> -> memref<10000x128xf32, #tpu.memory_space<hbm>>
      tpu.wait_indirect_dma semaphore(%arg11 : memref<!tpu.dma_semaphore, #tpu.memory_space<semaphore_mem>>) src(%dma_wait3A_189 : memref<10000x128xf32, #tpu.memory_space<hbm>>) dst(%arg8 : memref<128x128xf32, #tpu.memory_space<vmem>>)
      %dma_start3A_190 = arith.constant 7 : i32
      %dma_start3A_191 = arith.constant 0 : i32
      %dma_start3A_192 = tpu.memref_slice %arg6[%rem3A_56, %dma_start3A_190, %dma_start3A_191] : memref<2x8x128xi32, #tpu.memory_space<vmem>> -> memref<1x1x128xi32, #tpu.memory_space<vmem>>
      %dma_start3A_193 = tpu.memref_squeeze %dma_start3A_192 : memref<1x1x128xi32, #tpu.memory_space<vmem>> -> memref<128xi32, #tpu.memory_space<vmem>>
      %dma_start3A_194 = arith.constant 0 : i32
      %dma_start3A_195 = arith.constant 0 : i32
      %dma_start3A_196 = tpu.memref_slice %arg2[%dma_start3A_194, %dma_start3A_195] : memref<10000x128xf32, #tpu.memory_space<hbm>> -> memref<10000x128xf32, #tpu.memory_space<hbm>>
      tpu.enqueue_indirect_dma source(%dma_start3A_196 : memref<10000x128xf32, #tpu.memory_space<hbm>>) target(%arg9 : memref<128x128xf32, #tpu.memory_space<vmem>>) offsets(%dma_start3A_193 : memref<128xi32, #tpu.memory_space<vmem>>) semaphore(%arg12 : memref<!tpu.dma_semaphore, #tpu.memory_space<semaphore_mem>>)
      %run_scoped3A_197 = arith.constant 6 : i32
      "tpu.region"() ({
        %run_scoped3A_207 = tpu.sem_alloc : memref<!tpu.dma_semaphore, #tpu.memory_space<semaphore_mem>>
        %dma_start3A_208 = arith.constant 0 : i32
        %dma_start3A_209 = tpu.memref_slice %arg7[%rem3A_56, %run_scoped3A_197, %dma_start3A_208] : memref<2x8x128xi32, #tpu.memory_space<vmem>> -> memref<1x1x128xi32, #tpu.memory_space<vmem>>
        %dma_start3A_210 = tpu.memref_squeeze %dma_start3A_209 : memref<1x1x128xi32, #tpu.memory_space<vmem>> -> memref<128xi32, #tpu.memory_space<vmem>>
        %dma_start3A_211 = arith.constant 0 : i32
        %dma_start3A_212 = arith.constant 0 : i32
        %dma_start3A_213 = tpu.memref_slice %arg10[%dma_start3A_211, %dma_start3A_212] : memref<10240x128xf32, #tpu.memory_space<vmem_shared>> -> memref<10240x128xf32, #tpu.memory_space<vmem_shared>>
        tpu.enqueue_indirect_dma source(%arg8 : memref<128x128xf32, #tpu.memory_space<vmem>>) target(%dma_start3A_213 : memref<10240x128xf32, #tpu.memory_space<vmem_shared>>) offsets(%dma_start3A_210 : memref<128xi32, #tpu.memory_space<vmem>>) semaphore(%run_scoped3A_207 : memref<!tpu.dma_semaphore, #tpu.memory_space<semaphore_mem>>) {add = true}
        %dma_wait3A_214 = arith.constant 0 : i32
        %dma_wait3A_215 = tpu.memref_slice %arg7[%rem3A_56, %run_scoped3A_197, %dma_wait3A_214] : memref<2x8x128xi32, #tpu.memory_space<vmem>> -> memref<1x1x128xi32, #tpu.memory_space<vmem>>
        %dma_wait3A_216 = tpu.memref_squeeze %dma_wait3A_215 : memref<1x1x128xi32, #tpu.memory_space<vmem>> -> memref<128xi32, #tpu.memory_space<vmem>>
        %dma_wait3A_217 = arith.constant 0 : i32
        %dma_wait3A_218 = arith.constant 0 : i32
        %dma_wait3A_219 = tpu.memref_slice %arg10[%dma_wait3A_217, %dma_wait3A_218] : memref<10240x128xf32, #tpu.memory_space<vmem_shared>> -> memref<10240x128xf32, #tpu.memory_space<vmem_shared>>
        tpu.wait_indirect_dma semaphore(%run_scoped3A_207 : memref<!tpu.dma_semaphore, #tpu.memory_space<semaphore_mem>>) src(%arg8 : memref<128x128xf32, #tpu.memory_space<vmem>>) dst(%dma_wait3A_219 : memref<10240x128xf32, #tpu.memory_space<vmem_shared>>)
        tpu.yield
      }) : () -> ()
      %dma_wait3A_198 = arith.constant 7 : i32
      %dma_wait3A_199 = arith.constant 0 : i32
      %dma_wait3A_200 = tpu.memref_slice %arg6[%rem3A_56, %dma_wait3A_198, %dma_wait3A_199] : memref<2x8x128xi32, #tpu.memory_space<vmem>> -> memref<1x1x128xi32, #tpu.memory_space<vmem>>
      %dma_wait3A_201 = tpu.memref_squeeze %dma_wait3A_200 : memref<1x1x128xi32, #tpu.memory_space<vmem>> -> memref<128xi32, #tpu.memory_space<vmem>>
      %dma_wait3A_202 = arith.constant 0 : i32
      %dma_wait3A_203 = arith.constant 0 : i32
      %dma_wait3A_204 = tpu.memref_slice %arg2[%dma_wait3A_202, %dma_wait3A_203] : memref<10000x128xf32, #tpu.memory_space<hbm>> -> memref<10000x128xf32, #tpu.memory_space<hbm>>
      tpu.wait_indirect_dma semaphore(%arg12 : memref<!tpu.dma_semaphore, #tpu.memory_space<semaphore_mem>>) src(%dma_wait3A_204 : memref<10000x128xf32, #tpu.memory_space<hbm>>) dst(%arg9 : memref<128x128xf32, #tpu.memory_space<vmem>>)
      %run_scoped3A_205 = arith.constant 7 : i32
      "tpu.region"() ({
        %run_scoped3A_207 = tpu.sem_alloc : memref<!tpu.dma_semaphore, #tpu.memory_space<semaphore_mem>>
        %dma_start3A_208 = arith.constant 0 : i32
        %dma_start3A_209 = tpu.memref_slice %arg7[%rem3A_56, %run_scoped3A_205, %dma_start3A_208] : memref<2x8x128xi32, #tpu.memory_space<vmem>> -> memref<1x1x128xi32, #tpu.memory_space<vmem>>
        %dma_start3A_210 = tpu.memref_squeeze %dma_start3A_209 : memref<1x1x128xi32, #tpu.memory_space<vmem>> -> memref<128xi32, #tpu.memory_space<vmem>>
        %dma_start3A_211 = arith.constant 0 : i32
        %dma_start3A_212 = arith.constant 0 : i32
        %dma_start3A_213 = tpu.memref_slice %arg10[%dma_start3A_211, %dma_start3A_212] : memref<10240x128xf32, #tpu.memory_space<vmem_shared>> -> memref<10240x128xf32, #tpu.memory_space<vmem_shared>>
        tpu.enqueue_indirect_dma source(%arg9 : memref<128x128xf32, #tpu.memory_space<vmem>>) target(%dma_start3A_213 : memref<10240x128xf32, #tpu.memory_space<vmem_shared>>) offsets(%dma_start3A_210 : memref<128xi32, #tpu.memory_space<vmem>>) semaphore(%run_scoped3A_207 : memref<!tpu.dma_semaphore, #tpu.memory_space<semaphore_mem>>) {add = true}
        %dma_wait3A_214 = arith.constant 0 : i32
        %dma_wait3A_215 = tpu.memref_slice %arg7[%rem3A_56, %run_scoped3A_205, %dma_wait3A_214] : memref<2x8x128xi32, #tpu.memory_space<vmem>> -> memref<1x1x128xi32, #tpu.memory_space<vmem>>
        %dma_wait3A_216 = tpu.memref_squeeze %dma_wait3A_215 : memref<1x1x128xi32, #tpu.memory_space<vmem>> -> memref<128xi32, #tpu.memory_space<vmem>>
        %dma_wait3A_217 = arith.constant 0 : i32
        %dma_wait3A_218 = arith.constant 0 : i32
        %dma_wait3A_219 = tpu.memref_slice %arg10[%dma_wait3A_217, %dma_wait3A_218] : memref<10240x128xf32, #tpu.memory_space<vmem_shared>> -> memref<10240x128xf32, #tpu.memory_space<vmem_shared>>
        tpu.wait_indirect_dma semaphore(%run_scoped3A_207 : memref<!tpu.dma_semaphore, #tpu.memory_space<semaphore_mem>>) src(%arg9 : memref<128x128xf32, #tpu.memory_space<vmem>>) dst(%dma_wait3A_219 : memref<10240x128xf32, #tpu.memory_space<vmem_shared>>)
        tpu.yield
      }) : () -> ()
      %scan3A_206 = arith.constant 0 : i32
      scf.yield %scan3A_206 : i32
    }
    %scan3A_52 = arith.constant 10 : i32
    %barrier3A_53 = arith.constant 0 : index
    tpu.barrier barrier_id(%barrier3A_53)
    "tpu.region"() ({
      %run_scoped3A = tpu.sem_alloc : memref<!tpu.dma_semaphore, #tpu.memory_space<semaphore_mem>>
      %dma_start3A_54 = arith.constant 0 : i32
      %dma_start3A_55 = tpu.memref_slice %arg5[%arg0, %mul3A_2, %dma_start3A_54] : memref<2x10240x128xf32, #tpu.memory_space<hbm>> -> memref<1x640x128xf32, #tpu.memory_space<hbm>>
      %dma_start3A_56 = tpu.memref_squeeze %dma_start3A_55 : memref<1x640x128xf32, #tpu.memory_space<hbm>> -> memref<640x128xf32, #tpu.memory_space<hbm>>
      %dma_start3A_57 = arith.constant 0 : i32
      %dma_start3A_58 = tpu.memref_slice %arg10[%mul3A_2, %dma_start3A_57] : memref<10240x128xf32, #tpu.memory_space<vmem_shared>> -> memref<640x128xf32, #tpu.memory_space<vmem_shared>>
      tpu.enqueue_dma source(%dma_start3A_58 : memref<640x128xf32, #tpu.memory_space<vmem_shared>>) target(%dma_start3A_56 : memref<640x128xf32, #tpu.memory_space<hbm>>) target_semaphore(%run_scoped3A : memref<!tpu.dma_semaphore, #tpu.memory_space<semaphore_mem>>)
      %dma_wait3A = arith.constant 0 : i32
      %dma_wait3A_59 = tpu.memref_slice %arg5[%arg0, %mul3A_2, %dma_wait3A] : memref<2x10240x128xf32, #tpu.memory_space<hbm>> -> memref<1x640x128xf32, #tpu.memory_space<hbm>>
      %dma_wait3A_60 = tpu.memref_squeeze %dma_wait3A_59 : memref<1x640x128xf32, #tpu.memory_space<hbm>> -> memref<640x128xf32, #tpu.memory_space<hbm>>
      %dma_wait3A_61 = arith.constant 0 : i32
      %dma_wait3A_62 = tpu.memref_slice %arg10[%mul3A_2, %dma_wait3A_61] : memref<10240x128xf32, #tpu.memory_space<vmem_shared>> -> memref<640x128xf32, #tpu.memory_space<vmem_shared>>
      tpu.wait_dma2 semaphore(%run_scoped3A : memref<!tpu.dma_semaphore, #tpu.memory_space<semaphore_mem>>) src(%dma_wait3A_62 : memref<640x128xf32, #tpu.memory_space<vmem_shared>>) dst(%dma_wait3A_60 : memref<640x128xf32, #tpu.memory_space<hbm>>)
      tpu.yield
    }) : () -> ()
    return
  }
}

module attributes {stable_mosaic.version = 14 : i64} {
  func.func @_mm_scale_body(%arg0: i32, %arg1: memref<1000x128xf32, #tpu.memory_space<vmem>>, %arg2: memref<128x128xf32, #tpu.memory_space<vmem>>, %arg3: memref<1000x1xf32, #tpu.memory_space<vmem>>, %arg4: memref<1000x128xf32, #tpu.memory_space<vmem>>) attributes {dimension_semantics = [#tpu.dimension_semantics<arbitrary>], iteration_bounds = array<i64: 10>, scalar_prefetch = 0 : i64, scratch_operands = 0 : i64, tpu.core_type = #tpu.core_type<tc>, window_params = [{transform_indices = @transform_0, window_bounds = array<i64: 1000, 128>}, {pipeline_mode = #tpu.pipeline_mode<synchronous>, transform_indices = @transform_1, window_bounds = array<i64: 128, 128>}, {transform_indices = @transform_2, window_bounds = array<i64: 1000, 1>}, {transform_indices = @transform_3, window_bounds = array<i64: 1000, 128>}]} {
    %get3A = arith.constant 0 : index
    %get3A_0 = arith.constant 0 : index
    %get3A_1 = vector.load %arg1[%get3A, %get3A_0] : memref<1000x128xf32, #tpu.memory_space<vmem>>, vector<1000x128xf32>
    %get3A_2 = arith.constant 0 : index
    %get3A_3 = arith.constant 0 : index
    %get3A_4 = vector.load %arg2[%get3A_2, %get3A_3] : memref<128x128xf32, #tpu.memory_space<vmem>>, vector<128x128xf32>
    %dot_general3A = arith.constant dense<0.000000e+00> : vector<1000x128xf32>
    %dot_general3A_5 = tpu.matmul %get3A_1, %get3A_4, %dot_general3A {dimension_numbers = #tpu.dot_dimension_numbers<[1], [0], [0], [1], [0, 0, 1, 1], [], []>, transpose_lhs_hint = false} : vector<1000x128xf32>, vector<128x128xf32>, vector<1000x128xf32> -> vector<1000x128xf32>
    %get3A_6 = arith.constant 0 : index
    %get3A_7 = arith.constant 0 : index
    %get3A_8 = vector.load %arg3[%get3A_6, %get3A_7] : memref<1000x1xf32, #tpu.memory_space<vmem>>, vector<1000x1xf32>
    %mul3A = vector.broadcast %get3A_8 : vector<1000x1xf32> to vector<1000x128xf32>
    %mul3A_9 = arith.mulf %dot_general3A_5, %mul3A : vector<1000x128xf32>
    %swap3A = arith.constant 0 : index
    %swap3A_10 = arith.constant 0 : index
    %swap3A_11 = vector.load %arg4[%swap3A, %swap3A_10] : memref<1000x128xf32, #tpu.memory_space<vmem>>, vector<1000x128xf32>
    tpu.vector_store %arg4[%swap3A, %swap3A_10], %mul3A_9 {strides = array<i32>} : memref<1000x128xf32, #tpu.memory_space<vmem>>, vector<1000x128xf32>,
    return
  }
  func.func @transform_0(%arg0: i32) -> (i32, i32) {
    %c0_i32 = arith.constant 0 : i32
    %c0_i32_0 = arith.constant 0 : i32
    return %arg0, %c0_i32 : i32, i32
  }
  func.func @transform_1(%arg0: i32) -> (i32, i32) {
    %c0_i32 = arith.constant 0 : i32
    %c0_i32_0 = arith.constant 0 : i32
    %c0_i32_1 = arith.constant 0 : i32
    return %c0_i32, %c0_i32_0 : i32, i32
  }
  func.func @transform_2(%arg0: i32) -> (i32, i32) {
    %c0_i32 = arith.constant 0 : i32
    %c0_i32_0 = arith.constant 0 : i32
    return %arg0, %c0_i32 : i32, i32
  }
  func.func @transform_3(%arg0: i32) -> (i32, i32) {
    %c0_i32 = arith.constant 0 : i32
    %c0_i32_0 = arith.constant 0 : i32
    return %arg0, %c0_i32 : i32, i32
  }
}

module attributes {stable_mosaic.version = 14 : i64} {
  func.func @_mid_body(%arg0: i32, %arg1: memref<1x1000x128xf32, #tpu.memory_space<vmem>>, %arg2: memref<1x1000x128xf32, #tpu.memory_space<vmem>>, %arg3: memref<1000x1xf32, #tpu.memory_space<vmem>>, %arg4: memref<1x128xf32, #tpu.memory_space<vmem>>, %arg5: memref<1000x1xf32, #tpu.memory_space<vmem>>, %arg6: memref<128x128xf32, #tpu.memory_space<vmem>>, %arg7: memref<1000x128xf32, #tpu.memory_space<vmem>>) attributes {dimension_semantics = [#tpu.dimension_semantics<arbitrary>], iteration_bounds = array<i64: 10>, scalar_prefetch = 0 : i64, scratch_operands = 0 : i64, tpu.core_type = #tpu.core_type<tc>, window_params = [{transform_indices = @transform_0, window_bounds = array<i64: 1, 1000, 128>}, {transform_indices = @transform_1, window_bounds = array<i64: 1, 1000, 128>}, {transform_indices = @transform_2, window_bounds = array<i64: 1000, 1>}, {pipeline_mode = #tpu.pipeline_mode<synchronous>, transform_indices = @transform_3, window_bounds = array<i64: 1, 128>}, {transform_indices = @transform_4, window_bounds = array<i64: 1000, 1>}, {pipeline_mode = #tpu.pipeline_mode<synchronous>, transform_indices = @transform_5, window_bounds = array<i64: 128, 128>}, {transform_indices = @transform_6, window_bounds = array<i64: 1000, 128>}]} {
    %get3A = arith.constant 0 : index
    %get3A_0 = arith.constant 0 : index
    %get3A_1 = arith.constant 0 : index
    %get3A_2 = vector.load %arg1[%get3A, %get3A_0, %get3A_1] : memref<1x1000x128xf32, #tpu.memory_space<vmem>>, vector<1x1000x128xf32>
    %get3A_3 = vector.shape_cast %get3A_2 : vector<1x1000x128xf32> to vector<1000x128xf32>
    %get3A_4 = arith.constant 0 : index
    %get3A_5 = arith.constant 0 : index
    %get3A_6 = arith.constant 0 : index
    %get3A_7 = vector.load %arg2[%get3A_4, %get3A_5, %get3A_6] : memref<1x1000x128xf32, #tpu.memory_space<vmem>>, vector<1x1000x128xf32>
    %get3A_8 = vector.shape_cast %get3A_7 : vector<1x1000x128xf32> to vector<1000x128xf32>
    %add3A = arith.addf %get3A_3, %get3A_8 : vector<1000x128xf32>
    %get3A_9 = arith.constant 0 : index
    %get3A_10 = arith.constant 0 : index
    %get3A_11 = vector.load %arg3[%get3A_9, %get3A_10] : memref<1000x1xf32, #tpu.memory_space<vmem>>, vector<1000x1xf32>
    %mul3A = vector.broadcast %get3A_11 : vector<1000x1xf32> to vector<1000x128xf32>
    %mul3A_12 = arith.mulf %add3A, %mul3A : vector<1000x128xf32>
    %get3A_13 = arith.constant 0 : index
    %get3A_14 = arith.constant 0 : index
    %get3A_15 = vector.load %arg4[%get3A_13, %get3A_14] : memref<1x128xf32, #tpu.memory_space<vmem>>, vector<1x128xf32>
    %add3A_16 = vector.broadcast %get3A_15 : vector<1x128xf32> to vector<1000x128xf32>
    %add3A_17 = arith.addf %mul3A_12, %add3A_16 : vector<1000x128xf32>
    %max3A = arith.constant 0.000000e+00 : f32
    %max3A_18 = vector.broadcast %max3A : f32 to vector<1000x128xf32>
    %max3A_19 = arith.maximumf %add3A_17, %max3A_18 : vector<1000x128xf32>
    %get3A_20 = arith.constant 0 : index
    %get3A_21 = arith.constant 0 : index
    %get3A_22 = vector.load %arg5[%get3A_20, %get3A_21] : memref<1000x1xf32, #tpu.memory_space<vmem>>, vector<1000x1xf32>
    %mul3A_23 = vector.broadcast %get3A_22 : vector<1000x1xf32> to vector<1000x128xf32>
    %mul3A_24 = arith.mulf %max3A_19, %mul3A_23 : vector<1000x128xf32>
    %get3A_25 = arith.constant 0 : index
    %get3A_26 = arith.constant 0 : index
    %get3A_27 = vector.load %arg6[%get3A_25, %get3A_26] : memref<128x128xf32, #tpu.memory_space<vmem>>, vector<128x128xf32>
    %dot_general3A = arith.constant dense<0.000000e+00> : vector<1000x128xf32>
    %dot_general3A_28 = tpu.matmul %mul3A_24, %get3A_27, %dot_general3A {dimension_numbers = #tpu.dot_dimension_numbers<[1], [0], [0], [1], [0, 0, 1, 1], [], []>, transpose_lhs_hint = false} : vector<1000x128xf32>, vector<128x128xf32>, vector<1000x128xf32> -> vector<1000x128xf32>
    %swap3A = arith.constant 0 : index
    %swap3A_29 = arith.constant 0 : index
    %swap3A_30 = vector.load %arg7[%swap3A, %swap3A_29] : memref<1000x128xf32, #tpu.memory_space<vmem>>, vector<1000x128xf32>
    tpu.vector_store %arg7[%swap3A, %swap3A_29], %dot_general3A_28 {strides = array<i32>} : memref<1000x128xf32, #tpu.memory_space<vmem>>, vector<1000x128xf32>,
    return
  }
  func.func @transform_0(%arg0: i32) -> (i32, i32, i32) {
    %c0_i32 = arith.constant 0 : i32
    %c0_i32_0 = arith.constant 0 : i32
    %c0_i32_1 = arith.constant 0 : i32
    return %c0_i32, %arg0, %c0_i32_0 : i32, i32, i32
  }
  func.func @transform_1(%arg0: i32) -> (i32, i32, i32) {
    %c1_i32 = arith.constant 1 : i32
    %c0_i32 = arith.constant 0 : i32
    %c0_i32_0 = arith.constant 0 : i32
    return %c1_i32, %arg0, %c0_i32 : i32, i32, i32
  }
  func.func @transform_2(%arg0: i32) -> (i32, i32) {
    %c0_i32 = arith.constant 0 : i32
    %c0_i32_0 = arith.constant 0 : i32
    return %arg0, %c0_i32 : i32, i32
  }
  func.func @transform_3(%arg0: i32) -> (i32, i32) {
    %c0_i32 = arith.constant 0 : i32
    %c0_i32_0 = arith.constant 0 : i32
    %c0_i32_1 = arith.constant 0 : i32
    return %c0_i32, %c0_i32_0 : i32, i32
  }
  func.func @transform_4(%arg0: i32) -> (i32, i32) {
    %c0_i32 = arith.constant 0 : i32
    %c0_i32_0 = arith.constant 0 : i32
    return %arg0, %c0_i32 : i32, i32
  }
  func.func @transform_5(%arg0: i32) -> (i32, i32) {
    %c0_i32 = arith.constant 0 : i32
    %c0_i32_0 = arith.constant 0 : i32
    %c0_i32_1 = arith.constant 0 : i32
    return %c0_i32, %c0_i32_0 : i32, i32
  }
  func.func @transform_6(%arg0: i32) -> (i32, i32) {
    %c0_i32 = arith.constant 0 : i32
    %c0_i32_0 = arith.constant 0 : i32
    return %arg0, %c0_i32 : i32, i32
  }
}

module attributes {stable_mosaic.version = 14 : i64} {
  func.func @_fin_body(%arg0: i32, %arg1: memref<1x1000x128xf32, #tpu.memory_space<vmem>>, %arg2: memref<1x1000x128xf32, #tpu.memory_space<vmem>>, %arg3: memref<1000x1xf32, #tpu.memory_space<vmem>>, %arg4: memref<1x128xf32, #tpu.memory_space<vmem>>, %arg5: memref<1000x128xf32, #tpu.memory_space<vmem>>) attributes {dimension_semantics = [#tpu.dimension_semantics<arbitrary>], iteration_bounds = array<i64: 10>, scalar_prefetch = 0 : i64, scratch_operands = 0 : i64, tpu.core_type = #tpu.core_type<tc>, window_params = [{transform_indices = @transform_0, window_bounds = array<i64: 1, 1000, 128>}, {transform_indices = @transform_1, window_bounds = array<i64: 1, 1000, 128>}, {transform_indices = @transform_2, window_bounds = array<i64: 1000, 1>}, {pipeline_mode = #tpu.pipeline_mode<synchronous>, transform_indices = @transform_3, window_bounds = array<i64: 1, 128>}, {transform_indices = @transform_4, window_bounds = array<i64: 1000, 128>}]} {
    %get3A = arith.constant 0 : index
    %get3A_0 = arith.constant 0 : index
    %get3A_1 = arith.constant 0 : index
    %get3A_2 = vector.load %arg1[%get3A, %get3A_0, %get3A_1] : memref<1x1000x128xf32, #tpu.memory_space<vmem>>, vector<1x1000x128xf32>
    %get3A_3 = vector.shape_cast %get3A_2 : vector<1x1000x128xf32> to vector<1000x128xf32>
    %get3A_4 = arith.constant 0 : index
    %get3A_5 = arith.constant 0 : index
    %get3A_6 = arith.constant 0 : index
    %get3A_7 = vector.load %arg2[%get3A_4, %get3A_5, %get3A_6] : memref<1x1000x128xf32, #tpu.memory_space<vmem>>, vector<1x1000x128xf32>
    %get3A_8 = vector.shape_cast %get3A_7 : vector<1x1000x128xf32> to vector<1000x128xf32>
    %add3A = arith.addf %get3A_3, %get3A_8 : vector<1000x128xf32>
    %get3A_9 = arith.constant 0 : index
    %get3A_10 = arith.constant 0 : index
    %get3A_11 = vector.load %arg3[%get3A_9, %get3A_10] : memref<1000x1xf32, #tpu.memory_space<vmem>>, vector<1000x1xf32>
    %mul3A = vector.broadcast %get3A_11 : vector<1000x1xf32> to vector<1000x128xf32>
    %mul3A_12 = arith.mulf %add3A, %mul3A : vector<1000x128xf32>
    %get3A_13 = arith.constant 0 : index
    %get3A_14 = arith.constant 0 : index
    %get3A_15 = vector.load %arg4[%get3A_13, %get3A_14] : memref<1x128xf32, #tpu.memory_space<vmem>>, vector<1x128xf32>
    %add3A_16 = vector.broadcast %get3A_15 : vector<1x128xf32> to vector<1000x128xf32>
    %add3A_17 = arith.addf %mul3A_12, %add3A_16 : vector<1000x128xf32>
    %max3A = arith.constant 0.000000e+00 : f32
    %max3A_18 = vector.broadcast %max3A : f32 to vector<1000x128xf32>
    %max3A_19 = arith.maximumf %add3A_17, %max3A_18 : vector<1000x128xf32>
    %swap3A = arith.constant 0 : index
    %swap3A_20 = arith.constant 0 : index
    %swap3A_21 = vector.load %arg5[%swap3A, %swap3A_20] : memref<1000x128xf32, #tpu.memory_space<vmem>>, vector<1000x128xf32>
    tpu.vector_store %arg5[%swap3A, %swap3A_20], %max3A_19 {strides = array<i32>} : memref<1000x128xf32, #tpu.memory_space<vmem>>, vector<1000x128xf32>,
    return
  }
  func.func @transform_0(%arg0: i32) -> (i32, i32, i32) {
    %c0_i32 = arith.constant 0 : i32
    %c0_i32_0 = arith.constant 0 : i32
    %c0_i32_1 = arith.constant 0 : i32
    return %c0_i32, %arg0, %c0_i32_0 : i32, i32, i32
  }
  func.func @transform_1(%arg0: i32) -> (i32, i32, i32) {
    %c1_i32 = arith.constant 1 : i32
    %c0_i32 = arith.constant 0 : i32
    %c0_i32_0 = arith.constant 0 : i32
    return %c1_i32, %arg0, %c0_i32 : i32, i32, i32
  }
  func.func @transform_2(%arg0: i32) -> (i32, i32) {
    %c0_i32 = arith.constant 0 : i32
    %c0_i32_0 = arith.constant 0 : i32
    return %arg0, %c0_i32 : i32, i32
  }
  func.func @transform_3(%arg0: i32) -> (i32, i32) {
    %c0_i32 = arith.constant 0 : i32
    %c0_i32_0 = arith.constant 0 : i32
    %c0_i32_1 = arith.constant 0 : i32
    return %c0_i32, %c0_i32_0 : i32, i32
  }
  func.func @transform_4(%arg0: i32) -> (i32, i32) {
    %c0_i32 = arith.constant 0 : i32
    %c0_i32_0 = arith.constant 0 : i32
    return %arg0, %c0_i32 : i32, i32
  }
}

</mosaic_0001>

<sc_bundles>
// kernel: kernel.11.cloned.1.call-start
scs
__scs_entry_jumppad:
0x0: {  	(pc) =	sbr.rel $0x88, $3  }
0x1: {  	(tag) =	ssettag $0x0;
	lr =	simm.s32 $0x1  }
0x2: {  	[smem:$0x3F9A] =	sst lr;
	_ =	strace $0xD0000000  }
0x3: {  	_ = 	snop  }
0x4: {  	_ = 	snop  }
0x5: {  	_ = 	snop  }
0x6: {  	_ = 	snop  }
0x7: {  	_ = 	snop  }
__scs_overlays_trampoline_lowered:
0x8: {  	[smem:$0x3FA9] =	sst s0  }
0x9: {  	[smem:$0x3FAA] =	sst s1  }
0xa: {  	[smem:$0x3FAB] =	sst s2  }
0xb: {  	[smem:$0x3FAC] =	sst s3  }
0xc: {  	[smem:$0x3FAD] =	sst s4  }
0xd: {  	[smem:$0x3FAE] =	sst s5  }
0xe: {  	[smem:$0x3FAF] =	sst s6  }
0xf: {  	[smem:$0x3FB0] =	sst s7  }
0x10: {  	[smem:$0x3FB1] =	sst s8  }
0x11: {  	[smem:$0x3FB2] =	sst s9;
	s0 =	simm.s32 @!p0 $0x0  }
0x12: {  	s1 =	sld [smem:$0x3F98];
	s0 =	simm.s32 @p0 $0x1  }
0x13: {  	[smem:$0x3FB3] =	sst s0;
	s0 =	simm.s32 @!p1 $0x0  }
0x14: {  	s2 =	sld [smem:$0x3F97];
	s0 =	simm.s32 @p1 $0x1  }
0x15: {  	[smem:$0x3FB4] =	sst s0;
	s0 =	simm.s32 @!p2 $0x0  }
0x16: {  	s3 =	sld [smem:$0x3FDB];
	s0 =	simm.s32 @p2 $0x1  }
0x17: {  	s4 =	simm.s32 $0x1BF5;
	[smem:$0x3FB6] =	sst s0  }
0x18: {  	s0 =	sld [smem:$0x3F99];
	_ =	swait.ge [sflag:s4], $0x0  }
0x19: {  	s7 =	sld [smem:$0x3F9A]  }
0x1a: {  	s8 =	sadd.s32 $0xFFFFE003, lr  }
0x1b: {  	s9 =	sadd.s32 $0xFFFFFEF7, lr;
	s5 =	simm.s32 $0xFFFFFFFF;
	p2 =	slt.u32 s8, $0xFFFFF086  }
0x1c: {  	p1 =	slt.u32 s9, $0xF7A;
	s5 =	simm.s32 @!p2 $0x0  }
0x1d: {  	s5 =	simm.s32 @p1 $0x1;
	p0 =	seq.s32 s7, s2  }
0x1e: {  	s7 =	smul.u32 @!p0 $0xF7A, s2;
	p2 =	seq.s32 @!p0 s5, $0x0  }
0x1f: {  	s9 =	smul.u32 $0xF7A, s1;
	s8 =	simm.s32 @!p0 $0x1BF5;
	p2 =	por !p2, p0  }
0x20: {  	[sflag:s8] =	ssyncset.s32 @!p0 $0xFFFFF086;
	s6 =	sadd.s32 @!p0 s3, s7;
	s7 =	simm.s32 @!p0 $0x108  }
0x21: {  	s3 =	sadd.s32 s3, s9;
	s6 =	sadd.s32 @!p0 $0x88, s6;
	s7 =	simm.s32 @p2 $0x1082  }
0x22: {  	[simem:s7], [sflag:s8] =	dma.local @!p0 [hbm:s6], $0xF7A  }
0x23: {  	s9 =	sor.u32 $0xD0000000, s2;
	s6 =	simm.s32 $0x108;
	_ =	swait.ge @!p0 [sflag:s8], $0x0  }
0x24: {  	s3 =	sadd.s32 $0x88, s3;
	s6 =	simm.s32 @!p1 $0x1082;
	[sflag:s4] =	ssyncset.s32 $0xFFFFF086  }
0x25: {  	[simem:s6], [sflag:s4] =	dma.local [hbm:s3], $0xF7A  }
0x26: {  	[smem:$0x3F9A] =	sst s1;
	(tag) =	ssettag s2;
	_ =	strace s9  }
0x27: {  	s1 =	sld [smem:$0x3FAA]  }
0x28: {  	s2 =	sld [smem:$0x3FAB]  }
0x29: {  	s4 =	sld [smem:$0x3FAD]  }
0x2a: {  	p0 =	seq.s32 s5, $0x0;
	s5 =	sld [smem:$0x3FAE]  }
0x2b: {  	s6 =	sld [smem:$0x3FAF]  }
0x2c: {  	s7 =	sld [smem:$0x3FB0]  }
0x2d: {  	s3 =	simm.s32 $0x108;
	s8 =	sld [smem:$0x3FB1]  }
0x2e: {  	s3 =	simm.s32 @!p0 $0x1082;
	s9 =	sld [smem:$0x3FB2]  }
0x2f: {  	lr =	sadd.s32 s0, s3;
	s0 =	sld [smem:$0x3FA9]  }
0x30: {  	s3 =	sld [smem:$0x3FAC]  }
0x31: {  	[smem:$0x3FB5] =	sst s10  }
0x32: {  	s10 =	sld [smem:$0x3FB3];
	_ =	sdelay $0x3  }
0x33: {  	p0 =	seq.s32 s10, $0x1;
	s10 =	sld [smem:$0x3FB5];
	_ =	sdelay $0x3  }
0x34: {  	[smem:$0x3FB5] =	sst s10  }
0x35: {  	s10 =	sld [smem:$0x3FB4];
	_ =	sdelay $0x3  }
0x36: {  	p1 =	seq.s32 s10, $0x1;
	s10 =	sld [smem:$0x3FB5];
	_ =	sdelay $0x3  }
0x37: {  	[smem:$0x3FB5] =	sst s10  }
0x38: {  	s10 =	sld [smem:$0x3FB6]  }
0x39: {  	_ = 	snop;
	(pc) =	sbr.ind lr, $3  }
0x3a: {  	_ = 	snop  }
0x3b: {  	_ = 	snop  }
0x3c: {  	p2 =	seq.s32 s10, $0x1;
	s10 =	sld [smem:$0x3FB5]  }
0x3d: {  	_ =	shalt  }
0x3e: {  	_ =	shalt  }
0x3f: {  	_ =	shalt  }
0x40: {  	_ =	shalt  }
0x41: {  	_ =	shalt  }
0x42: {  	_ =	shalt  }
0x43: {  	_ =	shalt  }
0x44: {  	_ =	shalt  }
0x45: {  	_ =	shalt  }
0x46: {  	_ =	shalt  }
0x47: {  	_ =	shalt  }
0x48: {  	_ =	shalt  }
0x49: {  	_ =	shalt  }
0x4a: {  	_ =	shalt  }
0x4b: {  	_ =	shalt  }
0x4c: {  	_ =	shalt  }
0x4d: {  	_ =	shalt  }
0x4e: {  	_ =	shalt  }
0x4f: {  	_ =	shalt  }
0x50: {  	_ =	shalt  }
0x51: {  	_ =	shalt  }
0x52: {  	_ =	shalt  }
0x53: {  	_ =	shalt  }
0x54: {  	_ =	shalt  }
0x55: {  	_ =	shalt  }
0x56: {  	_ =	shalt  }
0x57: {  	_ =	shalt  }
0x58: {  	_ =	shalt  }
0x59: {  	_ =	shalt  }
0x5a: {  	_ =	shalt  }
0x5b: {  	_ =	shalt  }
0x5c: {  	_ =	shalt  }
0x5d: {  	_ =	shalt  }
0x5e: {  	_ =	shalt  }
0x5f: {  	_ =	shalt  }
0x60: {  	_ =	shalt  }
0x61: {  	_ =	shalt  }
0x62: {  	_ =	shalt  }
0x63: {  	_ =	shalt  }
0x64: {  	_ =	shalt  }
0x65: {  	_ =	shalt  }
0x66: {  	_ =	shalt  }
0x67: {  	_ =	shalt  }
0x68: {  	_ =	shalt  }
0x69: {  	_ =	shalt  }
0x6a: {  	_ =	shalt  }
0x6b: {  	_ =	shalt  }
0x6c: {  	_ =	shalt  }
0x6d: {  	_ =	shalt  }
0x6e: {  	_ =	shalt  }
0x6f: {  	_ =	shalt  }
0x70: {  	_ =	shalt  }
0x71: {  	_ =	shalt  }
0x72: {  	_ =	shalt  }
0x73: {  	_ =	shalt  }
0x74: {  	_ =	shalt  }
0x75: {  	_ =	shalt  }
0x76: {  	_ =	shalt  }
0x77: {  	_ =	shalt  }
0x78: {  	_ =	shalt  }
0x79: {  	_ =	shalt  }
0x7a: {  	_ =	shalt  }
0x7b: {  	_ =	shalt  }
0x7c: {  	_ =	shalt  }
0x7d: {  	_ =	shalt  }
0x7e: {  	_ =	shalt  }
0x7f: {  	_ =	shalt  }
0x80: {  	_ =	shalt  }
0x81: {  	_ =	shalt  }
0x82: {  	_ =	shalt  }
0x83: {  	_ =	shalt  }
0x84: {  	_ =	shalt  }
0x85: {  	_ =	shalt  }
0x86: {  	_ =	shalt  }
0x87: {  	_ =	shalt  }
.Lfunc_end0:
.L_simem_size_0:
called_computation.1_lowered:
.L_overlay_start_0:
0x88: {  	s2 =	sld [smem:$0x3FD9]  }
0x89: {  	s3 =	sld [smem:$0x3FFE];
	_ =	sdelay $0x1  }
0x8a: {  	s1 =	srdreg.scid  }
0x8b: {  	s0 =	sand.u32 $0x1, s1  }
0x8c: {  	s17 =	sshll.u32 s0, $0xA;
	s2 =	sadd.s32 s3, s2  }
0x8d: {  	s2 =	sadd.s32 s2, s17  }
0x8e: {  	[smem:$0x3FC1] =	sst s2  }
0x8f: {  	_ = 	snop  }
0x90: {  	s2 =	sld [smem:$0x3FD0];
	(tm) =	ssettm $0x1  }
0x91: {  	s18 =	sld [smem:$0x3FFB];
	_ =	sdelay $0x3  }
0x92: {  	_ =	strace s18  }
0x93: {  	s3 =	sld [smem:$0x3FFC];
	_ =	sdelay $0x3  }
0x94: {  	_ =	strace s3  }
0x95: {  	s3 =	sld [smem:$0x3FFD];
	_ =	sdelay $0x3  }
0x96: {  	_ =	strace s3  }
0x97: {  	_ =	strace $0x8FFFFFFF  }
0x98: {  	s19 =	sld [smem:$0x3FDB];
	_ =	sdelay $0x1  }
0x99: {  	s4 =	simm.s32 $_scs_section_size  }
0x9a: {  	s5 =	simm.s32 $_size__tile_overlayer_lowered;
	s6 =	simm.s32 $_tile_overlayer_lowered  }
0x9b: {  	s22 =	simm.s32 $0x1BFF;
	s21 =	sshll.u32 s6, $0x1;
	s3 =	sadd.s32 s4, s19  }
0x9c: {  	s7 =	simm.s32 $0x0;
	s20 =	sshll.u32 s5, $0x1;
	s5 =	sadd.s32 s21, s3  }
0x9d: {  	[timem:s7], [sflag:s22] =	dma.local [hbm:s5], s20  }
0x9e: {  	_ =	swait.ge [sflag:s22], s20  }
0x9f: {  	s4 =	ssub.s32 $0x0, s20;
	[sflag:s22] =	ssyncset.done $0x0  }
0xa0: {  	[sflag:s22] =	ssyncadd.s32 s4;
	_ =	sdelay $0x1  }
0xa1: {  	s23 =	simm.s32 $0x1B8B  }
0xa2: {  	_ =	swait.ge [sflag:s23], $0x1  }
0xa3: {  	[sflag:s23] =	ssyncset.done $0x0  }
0xa4: {  	s25 =	simm.s32 $0x1B8E;
	s24 =	sld [smem:$0x3FFE];
	[sflag:s23] =	ssyncadd.s32 $0xFFFFFFFF  }
0xa5: {  	s26 =	simm.s32 $execute0_lowered;
	[smem:$0x3FD2] =	sst s25  }
0xa6: {  	s5 =	sshll.u32 s26, $0x1;
	_ =	strace $0x80000049;
	[dreg:$0x1] =	wrdreg $0xFFFFFFFF  }
0xa7: {  	s28 =	simm.s32 $_size_execute0_lowered;
	s3 =	sadd.s32 s3, s5;
	[dreg:$0x0] =	wrdreg $0x0  }
0xa8: {  	s5 =	sshll.u32 s28, $0x1;
	[dreg:$0x2] =	wrdreg s3  }
0xa9: {  	[dreg:$0x3] =	wrdreg s5  }
0xaa: {  	[dreg:$0x4] =	wrdreg $0xC0  }
0xab: {  	_ =	task [dreg:s7], $0x5FFFF  }
0xac: {  	[dreg:$0x1] =	wrdreg $0xFFFFFFFF  }
0xad: {  	[dreg:$0x0] =	wrdreg $0x60  }
0xae: {  	[dreg:$0x2] =	wrdreg s2  }
0xaf: {  	[dreg:$0x3] =	wrdreg s24  }
0xb0: {  	[dreg:$0x4] =	wrdreg $0x90000  }
0xb1: {  	[dreg:$0x5] =	wrdreg $0x9  }
0xb2: {  	_ =	task.clear_ibuf [dreg:s7], $0x6FFFF;
	_ =	strace $0x90000049  }
0xb3: {  	s29 =	simm.s32 $0x9;
	_ =	strace $0x8000004B  }
0xb4: {  	_ =	swait.ge [sflag:s29], $0x1  }
0xb5: {  	[sflag:s29] =	ssyncadd.s32 $0xFFFFFFFF  }
0xb6: {  	_ =	strace $0x9000004B  }
0xb7: {  	_ =	sfence  }
0xb8: {  	s30 =	sld [smem:$0x0];
	_ =	sdelay $0x2  }
0xb9: {  	s31 =	sshll.u32 s1, $0xD;
	s1 =	sshrl.u32 s1, $0x2  }
0xba: {  	s3 =	sand.u32 $0x4000, s31;
	s1 =	sadd.s32 s1, s30  }
0xbb: {  	s0 =	sor.u32 s3, s0;
	s1 =	sshll.u32 s1, $0x11  }
0xbc: {  	s0 =	sor.u32 s1, s0  }
0xbd: {  	s0 =	sadd.s32 $0x8F2B, s0  }
0xbe: {  	[sflag:s0] =	ssyncadd.remote.s32 $0x1  }
0xbf: {  	_ =	sfence.sel $0xFFFF  }
0xc0: {  	[dreg:$0x0] =	wrdreg $0xFFFFFFFF;
	(pc) =	sbr.abs _section_cstart, $3  }
0xc1: {  	[dreg:$0x1] =	wrdreg $0xFFFFFFFF  }
0xc2: {  	_ =	task.clear_ibuf [dreg:s7], $0x2FFFF;
	_ =	strace $0x9FFFFFFF  }
0xc3: {  	(tm) =	ssettm $0x7FFFFFFF  }
tec
execute0_lowered:
.L_overlay_start_1:
0x0: {  	(tag) =	ssettag $0x1  }
0x1: {  	s1 =	rddreg [dreg:$0x0]  }
0x2: {  	s0 =	rddreg [dreg:$0x1]  }
0x3: {  	s2 =	rddreg [dreg:$0x2];
	s3 =	srdreg.scid  }
0x4: {  	s4 =	simm.s32 $0x0;
	s29 =	stileid.u32;
	s20 =	simm.s32 $0x1000  }
0x5: {  	s21 =	simm.s32 $0x4;
	s22 =	simm.s32 $0x3;
	s23 =	simm.s32 $0x80  }
0x6: {  	s24 =	simm.s32 $0x1;
	s25 =	simm.s32 $0x5000;
	s6 =	smul.u32 $0x14000, s29  }
0x7: {  	s26 =	simm.s32 $0x2;
	s28 =	simm.s32 $0x0;
	s10 =	smul.u32 $0x50000, s29  }
0x8: {  	s8 =	sand.u32 $0x1, s3;
	[smem:$0x7FF] =	sst s4;
	s13 =	smul.u32 $0x14, s29  }
0x9: {  	s7 =	sshll.u32 s29, $0x1;
	s16 =	sadd.s32 $0x16600, s0;
	s5 =	smul.u32 $0x140000, s8  }
0xa: {  	s17 =	sadd.s32 $0x20600, s0;
	s7 =	sor.u32 s8, s7;
	s14 =	smul.u32 $0xA, s8  }
0xb: {  	_ =	strace $0x8000004A;
	s30 =	ssub.s32 $0x2, s8;
	s7 =	smul.u32 $0x500, s7  }
0xc: {  	s9 =	sshrl.u32 s30, $0x1;
	s10 =	sshrl.u32 s10, $0x2;
	s5 =	sadd.s32 s6, s5  }
0xd: {  	s9 =	ssub.s32 s30, s9;
	s31 =	sadd.s32 s14, s13;
	s5 =	sshrl.u32 s5, $0x3  }
0xe: {  	s6 =	sadd.s32 s17, s7;
	s9 =	smax.u32 s9, $0x1;
	s0 =	sadd.s32 s5, s0  }
0xf: {  	s5 =	sadd.s32 s16, s7;
	s7 =	sadd.s32 s10, s2;
	s8 =	sadd.s32 $0x3E600, s0  }
0x10: {  	s10 =	sadd.s32 $0x2800, s7;
	s11 =	sadd.s32 $0x5000, s7;
	s12 =	sadd.s32 $0x7800, s7  }
0x11: {  	s13 =	sadd.s32 $0xA000, s7;
	s14 =	sadd.s32 $0xC800, s7;
	s0 =	sshll.u32 s31, $0x7  }
0x12: {  	s15 =	sadd.s32 $0xF000, s7;
	s18 =	sadd.s32 s0, s16;
	s0 =	sadd.s32 s0, s17  }
0x13: {  	v0 =	vimm.f32 $0.0e+00;
	s16 =	sadd.s32 $0x11800, s7;
	s17 =	sadd.s32 $0x80, s18;
	s18 =	sadd.s32 $0x80, s0  }
.LBB2_1:
0x14: {  	[tilespmem:s4], [sflag:$0x3] =	stream.linear.gather [hbm4b:s5+s4], $0x400, $0x38;
	[tilespmem:$0x1D000] =	vst v63  }
0x15: {  	s0 =	simm.s32 $0x800  }
0x16: {  	[tilespmem:s0], [sflag:$0x3] =	stream.linear.gather [hbm4b:s6+s4], $0x400, $0x38;
	[tilespmem:$0x1D000] =	vst v63  }
0x17: {  	s29 =	simm.s32 $0x3C0;
	s0 =	simm.s32 $0x70  }
.LBB2_2:
0x18: {  	p0 =	sne.s32 s29, $0x9FC0;
	[tilespmem:s0+$0x1000] =	vst v0  }
0x19: {  	[tilespmem:s0+$0xF90] =	vst v0  }
0x1a: {  	[tilespmem:s0+$0xFA0] =	vst v0  }
.Ltmp0:
0x1b: {  	[tilespmem:s0+$0xFB0] =	vst v0;
	(pc) =	sbr.rel @p0 .LBB2_2-.Ltmp0, $4  }
0x1c: {  	[tilespmem:s0+$0xFC0] =	vst v0  }
0x1d: {  	[tilespmem:s0+$0xFD0] =	vst v0  }
0x1e: {  	[tilespmem:s0+$0xFE0] =	vst v0  }
0x1f: {  	[tilespmem:s0+$0xFF0] =	vst v0;
	s0 =	sshra.s32 s29, $0x2;
	s29 =	sadd.s32 $0x200, s29  }
0x20: {  	[tilespmem:s0+$0x1000] =	vst v0  }
0x21: {  	[tilespmem:s0+$0xF90] =	vst v0  }
0x22: {  	[tilespmem:s0+$0xFA0] =	vst v0  }
0x23: {  	[tilespmem:s0+$0xFB0] =	vst v0  }
0x24: {  	[tilespmem:s0+$0xFC0] =	vst v0  }
0x25: {  	[tilespmem:s0+$0xFD0] =	vst v0  }
0x26: {  	[tilespmem:s0+$0xFE0] =	vst v0  }
0x27: {  	[tilespmem:s0+$0xFF0] =	vst v0  }
0x28: {  	[spmem:s7] =	stream.linear.scatter [tilespmem:s20], [sflag:$0x4], $0x2800, $0x38;
	[tilespmem:$0x1D000] =	vst v63  }
0x29: {  	_ =	swait.ge [sflag:s21], $0x2800  }
0x2a: {  	[sflag:s21] =	ssyncset.done $0x0  }
0x2b: {  	[sflag:s21] =	ssyncadd.s32 $0xFFFFD800  }
0x2c: {  	[spmem:s10] =	stream.linear.scatter [tilespmem:s20], [sflag:$0x4], $0x2800, $0x38;
	[tilespmem:$0x1D000] =	vst v63  }
0x2d: {  	_ =	swait.ge [sflag:s21], $0x2800  }
0x2e: {  	[sflag:s21] =	ssyncset.done $0x0  }
0x2f: {  	[sflag:s21] =	ssyncadd.s32 $0xFFFFD800  }
0x30: {  	[spmem:s11] =	stream.linear.scatter [tilespmem:s20], [sflag:$0x4], $0x2800, $0x38;
	[tilespmem:$0x1D000] =	vst v63  }
0x31: {  	_ =	swait.ge [sflag:s21], $0x2800  }
0x32: {  	[sflag:s21] =	ssyncset.done $0x0  }
0x33: {  	[sflag:s21] =	ssyncadd.s32 $0xFFFFD800  }
0x34: {  	[spmem:s12] =	stream.linear.scatter [tilespmem:s20], [sflag:$0x4], $0x2800, $0x38;
	[tilespmem:$0x1D000] =	vst v63  }
0x35: {  	_ =	swait.ge [sflag:s21], $0x2800  }
0x36: {  	[sflag:s21] =	ssyncset.done $0x0  }
0x37: {  	[sflag:s21] =	ssyncadd.s32 $0xFFFFD800  }
0x38: {  	[spmem:s13] =	stream.linear.scatter [tilespmem:s20], [sflag:$0x4], $0x2800, $0x38;
	[tilespmem:$0x1D000] =	vst v63  }
0x39: {  	_ =	swait.ge [sflag:s21], $0x2800  }
0x3a: {  	[sflag:s21] =	ssyncset.done $0x0  }
0x3b: {  	[sflag:s21] =	ssyncadd.s32 $0xFFFFD800  }
0x3c: {  	[spmem:s14] =	stream.linear.scatter [tilespmem:s20], [sflag:$0x4], $0x2800, $0x38;
	[tilespmem:$0x1D000] =	vst v63  }
0x3d: {  	_ =	swait.ge [sflag:s21], $0x2800  }
0x3e: {  	[sflag:s21] =	ssyncset.done $0x0  }
0x3f: {  	[sflag:s21] =	ssyncadd.s32 $0xFFFFD800  }
0x40: {  	[spmem:s15] =	stream.linear.scatter [tilespmem:s20], [sflag:$0x4], $0x2800, $0x38;
	[tilespmem:$0x1D000] =	vst v63  }
0x41: {  	_ =	swait.ge [sflag:s21], $0x2800  }
0x42: {  	[sflag:s21] =	ssyncset.done $0x0  }
0x43: {  	[sflag:s21] =	ssyncadd.s32 $0xFFFFD800  }
0x44: {  	[spmem:s16] =	stream.linear.scatter [tilespmem:s20], [sflag:$0x4], $0x2800, $0x38;
	[tilespmem:$0x1D000] =	vst v63  }
0x45: {  	_ =	swait.ge [sflag:s21], $0x2800  }
0x46: {  	[sflag:s21] =	ssyncset.done $0x0  }
0x47: {  	[sflag:s21] =	ssyncadd.s32 $0xFFFFD800  }
0x48: {  	[bflag:$0x0] =	sbarrier.arrive $0xFFFF  }
0x49: {  	_ =	swait.ge [sflag:s22], $0x400  }
0x4a: {  	[sflag:s22] =	ssyncset.done $0x0  }
0x4b: {  	[sflag:s22] =	ssyncadd.s32 $0xFFFFFC00  }
0x4c: {  	s0 =	simm.s32 $0x0;
	p0 =	por $0x0, $0x0;
	_ =	swait.ge [sflag:s22], $0x400  }
0x4d: {  	s0 =	sand.u32 @!p0 $0x400, s0;
	[sflag:s22] =	ssyncset.done $0x0  }
0x4e: {  	s30 =	simm.s32 @!p0 $0x0;
	s29 =	sxor.u32 @!p0 $0x400, s0;
	[sflag:s22] =	ssyncadd.s32 $0xFFFFFC00  }
0x4f: {  	[tilespmem:s29], [sflag:$0x3] =	stream.linear.gather @!p0 [hbm4b:s17+s30], $0x400, $0x38;
	[tilespmem:$0x1D000] =	vst v63  }
0x50: {  	s29 =	sxor.u32 @!p0 $0xC00, s0  }
0x51: {  	[tilespmem:s29], [sflag:$0x3] =	stream.linear.gather @!p0 [hbm4b:s18+s30], $0x400, $0x38;
	[tilespmem:$0x1D000] =	vst v63  }
0x52: {  	s0 =	simm.s32 @p0 $0x400  }
0x53: {  	[tilespmem:s20], [sflag:$0x1] =	stream.indirect.gather [hbm4b:s1+s23], $0x80, s0, s23, $0xb8;
	[tilespmem:$0x1D000] =	vst v63  }
0x54: {  	_ =	swait.ge [sflag:s24], $0x4000  }
0x55: {  	[sflag:s24] =	ssyncset.done $0x0  }
0x56: {  	s29 =	sor.u32 $0x80, s0;
	[sflag:s24] =	ssyncadd.s32 $0xFFFFC000  }
0x57: {  	[tilespmem:s25], [sflag:$0x2] =	stream.indirect.gather [hbm4b:s1+s23], $0x80, s29, s23, $0xb8;
	[tilespmem:$0x1D000] =	vst v63  }
0x58: {  	s29 =	sor.u32 $0x800, s0  }
0x59: {  	[spmem:s2] =	stream.indirect.scatter.add.f32 [tilespmem:s20], [sflag:$0x4], $0x80, s29, s23, $0xb8;
	[tilespmem:$0x1D000] =	vst v63  }
0x5a: {  	_ =	swait.ge [sflag:s21], $0x4000  }
0x5b: {  	[sflag:s21] =	ssyncset.done $0x0  }
0x5c: {  	[sflag:s21] =	ssyncadd.s32 $0xFFFFC000  }
0x5d: {  	_ =	swait.ge [sflag:s26], $0x4000  }
0x5e: {  	[sflag:s26] =	ssyncset.done $0x0  }
0x5f: {  	s29 =	sor.u32 $0x100, s0;
	[sflag:s26] =	ssyncadd.s32 $0xFFFFC000  }
0x60: {  	[tilespmem:s20], [sflag:$0x1] =	stream.indirect.gather [hbm4b:s1+s23], $0x80, s29, s23, $0xb8;
	[tilespmem:$0x1D000] =	vst v63  }
0x61: {  	s29 =	sor.u32 $0x880, s0  }
0x62: {  	[spmem:s2] =	stream.indirect.scatter.add.f32 [tilespmem:s25], [sflag:$0x4], $0x80, s29, s23, $0xb8;
	[tilespmem:$0x1D000] =	vst v63  }
0x63: {  	_ =	swait.ge [sflag:s21], $0x4000  }
0x64: {  	[sflag:s21] =	ssyncset.done $0x0  }
0x65: {  	[sflag:s21] =	ssyncadd.s32 $0xFFFFC000  }
0x66: {  	_ =	swait.ge [sflag:s24], $0x4000  }
0x67: {  	[sflag:s24] =	ssyncset.done $0x0  }
0x68: {  	s29 =	sor.u32 $0x180, s0;
	[sflag:s24] =	ssyncadd.s32 $0xFFFFC000  }
0x69: {  	[tilespmem:s25], [sflag:$0x2] =	stream.indirect.gather [hbm4b:s1+s23], $0x80, s29, s23, $0xb8;
	[tilespmem:$0x1D000] =	vst v63  }
0x6a: {  	s29 =	sor.u32 $0x900, s0  }
0x6b: {  	[spmem:s2] =	stream.indirect.scatter.add.f32 [tilespmem:s20], [sflag:$0x4], $0x80, s29, s23, $0xb8;
	[tilespmem:$0x1D000] =	vst v63  }
0x6c: {  	_ =	swait.ge [sflag:s21], $0x4000  }
0x6d: {  	[sflag:s21] =	ssyncset.done $0x0  }
0x6e: {  	[sflag:s21] =	ssyncadd.s32 $0xFFFFC000  }
0x6f: {  	_ =	swait.ge [sflag:s26], $0x4000  }
0x70: {  	[sflag:s26] =	ssyncset.done $0x0  }
0x71: {  	s29 =	sor.u32 $0x200, s0;
	[sflag:s26] =	ssyncadd.s32 $0xFFFFC000  }
0x72: {  	[tilespmem:s20], [sflag:$0x1] =	stream.indirect.gather [hbm4b:s1+s23], $0x80, s29, s23, $0xb8;
	[tilespmem:$0x1D000] =	vst v63  }
0x73: {  	s29 =	sor.u32 $0x980, s0  }
0x74: {  	[spmem:s2] =	stream.indirect.scatter.add.f32 [tilespmem:s25], [sflag:$0x4], $0x80, s29, s23, $0xb8;
	[tilespmem:$0x1D000] =	vst v63  }
0x75: {  	_ =	swait.ge [sflag:s21], $0x4000  }
0x76: {  	[sflag:s21] =	ssyncset.done $0x0  }
0x77: {  	[sflag:s21] =	ssyncadd.s32 $0xFFFFC000  }
0x78: {  	_ =	swait.ge [sflag:s24], $0x4000  }
0x79: {  	[sflag:s24] =	ssyncset.done $0x0  }
0x7a: {  	s29 =	sor.u32 $0x280, s0;
	[sflag:s24] =	ssyncadd.s32 $0xFFFFC000  }
0x7b: {  	[tilespmem:s25], [sflag:$0x2] =	stream.indirect.gather [hbm4b:s1+s23], $0x80, s29, s23, $0xb8;
	[tilespmem:$0x1D000] =	vst v63  }
0x7c: {  	s29 =	sor.u32 $0xA00, s0  }
0x7d: {  	[spmem:s2] =	stream.indirect.scatter.add.f32 [tilespmem:s20], [sflag:$0x4], $0x80, s29, s23, $0xb8;
	[tilespmem:$0x1D000] =	vst v63  }
0x7e: {  	_ =	swait.ge [sflag:s21], $0x4000  }
0x7f: {  	[sflag:s21] =	ssyncset.done $0x0  }
0x80: {  	[sflag:s21] =	ssyncadd.s32 $0xFFFFC000  }
0x81: {  	_ =	swait.ge [sflag:s26], $0x4000  }
0x82: {  	[sflag:s26] =	ssyncset.done $0x0  }
0x83: {  	s29 =	sor.u32 $0x300, s0;
	[sflag:s26] =	ssyncadd.s32 $0xFFFFC000  }
0x84: {  	[tilespmem:s20], [sflag:$0x1] =	stream.indirect.gather [hbm4b:s1+s23], $0x80, s29, s23, $0xb8;
	[tilespmem:$0x1D000] =	vst v63  }
0x85: {  	s29 =	sor.u32 $0xA80, s0  }
0x86: {  	[spmem:s2] =	stream.indirect.scatter.add.f32 [tilespmem:s25], [sflag:$0x4], $0x80, s29, s23, $0xb8;
	[tilespmem:$0x1D000] =	vst v63  }
0x87: {  	_ =	swait.ge [sflag:s21], $0x4000  }
0x88: {  	[sflag:s21] =	ssyncset.done $0x0  }
0x89: {  	[sflag:s21] =	ssyncadd.s32 $0xFFFFC000  }
0x8a: {  	_ =	swait.ge [sflag:s24], $0x4000  }
0x8b: {  	[sflag:s24] =	ssyncset.done $0x0  }
0x8c: {  	s29 =	sor.u32 $0x380, s0;
	[sflag:s24] =	ssyncadd.s32 $0xFFFFC000  }
0x8d: {  	[tilespmem:s25], [sflag:$0x2] =	stream.indirect.gather [hbm4b:s1+s23], $0x80, s29, s23, $0xb8;
	[tilespmem:$0x1D000] =	vst v63  }
0x8e: {  	s29 =	sor.u32 $0xB00, s0  }
0x8f: {  	[spmem:s2] =	stream.indirect.scatter.add.f32 [tilespmem:s20], [sflag:$0x4], $0x80, s29, s23, $0xb8;
	[tilespmem:$0x1D000] =	vst v63  }
0x90: {  	_ =	swait.ge [sflag:s21], $0x4000  }
0x91: {  	[sflag:s21] =	ssyncset.done $0x0  }
0x92: {  	[sflag:s21] =	ssyncadd.s32 $0xFFFFC000  }
0x93: {  	_ =	swait.ge [sflag:s26], $0x4000  }
0x94: {  	[sflag:s26] =	ssyncset.done $0x0  }
0x95: {  	s0 =	sor.u32 $0xB80, s0;
	[sflag:s26] =	ssyncadd.s32 $0xFFFFC000  }
0x96: {  	[spmem:s2] =	stream.indirect.scatter.add.f32 [tilespmem:s25], [sflag:$0x4], $0x80, s0, s23, $0xb8;
	[tilespmem:$0x1D000] =	vst v63  }
0x97: {  	s31 =	smov.u32 s17;
	_ =	swait.ge [sflag:s21], $0x4000  }
0x98: {  	s30 =	sadd.s32 $0x80, s18;
	s29 =	simm.s32 $0x400;
	[sflag:s21] =	ssyncset.done $0x0  }
.LBB2_4:
0x99: {  	[sflag:s21] =	ssyncadd.s32 $0xFFFFC000  }
0x9a: {  	s31 =	sadd.s32 $0x80, s31;
	s0 =	smov.u32 s29;
	s29 =	sadd.s32 $0x400, s29  }
0x9b: {  	_ =	swait.ge [sflag:s22], $0x400;
	p0 =	sne.s32 s29, $0x2800  }
0x9c: {  	[sflag:s22] =	ssyncset.done $0x0  }
0x9d: {  	[sflag:s22] =	ssyncadd.s32 $0xFFFFFC00  }
0x9e: {  	p1 =	seq.s32 s0, $0x2400;
	_ =	swait.ge [sflag:s22], $0x400  }
0x9f: {  	s0 =	sand.u32 @!p1 $0x400, s0;
	[sflag:s22] =	ssyncset.done $0x0  }
0xa0: {  	s3 =	simm.s32 @!p1 $0x0;
	s19 =	sxor.u32 @!p1 $0x400, s0;
	[sflag:s22] =	ssyncadd.s32 $0xFFFFFC00  }
0xa1: {  	[tilespmem:s19], [sflag:$0x3] =	stream.linear.gather @!p1 [hbm4b:s31+s3], $0x400, $0x38;
	[tilespmem:$0x1D000] =	vst v63  }
0xa2: {  	s19 =	sxor.u32 @!p1 $0xC00, s0;
	s0 =	simm.s32 @p1 $0x400  }
0xa3: {  	[tilespmem:s19], [sflag:$0x3] =	stream.linear.gather @!p1 [hbm4b:s30+s3], $0x400, $0x38;
	[tilespmem:$0x1D000] =	vst v63  }
0xa4: {  	_ = 	snop  }
0xa5: {  	[tilespmem:s20], [sflag:$0x1] =	stream.indirect.gather [hbm4b:s1+s23], $0x80, s0, s23, $0xb8;
	[tilespmem:$0x1D000] =	vst v63  }
0xa6: {  	_ =	swait.ge [sflag:s24], $0x4000  }
0xa7: {  	[sflag:s24] =	ssyncset.done $0x0  }
0xa8: {  	s3 =	sor.u32 $0x80, s0;
	[sflag:s24] =	ssyncadd.s32 $0xFFFFC000  }
0xa9: {  	[tilespmem:s25], [sflag:$0x2] =	stream.indirect.gather [hbm4b:s1+s23], $0x80, s3, s23, $0xb8;
	[tilespmem:$0x1D000] =	vst v63  }
0xaa: {  	s3 =	sor.u32 $0x800, s0  }
0xab: {  	[spmem:s2] =	stream.indirect.scatter.add.f32 [tilespmem:s20], [sflag:$0x4], $0x80, s3, s23, $0xb8;
	[tilespmem:$0x1D000] =	vst v63  }
0xac: {  	_ =	swait.ge [sflag:s21], $0x4000  }
0xad: {  	[sflag:s21] =	ssyncset.done $0x0  }
0xae: {  	[sflag:s21] =	ssyncadd.s32 $0xFFFFC000  }
0xaf: {  	_ =	swait.ge [sflag:s26], $0x4000  }
0xb0: {  	[sflag:s26] =	ssyncset.done $0x0  }
0xb1: {  	s3 =	sor.u32 $0x100, s0;
	[sflag:s26] =	ssyncadd.s32 $0xFFFFC000  }
0xb2: {  	[tilespmem:s20], [sflag:$0x1] =	stream.indirect.gather [hbm4b:s1+s23], $0x80, s3, s23, $0xb8;
	[tilespmem:$0x1D000] =	vst v63  }
0xb3: {  	s3 =	sor.u32 $0x880, s0  }
0xb4: {  	[spmem:s2] =	stream.indirect.scatter.add.f32 [tilespmem:s25], [sflag:$0x4], $0x80, s3, s23, $0xb8;
	[tilespmem:$0x1D000] =	vst v63  }
0xb5: {  	_ =	swait.ge [sflag:s21], $0x4000  }
0xb6: {  	[sflag:s21] =	ssyncset.done $0x0  }
0xb7: {  	[sflag:s21] =	ssyncadd.s32 $0xFFFFC000  }
0xb8: {  	_ =	swait.ge [sflag:s24], $0x4000  }
0xb9: {  	[sflag:s24] =	ssyncset.done $0x0  }
0xba: {  	s3 =	sor.u32 $0x180, s0;
	[sflag:s24] =	ssyncadd.s32 $0xFFFFC000  }
0xbb: {  	[tilespmem:s25], [sflag:$0x2] =	stream.indirect.gather [hbm4b:s1+s23], $0x80, s3, s23, $0xb8;
	[tilespmem:$0x1D000] =	vst v63  }
0xbc: {  	s3 =	sor.u32 $0x900, s0  }
0xbd: {  	[spmem:s2] =	stream.indirect.scatter.add.f32 [tilespmem:s20], [sflag:$0x4], $0x80, s3, s23, $0xb8;
	[tilespmem:$0x1D000] =	vst v63  }
0xbe: {  	_ =	swait.ge [sflag:s21], $0x4000  }
0xbf: {  	[sflag:s21] =	ssyncset.done $0x0  }
0xc0: {  	[sflag:s21] =	ssyncadd.s32 $0xFFFFC000  }
0xc1: {  	_ =	swait.ge [sflag:s26], $0x4000  }
0xc2: {  	[sflag:s26] =	ssyncset.done $0x0  }
0xc3: {  	s3 =	sor.u32 $0x200, s0;
	[sflag:s26] =	ssyncadd.s32 $0xFFFFC000  }
0xc4: {  	[tilespmem:s20], [sflag:$0x1] =	stream.indirect.gather [hbm4b:s1+s23], $0x80, s3, s23, $0xb8;
	[tilespmem:$0x1D000] =	vst v63  }
0xc5: {  	s3 =	sor.u32 $0x980, s0  }
0xc6: {  	[spmem:s2] =	stream.indirect.scatter.add.f32 [tilespmem:s25], [sflag:$0x4], $0x80, s3, s23, $0xb8;
	[tilespmem:$0x1D000] =	vst v63  }
0xc7: {  	_ =	swait.ge [sflag:s21], $0x4000  }
0xc8: {  	[sflag:s21] =	ssyncset.done $0x0  }
0xc9: {  	[sflag:s21] =	ssyncadd.s32 $0xFFFFC000  }
0xca: {  	_ =	swait.ge [sflag:s24], $0x4000  }
0xcb: {  	[sflag:s24] =	ssyncset.done $0x0  }
0xcc: {  	s3 =	sor.u32 $0x280, s0;
	[sflag:s24] =	ssyncadd.s32 $0xFFFFC000  }
0xcd: {  	[tilespmem:s25], [sflag:$0x2] =	stream.indirect.gather [hbm4b:s1+s23], $0x80, s3, s23, $0xb8;
	[tilespmem:$0x1D000] =	vst v63  }
0xce: {  	s3 =	sor.u32 $0xA00, s0  }
0xcf: {  	[spmem:s2] =	stream.indirect.scatter.add.f32 [tilespmem:s20], [sflag:$0x4], $0x80, s3, s23, $0xb8;
	[tilespmem:$0x1D000] =	vst v63  }
0xd0: {  	_ =	swait.ge [sflag:s21], $0x4000  }
0xd1: {  	[sflag:s21] =	ssyncset.done $0x0  }
0xd2: {  	[sflag:s21] =	ssyncadd.s32 $0xFFFFC000  }
0xd3: {  	_ =	swait.ge [sflag:s26], $0x4000  }
0xd4: {  	[sflag:s26] =	ssyncset.done $0x0  }
0xd5: {  	s3 =	sor.u32 $0x300, s0;
	[sflag:s26] =	ssyncadd.s32 $0xFFFFC000  }
0xd6: {  	[tilespmem:s20], [sflag:$0x1] =	stream.indirect.gather [hbm4b:s1+s23], $0x80, s3, s23, $0xb8;
	[tilespmem:$0x1D000] =	vst v63  }
0xd7: {  	s3 =	sor.u32 $0xA80, s0  }
0xd8: {  	[spmem:s2] =	stream.indirect.scatter.add.f32 [tilespmem:s25], [sflag:$0x4], $0x80, s3, s23, $0xb8;
	[tilespmem:$0x1D000] =	vst v63  }
0xd9: {  	_ =	swait.ge [sflag:s21], $0x4000  }
0xda: {  	[sflag:s21] =	ssyncset.done $0x0  }
0xdb: {  	[sflag:s21] =	ssyncadd.s32 $0xFFFFC000  }
0xdc: {  	_ =	swait.ge [sflag:s24], $0x4000  }
0xdd: {  	[sflag:s24] =	ssyncset.done $0x0  }
0xde: {  	s3 =	sor.u32 $0x380, s0;
	[sflag:s24] =	ssyncadd.s32 $0xFFFFC000  }
0xdf: {  	[tilespmem:s25], [sflag:$0x2] =	stream.indirect.gather [hbm4b:s1+s23], $0x80, s3, s23, $0xb8;
	[tilespmem:$0x1D000] =	vst v63  }
0xe0: {  	s3 =	sor.u32 $0xB00, s0  }
0xe1: {  	[spmem:s2] =	stream.indirect.scatter.add.f32 [tilespmem:s20], [sflag:$0x4], $0x80, s3, s23, $0xb8;
	[tilespmem:$0x1D000] =	vst v63  }
0xe2: {  	_ =	swait.ge [sflag:s21], $0x4000  }
0xe3: {  	[sflag:s21] =	ssyncset.done $0x0  }
0xe4: {  	[sflag:s21] =	ssyncadd.s32 $0xFFFFC000  }
0xe5: {  	_ =	swait.ge [sflag:s26], $0x4000  }
.Ltmp1:
0xe6: {  	[sflag:s26] =	ssyncset.done $0x0;
	(pc) =	sbr.rel @p0 .LBB2_4-.Ltmp1, $4  }
0xe7: {  	s0 =	sor.u32 $0xB80, s0;
	[sflag:s26] =	ssyncadd.s32 $0xFFFFC000  }
0xe8: {  	[spmem:s2] =	stream.indirect.scatter.add.f32 [tilespmem:s25], [sflag:$0x4], $0x80, s0, s23, $0xb8;
	[tilespmem:$0x1D000] =	vst v63  }
0xe9: {  	_ =	swait.ge [sflag:s21], $0x4000  }
0xea: {  	s30 =	sadd.s32 $0x80, s30;
	[sflag:s21] =	ssyncset.done $0x0  }
0xeb: {  	[sflag:s21] =	ssyncadd.s32 $0xFFFFC000;
	s0 =	stileid.u32;
	s28 =	sadd.s32 $0x1, s28  }
0xec: {  	s3 =	sshrl.u32 s7, $0x3;
	s0 =	sshll.u32 s0, $0x6;
	p0 =	sne.s32 s28, s9  }
.Ltmp2:
0xed: {  	[bflag:$0x0] =	sbarrier.arrive $0xFFFF;
	s0 =	sor.u32 $0x1C04, s0;
	(pc) =	sbr.rel @p0 .LBB2_1-.Ltmp2, $4  }
0xee: {  	[hbm:s8], [sflag:s0] =	dma.local [spmem:s3], $0x2800  }
0xef: {  	_ =	swait.ge [sflag:s21], $0x2800  }
0xf0: {  	[sflag:s21] =	ssyncset.done $0x0  }
0xf1: {  	[sflag:s21] =	ssyncadd.s32 $0xFFFFD800  }
0xf2: {  	_ =	sfence.sel $0x180000  }
0xf3: {  	[bflag:$0x0] =	sbarrier.arrive $0xFFFF  }
0xf4: {  	_ =	strace $0x9000004A  }
0xf5: {  	s0 =	stileid.u32;
	[bflag:$0x2] =	sbarrier.arrive $0xFFFF  }
0xf6: {  	p0 =	sne.s32 s0, $0x0;
	s0 =	rddreg [dreg:$0x3]  }
0xf7: {  	s0 =	sadd.s32 @!p0 $0x100000, s0  }
0xf8: {  	[sflag:s0] =	ssyncadd.tile.s32 @!p0 $0x1;
	_ =	shalt  }
.Lfunc_end2:
_tile_overlayer_lowered:
.L_overlay_start_2:
0xf9: {  	(tag) =	ssettag $0x2  }
0xfa: {  	s0 =	rddreg [dreg:$0x0];
	s2 =	stileid.u32  }
0xfb: {  	s1 =	rddreg [dreg:$0x1];
	p0 =	sne.s32 s2, $0x0  }
0xfc: {  	s3 =	rddreg [dreg:$0x2];
	[bflag:$0x3] =	sbarrier.arrive $0xFFFF;
	s2 =	simm.s32 @!p0 $0x1C04  }
0xfd: {  	[timem:s3], [sflag:s2] =	dma.local @!p0 [hbm:s0], s1  }
0xfe: {  	s0 =	simm.s32 @!p0 $0x4  }
0xff: {  	_ =	swait.ge @!p0 [sflag:s0], s1  }
0x100: {  	s1 =	ssub.s32 @!p0 $0x0, s1;
	[sflag:s0] =	ssyncset.done @!p0 $0x0  }
0x101: {  	[sflag:s0] =	ssyncadd.s32 @!p0 s1  }
0x102: {  	[bflag:$0x3] =	sbarrier.arrive $0xFFFF  }
0x103: {  	_ =	shalt  }

// kernel: kernel.14.cloned.1.call-start
scs
__scs_entry_jumppad:
0x0: {  	(pc) =	sbr.rel $0x88, $3  }
0x1: {  	(tag) =	ssettag $0x0;
	lr =	simm.s32 $0x1  }
0x2: {  	[smem:$0x3F9A] =	sst lr;
	_ =	strace $0xD0000000  }
0x3: {  	_ = 	snop  }
0x4: {  	_ = 	snop  }
0x5: {  	_ = 	snop  }
0x6: {  	_ = 	snop  }
0x7: {  	_ = 	snop  }
__scs_overlays_trampoline_lowered:
0x8: {  	[smem:$0x3FA9] =	sst s0  }
0x9: {  	[smem:$0x3FAA] =	sst s1  }
0xa: {  	[smem:$0x3FAB] =	sst s2  }
0xb: {  	[smem:$0x3FAC] =	sst s3  }
0xc: {  	[smem:$0x3FAD] =	sst s4  }
0xd: {  	[smem:$0x3FAE] =	sst s5  }
0xe: {  	[smem:$0x3FAF] =	sst s6  }
0xf: {  	[smem:$0x3FB0] =	sst s7  }
0x10: {  	[smem:$0x3FB1] =	sst s8  }
0x11: {  	[smem:$0x3FB2] =	sst s9;
	s0 =	simm.s32 @!p0 $0x0  }
0x12: {  	s1 =	sld [smem:$0x3F98];
	s0 =	simm.s32 @p0 $0x1  }
0x13: {  	[smem:$0x3FB3] =	sst s0;
	s0 =	simm.s32 @!p1 $0x0  }
0x14: {  	s2 =	sld [smem:$0x3F97];
	s0 =	simm.s32 @p1 $0x1  }
0x15: {  	[smem:$0x3FB4] =	sst s0;
	s0 =	simm.s32 @!p2 $0x0  }
0x16: {  	s3 =	sld [smem:$0x3FDB];
	s0 =	simm.s32 @p2 $0x1  }
0x17: {  	s4 =	simm.s32 $0x1BF5;
	[smem:$0x3FB6] =	sst s0  }
0x18: {  	s0 =	sld [smem:$0x3F99];
	_ =	swait.ge [sflag:s4], $0x0  }
0x19: {  	s7 =	sld [smem:$0x3F9A]  }
0x1a: {  	s8 =	sadd.s32 $0xFFFFE003, lr  }
0x1b: {  	s9 =	sadd.s32 $0xFFFFFEF7, lr;
	s5 =	simm.s32 $0xFFFFFFFF;
	p2 =	slt.u32 s8, $0xFFFFF086  }
0x1c: {  	p1 =	slt.u32 s9, $0xF7A;
	s5 =	simm.s32 @!p2 $0x0  }
0x1d: {  	s5 =	simm.s32 @p1 $0x1;
	p0 =	seq.s32 s7, s2  }
0x1e: {  	s7 =	smul.u32 @!p0 $0xF7A, s2;
	p2 =	seq.s32 @!p0 s5, $0x0  }
0x1f: {  	s9 =	smul.u32 $0xF7A, s1;
	s8 =	simm.s32 @!p0 $0x1BF5;
	p2 =	por !p2, p0  }
0x20: {  	[sflag:s8] =	ssyncset.s32 @!p0 $0xFFFFF086;
	s6 =	sadd.s32 @!p0 s3, s7;
	s7 =	simm.s32 @!p0 $0x108  }
0x21: {  	s3 =	sadd.s32 s3, s9;
	s6 =	sadd.s32 @!p0 $0x88, s6;
	s7 =	simm.s32 @p2 $0x1082  }
0x22: {  	[simem:s7], [sflag:s8] =	dma.local @!p0 [hbm:s6], $0xF7A  }
0x23: {  	s9 =	sor.u32 $0xD0000000, s2;
	s6 =	simm.s32 $0x108;
	_ =	swait.ge @!p0 [sflag:s8], $0x0  }
0x24: {  	s3 =	sadd.s32 $0x88, s3;
	s6 =	simm.s32 @!p1 $0x1082;
	[sflag:s4] =	ssyncset.s32 $0xFFFFF086  }
0x25: {  	[simem:s6], [sflag:s4] =	dma.local [hbm:s3], $0xF7A  }
0x26: {  	[smem:$0x3F9A] =	sst s1;
	(tag) =	ssettag s2;
	_ =	strace s9  }
0x27: {  	s1 =	sld [smem:$0x3FAA]  }
0x28: {  	s2 =	sld [smem:$0x3FAB]  }
0x29: {  	s4 =	sld [smem:$0x3FAD]  }
0x2a: {  	p0 =	seq.s32 s5, $0x0;
	s5 =	sld [smem:$0x3FAE]  }
0x2b: {  	s6 =	sld [smem:$0x3FAF]  }
0x2c: {  	s7 =	sld [smem:$0x3FB0]  }
0x2d: {  	s3 =	simm.s32 $0x108;
	s8 =	sld [smem:$0x3FB1]  }
0x2e: {  	s3 =	simm.s32 @!p0 $0x1082;
	s9 =	sld [smem:$0x3FB2]  }
0x2f: {  	lr =	sadd.s32 s0, s3;
	s0 =	sld [smem:$0x3FA9]  }
0x30: {  	s3 =	sld [smem:$0x3FAC]  }
0x31: {  	[smem:$0x3FB5] =	sst s10  }
0x32: {  	s10 =	sld [smem:$0x3FB3];
	_ =	sdelay $0x3  }
0x33: {  	p0 =	seq.s32 s10, $0x1;
	s10 =	sld [smem:$0x3FB5];
	_ =	sdelay $0x3  }
0x34: {  	[smem:$0x3FB5] =	sst s10  }
0x35: {  	s10 =	sld [smem:$0x3FB4];
	_ =	sdelay $0x3  }
0x36: {  	p1 =	seq.s32 s10, $0x1;
	s10 =	sld [smem:$0x3FB5];
	_ =	sdelay $0x3  }
0x37: {  	[smem:$0x3FB5] =	sst s10  }
0x38: {  	s10 =	sld [smem:$0x3FB6]  }
0x39: {  	_ = 	snop;
	(pc) =	sbr.ind lr, $3  }
0x3a: {  	_ = 	snop  }
0x3b: {  	_ = 	snop  }
0x3c: {  	p2 =	seq.s32 s10, $0x1;
	s10 =	sld [smem:$0x3FB5]  }
0x3d: {  	_ =	shalt  }
0x3e: {  	_ =	shalt  }
0x3f: {  	_ =	shalt  }
0x40: {  	_ =	shalt  }
0x41: {  	_ =	shalt  }
0x42: {  	_ =	shalt  }
0x43: {  	_ =	shalt  }
0x44: {  	_ =	shalt  }
0x45: {  	_ =	shalt  }
0x46: {  	_ =	shalt  }
0x47: {  	_ =	shalt  }
0x48: {  	_ =	shalt  }
0x49: {  	_ =	shalt  }
0x4a: {  	_ =	shalt  }
0x4b: {  	_ =	shalt  }
0x4c: {  	_ =	shalt  }
0x4d: {  	_ =	shalt  }
0x4e: {  	_ =	shalt  }
0x4f: {  	_ =	shalt  }
0x50: {  	_ =	shalt  }
0x51: {  	_ =	shalt  }
0x52: {  	_ =	shalt  }
0x53: {  	_ =	shalt  }
0x54: {  	_ =	shalt  }
0x55: {  	_ =	shalt  }
0x56: {  	_ =	shalt  }
0x57: {  	_ =	shalt  }
0x58: {  	_ =	shalt  }
0x59: {  	_ =	shalt  }
0x5a: {  	_ =	shalt  }
0x5b: {  	_ =	shalt  }
0x5c: {  	_ =	shalt  }
0x5d: {  	_ =	shalt  }
0x5e: {  	_ =	shalt  }
0x5f: {  	_ =	shalt  }
0x60: {  	_ =	shalt  }
0x61: {  	_ =	shalt  }
0x62: {  	_ =	shalt  }
0x63: {  	_ =	shalt  }
0x64: {  	_ =	shalt  }
0x65: {  	_ =	shalt  }
0x66: {  	_ =	shalt  }
0x67: {  	_ =	shalt  }
0x68: {  	_ =	shalt  }
0x69: {  	_ =	shalt  }
0x6a: {  	_ =	shalt  }
0x6b: {  	_ =	shalt  }
0x6c: {  	_ =	shalt  }
0x6d: {  	_ =	shalt  }
0x6e: {  	_ =	shalt  }
0x6f: {  	_ =	shalt  }
0x70: {  	_ =	shalt  }
0x71: {  	_ =	shalt  }
0x72: {  	_ =	shalt  }
0x73: {  	_ =	shalt  }
0x74: {  	_ =	shalt  }
0x75: {  	_ =	shalt  }
0x76: {  	_ =	shalt  }
0x77: {  	_ =	shalt  }
0x78: {  	_ =	shalt  }
0x79: {  	_ =	shalt  }
0x7a: {  	_ =	shalt  }
0x7b: {  	_ =	shalt  }
0x7c: {  	_ =	shalt  }
0x7d: {  	_ =	shalt  }
0x7e: {  	_ =	shalt  }
0x7f: {  	_ =	shalt  }
0x80: {  	_ =	shalt  }
0x81: {  	_ =	shalt  }
0x82: {  	_ =	shalt  }
0x83: {  	_ =	shalt  }
0x84: {  	_ =	shalt  }
0x85: {  	_ =	shalt  }
0x86: {  	_ =	shalt  }
0x87: {  	_ =	shalt  }
.Lfunc_end0:
.L_simem_size_0:
called_computation.2_lowered:
.L_overlay_start_0:
0x88: {  	s2 =	sld [smem:$0x3FD9]  }
0x89: {  	s3 =	sld [smem:$0x3FFE];
	_ =	sdelay $0x1  }
0x8a: {  	s1 =	srdreg.scid  }
0x8b: {  	s0 =	sand.u32 $0x1, s1  }
0x8c: {  	s17 =	sshll.u32 s0, $0xA;
	s2 =	sadd.s32 s3, s2  }
0x8d: {  	s2 =	sadd.s32 s2, s17  }
0x8e: {  	[smem:$0x3FC1] =	sst s2  }
0x8f: {  	_ = 	snop  }
0x90: {  	s2 =	sld [smem:$0x3FD0];
	(tm) =	ssettm $0x1  }
0x91: {  	s18 =	sld [smem:$0x3FFB];
	_ =	sdelay $0x3  }
0x92: {  	_ =	strace s18  }
0x93: {  	s3 =	sld [smem:$0x3FFC];
	_ =	sdelay $0x3  }
0x94: {  	_ =	strace s3  }
0x95: {  	s3 =	sld [smem:$0x3FFD];
	_ =	sdelay $0x3  }
0x96: {  	_ =	strace s3  }
0x97: {  	_ =	strace $0x8FFFFFFF  }
0x98: {  	s19 =	sld [smem:$0x3FDB];
	_ =	sdelay $0x1  }
0x99: {  	s4 =	simm.s32 $_scs_section_size  }
0x9a: {  	s5 =	simm.s32 $_size__tile_overlayer_lowered;
	s6 =	simm.s32 $_tile_overlayer_lowered  }
0x9b: {  	s22 =	simm.s32 $0x1BFF;
	s21 =	sshll.u32 s6, $0x1;
	s3 =	sadd.s32 s4, s19  }
0x9c: {  	s7 =	simm.s32 $0x0;
	s20 =	sshll.u32 s5, $0x1;
	s5 =	sadd.s32 s21, s3  }
0x9d: {  	[timem:s7], [sflag:s22] =	dma.local [hbm:s5], s20  }
0x9e: {  	_ =	swait.ge [sflag:s22], s20  }
0x9f: {  	s4 =	ssub.s32 $0x0, s20;
	[sflag:s22] =	ssyncset.done $0x0  }
0xa0: {  	[sflag:s22] =	ssyncadd.s32 s4;
	_ =	sdelay $0x1  }
0xa1: {  	s23 =	simm.s32 $0x1B8B  }
0xa2: {  	_ =	swait.ge [sflag:s23], $0x1  }
0xa3: {  	[sflag:s23] =	ssyncset.done $0x0  }
0xa4: {  	s25 =	simm.s32 $0x1B8E;
	s24 =	sld [smem:$0x3FFE];
	[sflag:s23] =	ssyncadd.s32 $0xFFFFFFFF  }
0xa5: {  	s26 =	simm.s32 $execute0_lowered;
	[smem:$0x3FD2] =	sst s25  }
0xa6: {  	s5 =	sshll.u32 s26, $0x1;
	_ =	strace $0x8000004C;
	[dreg:$0x1] =	wrdreg $0xFFFFFFFF  }
0xa7: {  	s28 =	simm.s32 $_size_execute0_lowered;
	s3 =	sadd.s32 s3, s5;
	[dreg:$0x0] =	wrdreg $0x0  }
0xa8: {  	s5 =	sshll.u32 s28, $0x1;
	[dreg:$0x2] =	wrdreg s3  }
0xa9: {  	[dreg:$0x3] =	wrdreg s5  }
0xaa: {  	[dreg:$0x4] =	wrdreg $0xC0  }
0xab: {  	_ =	task [dreg:s7], $0x5FFFF  }
0xac: {  	[dreg:$0x1] =	wrdreg $0xFFFFFFFF  }
0xad: {  	[dreg:$0x0] =	wrdreg $0x60  }
0xae: {  	[dreg:$0x2] =	wrdreg s2  }
0xaf: {  	[dreg:$0x3] =	wrdreg s24  }
0xb0: {  	[dreg:$0x4] =	wrdreg $0x90000  }
0xb1: {  	[dreg:$0x5] =	wrdreg $0x9  }
0xb2: {  	_ =	task.clear_ibuf [dreg:s7], $0x6FFFF;
	_ =	strace $0x9000004C  }
0xb3: {  	s29 =	simm.s32 $0x9;
	_ =	strace $0x8000004E  }
0xb4: {  	_ =	swait.ge [sflag:s29], $0x1  }
0xb5: {  	[sflag:s29] =	ssyncadd.s32 $0xFFFFFFFF  }
0xb6: {  	_ =	strace $0x9000004E  }
0xb7: {  	_ =	sfence  }
0xb8: {  	s30 =	sld [smem:$0x0];
	_ =	sdelay $0x2  }
0xb9: {  	s31 =	sshll.u32 s1, $0xD;
	s1 =	sshrl.u32 s1, $0x2  }
0xba: {  	s3 =	sand.u32 $0x4000, s31;
	s1 =	sadd.s32 s1, s30  }
0xbb: {  	s0 =	sor.u32 s3, s0;
	s1 =	sshll.u32 s1, $0x11  }
0xbc: {  	s0 =	sor.u32 s1, s0  }
0xbd: {  	s0 =	sadd.s32 $0x8F2B, s0  }
0xbe: {  	[sflag:s0] =	ssyncadd.remote.s32 $0x1  }
0xbf: {  	_ =	sfence.sel $0xFFFF  }
0xc0: {  	[dreg:$0x0] =	wrdreg $0xFFFFFFFF;
	(pc) =	sbr.abs _section_cstart, $3  }
0xc1: {  	[dreg:$0x1] =	wrdreg $0xFFFFFFFF  }
0xc2: {  	_ =	task.clear_ibuf [dreg:s7], $0x2FFFF;
	_ =	strace $0x9FFFFFFF  }
0xc3: {  	(tm) =	ssettm $0x7FFFFFFF  }
tec
execute0_lowered:
.L_overlay_start_1:
0x0: {  	(tag) =	ssettag $0x1  }
0x1: {  	s1 =	rddreg [dreg:$0x0]  }
0x2: {  	s0 =	rddreg [dreg:$0x1]  }
0x3: {  	s2 =	rddreg [dreg:$0x2];
	s3 =	srdreg.scid  }
0x4: {  	s4 =	simm.s32 $0x0;
	s29 =	stileid.u32;
	s20 =	simm.s32 $0x1000  }
0x5: {  	s21 =	simm.s32 $0x4;
	s22 =	simm.s32 $0x3;
	s23 =	simm.s32 $0x80  }
0x6: {  	s24 =	simm.s32 $0x1;
	s25 =	simm.s32 $0x5000;
	s6 =	smul.u32 $0x14000, s29  }
0x7: {  	s26 =	simm.s32 $0x2;
	s28 =	simm.s32 $0x0;
	s10 =	smul.u32 $0x50000, s29  }
0x8: {  	s8 =	sand.u32 $0x1, s3;
	[smem:$0x7FF] =	sst s4;
	s13 =	smul.u32 $0x14, s29  }
0x9: {  	s7 =	sshll.u32 s29, $0x1;
	s16 =	sadd.s32 $0x34600, s0;
	s5 =	smul.u32 $0x140000, s8  }
0xa: {  	s17 =	sadd.s32 $0x2A600, s0;
	s7 =	sor.u32 s8, s7;
	s14 =	smul.u32 $0xA, s8  }
0xb: {  	_ =	strace $0x8000004D;
	s30 =	ssub.s32 $0x2, s8;
	s7 =	smul.u32 $0x500, s7  }
0xc: {  	s9 =	sshrl.u32 s30, $0x1;
	s10 =	sshrl.u32 s10, $0x2;
	s5 =	sadd.s32 s6, s5  }
0xd: {  	s9 =	ssub.s32 s30, s9;
	s31 =	sadd.s32 s14, s13;
	s5 =	sshrl.u32 s5, $0x3  }
0xe: {  	s6 =	sadd.s32 s17, s7;
	s9 =	smax.u32 s9, $0x1;
	s0 =	sadd.s32 s5, s0  }
0xf: {  	s5 =	sadd.s32 s16, s7;
	s7 =	sadd.s32 s10, s2;
	s8 =	sadd.s32 $0x3E600, s0  }
0x10: {  	s10 =	sadd.s32 $0x2800, s7;
	s11 =	sadd.s32 $0x5000, s7;
	s12 =	sadd.s32 $0x7800, s7  }
0x11: {  	s13 =	sadd.s32 $0xA000, s7;
	s14 =	sadd.s32 $0xC800, s7;
	s0 =	sshll.u32 s31, $0x7  }
0x12: {  	s15 =	sadd.s32 $0xF000, s7;
	s18 =	sadd.s32 s0, s16;
	s0 =	sadd.s32 s0, s17  }
0x13: {  	v0 =	vimm.f32 $0.0e+00;
	s16 =	sadd.s32 $0x11800, s7;
	s17 =	sadd.s32 $0x80, s18;
	s18 =	sadd.s32 $0x80, s0  }
.LBB2_1:
0x14: {  	[tilespmem:s4], [sflag:$0x3] =	stream.linear.gather [hbm4b:s5+s4], $0x400, $0x38;
	[tilespmem:$0x1D000] =	vst v63  }
0x15: {  	s0 =	simm.s32 $0x800  }
0x16: {  	[tilespmem:s0], [sflag:$0x3] =	stream.linear.gather [hbm4b:s6+s4], $0x400, $0x38;
	[tilespmem:$0x1D000] =	vst v63  }
0x17: {  	s29 =	simm.s32 $0x3C0;
	s0 =	simm.s32 $0x70  }
.LBB2_2:
0x18: {  	p0 =	sne.s32 s29, $0x9FC0;
	[tilespmem:s0+$0x1000] =	vst v0  }
0x19: {  	[tilespmem:s0+$0xF90] =	vst v0  }
0x1a: {  	[tilespmem:s0+$0xFA0] =	vst v0  }
.Ltmp0:
0x1b: {  	[tilespmem:s0+$0xFB0] =	vst v0;
	(pc) =	sbr.rel @p0 .LBB2_2-.Ltmp0, $4  }
0x1c: {  	[tilespmem:s0+$0xFC0] =	vst v0  }
0x1d: {  	[tilespmem:s0+$0xFD0] =	vst v0  }
0x1e: {  	[tilespmem:s0+$0xFE0] =	vst v0  }
0x1f: {  	[tilespmem:s0+$0xFF0] =	vst v0;
	s0 =	sshra.s32 s29, $0x2;
	s29 =	sadd.s32 $0x200, s29  }
0x20: {  	[tilespmem:s0+$0x1000] =	vst v0  }
0x21: {  	[tilespmem:s0+$0xF90] =	vst v0  }
0x22: {  	[tilespmem:s0+$0xFA0] =	vst v0  }
0x23: {  	[tilespmem:s0+$0xFB0] =	vst v0  }
0x24: {  	[tilespmem:s0+$0xFC0] =	vst v0  }
0x25: {  	[tilespmem:s0+$0xFD0] =	vst v0  }
0x26: {  	[tilespmem:s0+$0xFE0] =	vst v0  }
0x27: {  	[tilespmem:s0+$0xFF0] =	vst v0  }
0x28: {  	[spmem:s7] =	stream.linear.scatter [tilespmem:s20], [sflag:$0x4], $0x2800, $0x38;
	[tilespmem:$0x1D000] =	vst v63  }
0x29: {  	_ =	swait.ge [sflag:s21], $0x2800  }
0x2a: {  	[sflag:s21] =	ssyncset.done $0x0  }
0x2b: {  	[sflag:s21] =	ssyncadd.s32 $0xFFFFD800  }
0x2c: {  	[spmem:s10] =	stream.linear.scatter [tilespmem:s20], [sflag:$0x4], $0x2800, $0x38;
	[tilespmem:$0x1D000] =	vst v63  }
0x2d: {  	_ =	swait.ge [sflag:s21], $0x2800  }
0x2e: {  	[sflag:s21] =	ssyncset.done $0x0  }
0x2f: {  	[sflag:s21] =	ssyncadd.s32 $0xFFFFD800  }
0x30: {  	[spmem:s11] =	stream.linear.scatter [tilespmem:s20], [sflag:$0x4], $0x2800, $0x38;
	[tilespmem:$0x1D000] =	vst v63  }
0x31: {  	_ =	swait.ge [sflag:s21], $0x2800  }
0x32: {  	[sflag:s21] =	ssyncset.done $0x0  }
0x33: {  	[sflag:s21] =	ssyncadd.s32 $0xFFFFD800  }
0x34: {  	[spmem:s12] =	stream.linear.scatter [tilespmem:s20], [sflag:$0x4], $0x2800, $0x38;
	[tilespmem:$0x1D000] =	vst v63  }
0x35: {  	_ =	swait.ge [sflag:s21], $0x2800  }
0x36: {  	[sflag:s21] =	ssyncset.done $0x0  }
0x37: {  	[sflag:s21] =	ssyncadd.s32 $0xFFFFD800  }
0x38: {  	[spmem:s13] =	stream.linear.scatter [tilespmem:s20], [sflag:$0x4], $0x2800, $0x38;
	[tilespmem:$0x1D000] =	vst v63  }
0x39: {  	_ =	swait.ge [sflag:s21], $0x2800  }
0x3a: {  	[sflag:s21] =	ssyncset.done $0x0  }
0x3b: {  	[sflag:s21] =	ssyncadd.s32 $0xFFFFD800  }
0x3c: {  	[spmem:s14] =	stream.linear.scatter [tilespmem:s20], [sflag:$0x4], $0x2800, $0x38;
	[tilespmem:$0x1D000] =	vst v63  }
0x3d: {  	_ =	swait.ge [sflag:s21], $0x2800  }
0x3e: {  	[sflag:s21] =	ssyncset.done $0x0  }
0x3f: {  	[sflag:s21] =	ssyncadd.s32 $0xFFFFD800  }
0x40: {  	[spmem:s15] =	stream.linear.scatter [tilespmem:s20], [sflag:$0x4], $0x2800, $0x38;
	[tilespmem:$0x1D000] =	vst v63  }
0x41: {  	_ =	swait.ge [sflag:s21], $0x2800  }
0x42: {  	[sflag:s21] =	ssyncset.done $0x0  }
0x43: {  	[sflag:s21] =	ssyncadd.s32 $0xFFFFD800  }
0x44: {  	[spmem:s16] =	stream.linear.scatter [tilespmem:s20], [sflag:$0x4], $0x2800, $0x38;
	[tilespmem:$0x1D000] =	vst v63  }
0x45: {  	_ =	swait.ge [sflag:s21], $0x2800  }
0x46: {  	[sflag:s21] =	ssyncset.done $0x0  }
0x47: {  	[sflag:s21] =	ssyncadd.s32 $0xFFFFD800  }
0x48: {  	[bflag:$0x0] =	sbarrier.arrive $0xFFFF  }
0x49: {  	_ =	swait.ge [sflag:s22], $0x400  }
0x4a: {  	[sflag:s22] =	ssyncset.done $0x0  }
0x4b: {  	[sflag:s22] =	ssyncadd.s32 $0xFFFFFC00  }
0x4c: {  	s0 =	simm.s32 $0x0;
	p0 =	por $0x0, $0x0;
	_ =	swait.ge [sflag:s22], $0x400  }
0x4d: {  	s0 =	sand.u32 @!p0 $0x400, s0;
	[sflag:s22] =	ssyncset.done $0x0  }
0x4e: {  	s30 =	simm.s32 @!p0 $0x0;
	s29 =	sxor.u32 @!p0 $0x400, s0;
	[sflag:s22] =	ssyncadd.s32 $0xFFFFFC00  }
0x4f: {  	[tilespmem:s29], [sflag:$0x3] =	stream.linear.gather @!p0 [hbm4b:s17+s30], $0x400, $0x38;
	[tilespmem:$0x1D000] =	vst v63  }
0x50: {  	s29 =	sxor.u32 @!p0 $0xC00, s0  }
0x51: {  	[tilespmem:s29], [sflag:$0x3] =	stream.linear.gather @!p0 [hbm4b:s18+s30], $0x400, $0x38;
	[tilespmem:$0x1D000] =	vst v63  }
0x52: {  	s0 =	simm.s32 @p0 $0x400  }
0x53: {  	[tilespmem:s20], [sflag:$0x1] =	stream.indirect.gather [hbm4b:s1+s23], $0x80, s0, s23, $0xb8;
	[tilespmem:$0x1D000] =	vst v63  }
0x54: {  	_ =	swait.ge [sflag:s24], $0x4000  }
0x55: {  	[sflag:s24] =	ssyncset.done $0x0  }
0x56: {  	s29 =	sor.u32 $0x80, s0;
	[sflag:s24] =	ssyncadd.s32 $0xFFFFC000  }
0x57: {  	[tilespmem:s25], [sflag:$0x2] =	stream.indirect.gather [hbm4b:s1+s23], $0x80, s29, s23, $0xb8;
	[tilespmem:$0x1D000] =	vst v63  }
0x58: {  	s29 =	sor.u32 $0x800, s0  }
0x59: {  	[spmem:s2] =	stream.indirect.scatter.add.f32 [tilespmem:s20], [sflag:$0x4], $0x80, s29, s23, $0xb8;
	[tilespmem:$0x1D000] =	vst v63  }
0x5a: {  	_ =	swait.ge [sflag:s21], $0x4000  }
0x5b: {  	[sflag:s21] =	ssyncset.done $0x0  }
0x5c: {  	[sflag:s21] =	ssyncadd.s32 $0xFFFFC000  }
0x5d: {  	_ =	swait.ge [sflag:s26], $0x4000  }
0x5e: {  	[sflag:s26] =	ssyncset.done $0x0  }
0x5f: {  	s29 =	sor.u32 $0x100, s0;
	[sflag:s26] =	ssyncadd.s32 $0xFFFFC000  }
0x60: {  	[tilespmem:s20], [sflag:$0x1] =	stream.indirect.gather [hbm4b:s1+s23], $0x80, s29, s23, $0xb8;
	[tilespmem:$0x1D000] =	vst v63  }
0x61: {  	s29 =	sor.u32 $0x880, s0  }
0x62: {  	[spmem:s2] =	stream.indirect.scatter.add.f32 [tilespmem:s25], [sflag:$0x4], $0x80, s29, s23, $0xb8;
	[tilespmem:$0x1D000] =	vst v63  }
0x63: {  	_ =	swait.ge [sflag:s21], $0x4000  }
0x64: {  	[sflag:s21] =	ssyncset.done $0x0  }
0x65: {  	[sflag:s21] =	ssyncadd.s32 $0xFFFFC000  }
0x66: {  	_ =	swait.ge [sflag:s24], $0x4000  }
0x67: {  	[sflag:s24] =	ssyncset.done $0x0  }
0x68: {  	s29 =	sor.u32 $0x180, s0;
	[sflag:s24] =	ssyncadd.s32 $0xFFFFC000  }
0x69: {  	[tilespmem:s25], [sflag:$0x2] =	stream.indirect.gather [hbm4b:s1+s23], $0x80, s29, s23, $0xb8;
	[tilespmem:$0x1D000] =	vst v63  }
0x6a: {  	s29 =	sor.u32 $0x900, s0  }
0x6b: {  	[spmem:s2] =	stream.indirect.scatter.add.f32 [tilespmem:s20], [sflag:$0x4], $0x80, s29, s23, $0xb8;
	[tilespmem:$0x1D000] =	vst v63  }
0x6c: {  	_ =	swait.ge [sflag:s21], $0x4000  }
0x6d: {  	[sflag:s21] =	ssyncset.done $0x0  }
0x6e: {  	[sflag:s21] =	ssyncadd.s32 $0xFFFFC000  }
0x6f: {  	_ =	swait.ge [sflag:s26], $0x4000  }
0x70: {  	[sflag:s26] =	ssyncset.done $0x0  }
0x71: {  	s29 =	sor.u32 $0x200, s0;
	[sflag:s26] =	ssyncadd.s32 $0xFFFFC000  }
0x72: {  	[tilespmem:s20], [sflag:$0x1] =	stream.indirect.gather [hbm4b:s1+s23], $0x80, s29, s23, $0xb8;
	[tilespmem:$0x1D000] =	vst v63  }
0x73: {  	s29 =	sor.u32 $0x980, s0  }
0x74: {  	[spmem:s2] =	stream.indirect.scatter.add.f32 [tilespmem:s25], [sflag:$0x4], $0x80, s29, s23, $0xb8;
	[tilespmem:$0x1D000] =	vst v63  }
0x75: {  	_ =	swait.ge [sflag:s21], $0x4000  }
0x76: {  	[sflag:s21] =	ssyncset.done $0x0  }
0x77: {  	[sflag:s21] =	ssyncadd.s32 $0xFFFFC000  }
0x78: {  	_ =	swait.ge [sflag:s24], $0x4000  }
0x79: {  	[sflag:s24] =	ssyncset.done $0x0  }
0x7a: {  	s29 =	sor.u32 $0x280, s0;
	[sflag:s24] =	ssyncadd.s32 $0xFFFFC000  }
0x7b: {  	[tilespmem:s25], [sflag:$0x2] =	stream.indirect.gather [hbm4b:s1+s23], $0x80, s29, s23, $0xb8;
	[tilespmem:$0x1D000] =	vst v63  }
0x7c: {  	s29 =	sor.u32 $0xA00, s0  }
0x7d: {  	[spmem:s2] =	stream.indirect.scatter.add.f32 [tilespmem:s20], [sflag:$0x4], $0x80, s29, s23, $0xb8;
	[tilespmem:$0x1D000] =	vst v63  }
0x7e: {  	_ =	swait.ge [sflag:s21], $0x4000  }
0x7f: {  	[sflag:s21] =	ssyncset.done $0x0  }
0x80: {  	[sflag:s21] =	ssyncadd.s32 $0xFFFFC000  }
0x81: {  	_ =	swait.ge [sflag:s26], $0x4000  }
0x82: {  	[sflag:s26] =	ssyncset.done $0x0  }
0x83: {  	s29 =	sor.u32 $0x300, s0;
	[sflag:s26] =	ssyncadd.s32 $0xFFFFC000  }
0x84: {  	[tilespmem:s20], [sflag:$0x1] =	stream.indirect.gather [hbm4b:s1+s23], $0x80, s29, s23, $0xb8;
	[tilespmem:$0x1D000] =	vst v63  }
0x85: {  	s29 =	sor.u32 $0xA80, s0  }
0x86: {  	[spmem:s2] =	stream.indirect.scatter.add.f32 [tilespmem:s25], [sflag:$0x4], $0x80, s29, s23, $0xb8;
	[tilespmem:$0x1D000] =	vst v63  }
0x87: {  	_ =	swait.ge [sflag:s21], $0x4000  }
0x88: {  	[sflag:s21] =	ssyncset.done $0x0  }
0x89: {  	[sflag:s21] =	ssyncadd.s32 $0xFFFFC000  }
0x8a: {  	_ =	swait.ge [sflag:s24], $0x4000  }
0x8b: {  	[sflag:s24] =	ssyncset.done $0x0  }
0x8c: {  	s29 =	sor.u32 $0x380, s0;
	[sflag:s24] =	ssyncadd.s32 $0xFFFFC000  }
0x8d: {  	[tilespmem:s25], [sflag:$0x2] =	stream.indirect.gather [hbm4b:s1+s23], $0x80, s29, s23, $0xb8;
	[tilespmem:$0x1D000] =	vst v63  }
0x8e: {  	s29 =	sor.u32 $0xB00, s0  }
0x8f: {  	[spmem:s2] =	stream.indirect.scatter.add.f32 [tilespmem:s20], [sflag:$0x4], $0x80, s29, s23, $0xb8;
	[tilespmem:$0x1D000] =	vst v63  }
0x90: {  	_ =	swait.ge [sflag:s21], $0x4000  }
0x91: {  	[sflag:s21] =	ssyncset.done $0x0  }
0x92: {  	[sflag:s21] =	ssyncadd.s32 $0xFFFFC000  }
0x93: {  	_ =	swait.ge [sflag:s26], $0x4000  }
0x94: {  	[sflag:s26] =	ssyncset.done $0x0  }
0x95: {  	s0 =	sor.u32 $0xB80, s0;
	[sflag:s26] =	ssyncadd.s32 $0xFFFFC000  }
0x96: {  	[spmem:s2] =	stream.indirect.scatter.add.f32 [tilespmem:s25], [sflag:$0x4], $0x80, s0, s23, $0xb8;
	[tilespmem:$0x1D000] =	vst v63  }
0x97: {  	s31 =	smov.u32 s17;
	_ =	swait.ge [sflag:s21], $0x4000  }
0x98: {  	s30 =	sadd.s32 $0x80, s18;
	s29 =	simm.s32 $0x400;
	[sflag:s21] =	ssyncset.done $0x0  }
.LBB2_4:
0x99: {  	[sflag:s21] =	ssyncadd.s32 $0xFFFFC000  }
0x9a: {  	s31 =	sadd.s32 $0x80, s31;
	s0 =	smov.u32 s29;
	s29 =	sadd.s32 $0x400, s29  }
0x9b: {  	_ =	swait.ge [sflag:s22], $0x400;
	p0 =	sne.s32 s29, $0x2800  }
0x9c: {  	[sflag:s22] =	ssyncset.done $0x0  }
0x9d: {  	[sflag:s22] =	ssyncadd.s32 $0xFFFFFC00  }
0x9e: {  	p1 =	seq.s32 s0, $0x2400;
	_ =	swait.ge [sflag:s22], $0x400  }
0x9f: {  	s0 =	sand.u32 @!p1 $0x400, s0;
	[sflag:s22] =	ssyncset.done $0x0  }
0xa0: {  	s3 =	simm.s32 @!p1 $0x0;
	s19 =	sxor.u32 @!p1 $0x400, s0;
	[sflag:s22] =	ssyncadd.s32 $0xFFFFFC00  }
0xa1: {  	[tilespmem:s19], [sflag:$0x3] =	stream.linear.gather @!p1 [hbm4b:s31+s3], $0x400, $0x38;
	[tilespmem:$0x1D000] =	vst v63  }
0xa2: {  	s19 =	sxor.u32 @!p1 $0xC00, s0;
	s0 =	simm.s32 @p1 $0x400  }
0xa3: {  	[tilespmem:s19], [sflag:$0x3] =	stream.linear.gather @!p1 [hbm4b:s30+s3], $0x400, $0x38;
	[tilespmem:$0x1D000] =	vst v63  }
0xa4: {  	_ = 	snop  }
0xa5: {  	[tilespmem:s20], [sflag:$0x1] =	stream.indirect.gather [hbm4b:s1+s23], $0x80, s0, s23, $0xb8;
	[tilespmem:$0x1D000] =	vst v63  }
0xa6: {  	_ =	swait.ge [sflag:s24], $0x4000  }
0xa7: {  	[sflag:s24] =	ssyncset.done $0x0  }
0xa8: {  	s3 =	sor.u32 $0x80, s0;
	[sflag:s24] =	ssyncadd.s32 $0xFFFFC000  }
0xa9: {  	[tilespmem:s25], [sflag:$0x2] =	stream.indirect.gather [hbm4b:s1+s23], $0x80, s3, s23, $0xb8;
	[tilespmem:$0x1D000] =	vst v63  }
0xaa: {  	s3 =	sor.u32 $0x800, s0  }
0xab: {  	[spmem:s2] =	stream.indirect.scatter.add.f32 [tilespmem:s20], [sflag:$0x4], $0x80, s3, s23, $0xb8;
	[tilespmem:$0x1D000] =	vst v63  }
0xac: {  	_ =	swait.ge [sflag:s21], $0x4000  }
0xad: {  	[sflag:s21] =	ssyncset.done $0x0  }
0xae: {  	[sflag:s21] =	ssyncadd.s32 $0xFFFFC000  }
0xaf: {  	_ =	swait.ge [sflag:s26], $0x4000  }
0xb0: {  	[sflag:s26] =	ssyncset.done $0x0  }
0xb1: {  	s3 =	sor.u32 $0x100, s0;
	[sflag:s26] =	ssyncadd.s32 $0xFFFFC000  }
0xb2: {  	[tilespmem:s20], [sflag:$0x1] =	stream.indirect.gather [hbm4b:s1+s23], $0x80, s3, s23, $0xb8;
	[tilespmem:$0x1D000] =	vst v63  }
0xb3: {  	s3 =	sor.u32 $0x880, s0  }
0xb4: {  	[spmem:s2] =	stream.indirect.scatter.add.f32 [tilespmem:s25], [sflag:$0x4], $0x80, s3, s23, $0xb8;
	[tilespmem:$0x1D000] =	vst v63  }
0xb5: {  	_ =	swait.ge [sflag:s21], $0x4000  }
0xb6: {  	[sflag:s21] =	ssyncset.done $0x0  }
0xb7: {  	[sflag:s21] =	ssyncadd.s32 $0xFFFFC000  }
0xb8: {  	_ =	swait.ge [sflag:s24], $0x4000  }
0xb9: {  	[sflag:s24] =	ssyncset.done $0x0  }
0xba: {  	s3 =	sor.u32 $0x180, s0;
	[sflag:s24] =	ssyncadd.s32 $0xFFFFC000  }
0xbb: {  	[tilespmem:s25], [sflag:$0x2] =	stream.indirect.gather [hbm4b:s1+s23], $0x80, s3, s23, $0xb8;
	[tilespmem:$0x1D000] =	vst v63  }
0xbc: {  	s3 =	sor.u32 $0x900, s0  }
0xbd: {  	[spmem:s2] =	stream.indirect.scatter.add.f32 [tilespmem:s20], [sflag:$0x4], $0x80, s3, s23, $0xb8;
	[tilespmem:$0x1D000] =	vst v63  }
0xbe: {  	_ =	swait.ge [sflag:s21], $0x4000  }
0xbf: {  	[sflag:s21] =	ssyncset.done $0x0  }
0xc0: {  	[sflag:s21] =	ssyncadd.s32 $0xFFFFC000  }
0xc1: {  	_ =	swait.ge [sflag:s26], $0x4000  }
0xc2: {  	[sflag:s26] =	ssyncset.done $0x0  }
0xc3: {  	s3 =	sor.u32 $0x200, s0;
	[sflag:s26] =	ssyncadd.s32 $0xFFFFC000  }
0xc4: {  	[tilespmem:s20], [sflag:$0x1] =	stream.indirect.gather [hbm4b:s1+s23], $0x80, s3, s23, $0xb8;
	[tilespmem:$0x1D000] =	vst v63  }
0xc5: {  	s3 =	sor.u32 $0x980, s0  }
0xc6: {  	[spmem:s2] =	stream.indirect.scatter.add.f32 [tilespmem:s25], [sflag:$0x4], $0x80, s3, s23, $0xb8;
	[tilespmem:$0x1D000] =	vst v63  }
0xc7: {  	_ =	swait.ge [sflag:s21], $0x4000  }
0xc8: {  	[sflag:s21] =	ssyncset.done $0x0  }
0xc9: {  	[sflag:s21] =	ssyncadd.s32 $0xFFFFC000  }
0xca: {  	_ =	swait.ge [sflag:s24], $0x4000  }
0xcb: {  	[sflag:s24] =	ssyncset.done $0x0  }
0xcc: {  	s3 =	sor.u32 $0x280, s0;
	[sflag:s24] =	ssyncadd.s32 $0xFFFFC000  }
0xcd: {  	[tilespmem:s25], [sflag:$0x2] =	stream.indirect.gather [hbm4b:s1+s23], $0x80, s3, s23, $0xb8;
	[tilespmem:$0x1D000] =	vst v63  }
0xce: {  	s3 =	sor.u32 $0xA00, s0  }
0xcf: {  	[spmem:s2] =	stream.indirect.scatter.add.f32 [tilespmem:s20], [sflag:$0x4], $0x80, s3, s23, $0xb8;
	[tilespmem:$0x1D000] =	vst v63  }
0xd0: {  	_ =	swait.ge [sflag:s21], $0x4000  }
0xd1: {  	[sflag:s21] =	ssyncset.done $0x0  }
0xd2: {  	[sflag:s21] =	ssyncadd.s32 $0xFFFFC000  }
0xd3: {  	_ =	swait.ge [sflag:s26], $0x4000  }
0xd4: {  	[sflag:s26] =	ssyncset.done $0x0  }
0xd5: {  	s3 =	sor.u32 $0x300, s0;
	[sflag:s26] =	ssyncadd.s32 $0xFFFFC000  }
0xd6: {  	[tilespmem:s20], [sflag:$0x1] =	stream.indirect.gather [hbm4b:s1+s23], $0x80, s3, s23, $0xb8;
	[tilespmem:$0x1D000] =	vst v63  }
0xd7: {  	s3 =	sor.u32 $0xA80, s0  }
0xd8: {  	[spmem:s2] =	stream.indirect.scatter.add.f32 [tilespmem:s25], [sflag:$0x4], $0x80, s3, s23, $0xb8;
	[tilespmem:$0x1D000] =	vst v63  }
0xd9: {  	_ =	swait.ge [sflag:s21], $0x4000  }
0xda: {  	[sflag:s21] =	ssyncset.done $0x0  }
0xdb: {  	[sflag:s21] =	ssyncadd.s32 $0xFFFFC000  }
0xdc: {  	_ =	swait.ge [sflag:s24], $0x4000  }
0xdd: {  	[sflag:s24] =	ssyncset.done $0x0  }
0xde: {  	s3 =	sor.u32 $0x380, s0;
	[sflag:s24] =	ssyncadd.s32 $0xFFFFC000  }
0xdf: {  	[tilespmem:s25], [sflag:$0x2] =	stream.indirect.gather [hbm4b:s1+s23], $0x80, s3, s23, $0xb8;
	[tilespmem:$0x1D000] =	vst v63  }
0xe0: {  	s3 =	sor.u32 $0xB00, s0  }
0xe1: {  	[spmem:s2] =	stream.indirect.scatter.add.f32 [tilespmem:s20], [sflag:$0x4], $0x80, s3, s23, $0xb8;
	[tilespmem:$0x1D000] =	vst v63  }
0xe2: {  	_ =	swait.ge [sflag:s21], $0x4000  }
0xe3: {  	[sflag:s21] =	ssyncset.done $0x0  }
0xe4: {  	[sflag:s21] =	ssyncadd.s32 $0xFFFFC000  }
0xe5: {  	_ =	swait.ge [sflag:s26], $0x4000  }
.Ltmp1:
0xe6: {  	[sflag:s26] =	ssyncset.done $0x0;
	(pc) =	sbr.rel @p0 .LBB2_4-.Ltmp1, $4  }
0xe7: {  	s0 =	sor.u32 $0xB80, s0;
	[sflag:s26] =	ssyncadd.s32 $0xFFFFC000  }
0xe8: {  	[spmem:s2] =	stream.indirect.scatter.add.f32 [tilespmem:s25], [sflag:$0x4], $0x80, s0, s23, $0xb8;
	[tilespmem:$0x1D000] =	vst v63  }
0xe9: {  	_ =	swait.ge [sflag:s21], $0x4000  }
0xea: {  	s30 =	sadd.s32 $0x80, s30;
	[sflag:s21] =	ssyncset.done $0x0  }
0xeb: {  	[sflag:s21] =	ssyncadd.s32 $0xFFFFC000;
	s0 =	stileid.u32;
	s28 =	sadd.s32 $0x1, s28  }
0xec: {  	s3 =	sshrl.u32 s7, $0x3;
	s0 =	sshll.u32 s0, $0x6;
	p0 =	sne.s32 s28, s9  }
.Ltmp2:
0xed: {  	[bflag:$0x0] =	sbarrier.arrive $0xFFFF;
	s0 =	sor.u32 $0x1C04, s0;
	(pc) =	sbr.rel @p0 .LBB2_1-.Ltmp2, $4  }
0xee: {  	[hbm:s8], [sflag:s0] =	dma.local [spmem:s3], $0x2800  }
0xef: {  	_ =	swait.ge [sflag:s21], $0x2800  }
0xf0: {  	[sflag:s21] =	ssyncset.done $0x0  }
0xf1: {  	[sflag:s21] =	ssyncadd.s32 $0xFFFFD800  }
0xf2: {  	_ =	sfence.sel $0x180000  }
0xf3: {  	[bflag:$0x0] =	sbarrier.arrive $0xFFFF  }
0xf4: {  	_ =	strace $0x9000004D  }
0xf5: {  	s0 =	stileid.u32;
	[bflag:$0x2] =	sbarrier.arrive $0xFFFF  }
0xf6: {  	p0 =	sne.s32 s0, $0x0;
	s0 =	rddreg [dreg:$0x3]  }
0xf7: {  	s0 =	sadd.s32 @!p0 $0x100000, s0  }
0xf8: {  	[sflag:s0] =	ssyncadd.tile.s32 @!p0 $0x1;
	_ =	shalt  }
.Lfunc_end2:
_tile_overlayer_lowered:
.L_overlay_start_2:
0xf9: {  	(tag) =	ssettag $0x2  }
0xfa: {  	s0 =	rddreg [dreg:$0x0];
	s2 =	stileid.u32  }
0xfb: {  	s1 =	rddreg [dreg:$0x1];
	p0 =	sne.s32 s2, $0x0  }
0xfc: {  	s3 =	rddreg [dreg:$0x2];
	[bflag:$0x3] =	sbarrier.arrive $0xFFFF;
	s2 =	simm.s32 @!p0 $0x1C04  }
0xfd: {  	[timem:s3], [sflag:s2] =	dma.local @!p0 [hbm:s0], s1  }
0xfe: {  	s0 =	simm.s32 @!p0 $0x4  }
0xff: {  	_ =	swait.ge @!p0 [sflag:s0], s1  }
0x100: {  	s1 =	ssub.s32 @!p0 $0x0, s1;
	[sflag:s0] =	ssyncset.done @!p0 $0x0  }
0x101: {  	[sflag:s0] =	ssyncadd.s32 @!p0 s1  }
0x102: {  	[bflag:$0x3] =	sbarrier.arrive $0xFFFF  }
0x103: {  	_ =	shalt  }

// kernel: kernel.8.cloned.1.call-start
scs
__scs_entry_jumppad:
0x0: {  	(pc) =	sbr.rel $0x88, $3  }
0x1: {  	(tag) =	ssettag $0x0;
	lr =	simm.s32 $0x1  }
0x2: {  	[smem:$0x3F9A] =	sst lr;
	_ =	strace $0xD0000000  }
0x3: {  	_ = 	snop  }
0x4: {  	_ = 	snop  }
0x5: {  	_ = 	snop  }
0x6: {  	_ = 	snop  }
0x7: {  	_ = 	snop  }
__scs_overlays_trampoline_lowered:
0x8: {  	[smem:$0x3FA9] =	sst s0  }
0x9: {  	[smem:$0x3FAA] =	sst s1  }
0xa: {  	[smem:$0x3FAB] =	sst s2  }
0xb: {  	[smem:$0x3FAC] =	sst s3  }
0xc: {  	[smem:$0x3FAD] =	sst s4  }
0xd: {  	[smem:$0x3FAE] =	sst s5  }
0xe: {  	[smem:$0x3FAF] =	sst s6  }
0xf: {  	[smem:$0x3FB0] =	sst s7  }
0x10: {  	[smem:$0x3FB1] =	sst s8  }
0x11: {  	[smem:$0x3FB2] =	sst s9;
	s0 =	simm.s32 @!p0 $0x0  }
0x12: {  	s1 =	sld [smem:$0x3F98];
	s0 =	simm.s32 @p0 $0x1  }
0x13: {  	[smem:$0x3FB3] =	sst s0;
	s0 =	simm.s32 @!p1 $0x0  }
0x14: {  	s2 =	sld [smem:$0x3F97];
	s0 =	simm.s32 @p1 $0x1  }
0x15: {  	[smem:$0x3FB4] =	sst s0;
	s0 =	simm.s32 @!p2 $0x0  }
0x16: {  	s3 =	sld [smem:$0x3FDB];
	s0 =	simm.s32 @p2 $0x1  }
0x17: {  	s4 =	simm.s32 $0x1BF5;
	[smem:$0x3FB6] =	sst s0  }
0x18: {  	s0 =	sld [smem:$0x3F99];
	_ =	swait.ge [sflag:s4], $0x0  }
0x19: {  	s7 =	sld [smem:$0x3F9A]  }
0x1a: {  	s8 =	sadd.s32 $0xFFFFE003, lr  }
0x1b: {  	s9 =	sadd.s32 $0xFFFFFEF7, lr;
	s5 =	simm.s32 $0xFFFFFFFF;
	p2 =	slt.u32 s8, $0xFFFFF086  }
0x1c: {  	p1 =	slt.u32 s9, $0xF7A;
	s5 =	simm.s32 @!p2 $0x0  }
0x1d: {  	s5 =	simm.s32 @p1 $0x1;
	p0 =	seq.s32 s7, s2  }
0x1e: {  	s7 =	smul.u32 @!p0 $0xF7A, s2;
	p2 =	seq.s32 @!p0 s5, $0x0  }
0x1f: {  	s9 =	smul.u32 $0xF7A, s1;
	s8 =	simm.s32 @!p0 $0x1BF5;
	p2 =	por !p2, p0  }
0x20: {  	[sflag:s8] =	ssyncset.s32 @!p0 $0xFFFFF086;
	s6 =	sadd.s32 @!p0 s3, s7;
	s7 =	simm.s32 @!p0 $0x108  }
0x21: {  	s3 =	sadd.s32 s3, s9;
	s6 =	sadd.s32 @!p0 $0x88, s6;
	s7 =	simm.s32 @p2 $0x1082  }
0x22: {  	[simem:s7], [sflag:s8] =	dma.local @!p0 [hbm:s6], $0xF7A  }
0x23: {  	s9 =	sor.u32 $0xD0000000, s2;
	s6 =	simm.s32 $0x108;
	_ =	swait.ge @!p0 [sflag:s8], $0x0  }
0x24: {  	s3 =	sadd.s32 $0x88, s3;
	s6 =	simm.s32 @!p1 $0x1082;
	[sflag:s4] =	ssyncset.s32 $0xFFFFF086  }
0x25: {  	[simem:s6], [sflag:s4] =	dma.local [hbm:s3], $0xF7A  }
0x26: {  	[smem:$0x3F9A] =	sst s1;
	(tag) =	ssettag s2;
	_ =	strace s9  }
0x27: {  	s1 =	sld [smem:$0x3FAA]  }
0x28: {  	s2 =	sld [smem:$0x3FAB]  }
0x29: {  	s4 =	sld [smem:$0x3FAD]  }
0x2a: {  	p0 =	seq.s32 s5, $0x0;
	s5 =	sld [smem:$0x3FAE]  }
0x2b: {  	s6 =	sld [smem:$0x3FAF]  }
0x2c: {  	s7 =	sld [smem:$0x3FB0]  }
0x2d: {  	s3 =	simm.s32 $0x108;
	s8 =	sld [smem:$0x3FB1]  }
0x2e: {  	s3 =	simm.s32 @!p0 $0x1082;
	s9 =	sld [smem:$0x3FB2]  }
0x2f: {  	lr =	sadd.s32 s0, s3;
	s0 =	sld [smem:$0x3FA9]  }
0x30: {  	s3 =	sld [smem:$0x3FAC]  }
0x31: {  	[smem:$0x3FB5] =	sst s10  }
0x32: {  	s10 =	sld [smem:$0x3FB3];
	_ =	sdelay $0x3  }
0x33: {  	p0 =	seq.s32 s10, $0x1;
	s10 =	sld [smem:$0x3FB5];
	_ =	sdelay $0x3  }
0x34: {  	[smem:$0x3FB5] =	sst s10  }
0x35: {  	s10 =	sld [smem:$0x3FB4];
	_ =	sdelay $0x3  }
0x36: {  	p1 =	seq.s32 s10, $0x1;
	s10 =	sld [smem:$0x3FB5];
	_ =	sdelay $0x3  }
0x37: {  	[smem:$0x3FB5] =	sst s10  }
0x38: {  	s10 =	sld [smem:$0x3FB6]  }
0x39: {  	_ = 	snop;
	(pc) =	sbr.ind lr, $3  }
0x3a: {  	_ = 	snop  }
0x3b: {  	_ = 	snop  }
0x3c: {  	p2 =	seq.s32 s10, $0x1;
	s10 =	sld [smem:$0x3FB5]  }
0x3d: {  	_ =	shalt  }
0x3e: {  	_ =	shalt  }
0x3f: {  	_ =	shalt  }
0x40: {  	_ =	shalt  }
0x41: {  	_ =	shalt  }
0x42: {  	_ =	shalt  }
0x43: {  	_ =	shalt  }
0x44: {  	_ =	shalt  }
0x45: {  	_ =	shalt  }
0x46: {  	_ =	shalt  }
0x47: {  	_ =	shalt  }
0x48: {  	_ =	shalt  }
0x49: {  	_ =	shalt  }
0x4a: {  	_ =	shalt  }
0x4b: {  	_ =	shalt  }
0x4c: {  	_ =	shalt  }
0x4d: {  	_ =	shalt  }
0x4e: {  	_ =	shalt  }
0x4f: {  	_ =	shalt  }
0x50: {  	_ =	shalt  }
0x51: {  	_ =	shalt  }
0x52: {  	_ =	shalt  }
0x53: {  	_ =	shalt  }
0x54: {  	_ =	shalt  }
0x55: {  	_ =	shalt  }
0x56: {  	_ =	shalt  }
0x57: {  	_ =	shalt  }
0x58: {  	_ =	shalt  }
0x59: {  	_ =	shalt  }
0x5a: {  	_ =	shalt  }
0x5b: {  	_ =	shalt  }
0x5c: {  	_ =	shalt  }
0x5d: {  	_ =	shalt  }
0x5e: {  	_ =	shalt  }
0x5f: {  	_ =	shalt  }
0x60: {  	_ =	shalt  }
0x61: {  	_ =	shalt  }
0x62: {  	_ =	shalt  }
0x63: {  	_ =	shalt  }
0x64: {  	_ =	shalt  }
0x65: {  	_ =	shalt  }
0x66: {  	_ =	shalt  }
0x67: {  	_ =	shalt  }
0x68: {  	_ =	shalt  }
0x69: {  	_ =	shalt  }
0x6a: {  	_ =	shalt  }
0x6b: {  	_ =	shalt  }
0x6c: {  	_ =	shalt  }
0x6d: {  	_ =	shalt  }
0x6e: {  	_ =	shalt  }
0x6f: {  	_ =	shalt  }
0x70: {  	_ =	shalt  }
0x71: {  	_ =	shalt  }
0x72: {  	_ =	shalt  }
0x73: {  	_ =	shalt  }
0x74: {  	_ =	shalt  }
0x75: {  	_ =	shalt  }
0x76: {  	_ =	shalt  }
0x77: {  	_ =	shalt  }
0x78: {  	_ =	shalt  }
0x79: {  	_ =	shalt  }
0x7a: {  	_ =	shalt  }
0x7b: {  	_ =	shalt  }
0x7c: {  	_ =	shalt  }
0x7d: {  	_ =	shalt  }
0x7e: {  	_ =	shalt  }
0x7f: {  	_ =	shalt  }
0x80: {  	_ =	shalt  }
0x81: {  	_ =	shalt  }
0x82: {  	_ =	shalt  }
0x83: {  	_ =	shalt  }
0x84: {  	_ =	shalt  }
0x85: {  	_ =	shalt  }
0x86: {  	_ =	shalt  }
0x87: {  	_ =	shalt  }
.Lfunc_end0:
.L_simem_size_0:
called_computation_lowered:
.L_overlay_start_0:
0x88: {  	s2 =	sld [smem:$0x3FD9]  }
0x89: {  	s3 =	sld [smem:$0x3FFE];
	_ =	sdelay $0x1  }
0x8a: {  	s1 =	srdreg.scid  }
0x8b: {  	s0 =	sand.u32 $0x1, s1  }
0x8c: {  	s17 =	sshll.u32 s0, $0xA;
	s2 =	sadd.s32 s3, s2  }
0x8d: {  	s2 =	sadd.s32 s2, s17  }
0x8e: {  	[smem:$0x3FC1] =	sst s2  }
0x8f: {  	_ = 	snop  }
0x90: {  	s2 =	sld [smem:$0x3FD0];
	(tm) =	ssettm $0x1  }
0x91: {  	s18 =	sld [smem:$0x3FFB];
	_ =	sdelay $0x3  }
0x92: {  	_ =	strace s18  }
0x93: {  	s3 =	sld [smem:$0x3FFC];
	_ =	sdelay $0x3  }
0x94: {  	_ =	strace s3  }
0x95: {  	s3 =	sld [smem:$0x3FFD];
	_ =	sdelay $0x3  }
0x96: {  	_ =	strace s3  }
0x97: {  	_ =	strace $0x8FFFFFFF  }
0x98: {  	s19 =	sld [smem:$0x3FDB];
	_ =	sdelay $0x1  }
0x99: {  	s4 =	simm.s32 $_scs_section_size  }
0x9a: {  	s5 =	simm.s32 $_size__tile_overlayer_lowered;
	s6 =	simm.s32 $_tile_overlayer_lowered  }
0x9b: {  	s22 =	simm.s32 $0x1BFF;
	s21 =	sshll.u32 s6, $0x1;
	s3 =	sadd.s32 s4, s19  }
0x9c: {  	s7 =	simm.s32 $0x0;
	s20 =	sshll.u32 s5, $0x1;
	s5 =	sadd.s32 s21, s3  }
0x9d: {  	[timem:s7], [sflag:s22] =	dma.local [hbm:s5], s20  }
0x9e: {  	_ =	swait.ge [sflag:s22], s20  }
0x9f: {  	s4 =	ssub.s32 $0x0, s20;
	[sflag:s22] =	ssyncset.done $0x0  }
0xa0: {  	[sflag:s22] =	ssyncadd.s32 s4;
	_ =	sdelay $0x1  }
0xa1: {  	s23 =	simm.s32 $0x1B8B  }
0xa2: {  	_ =	swait.ge [sflag:s23], $0x1  }
0xa3: {  	[sflag:s23] =	ssyncset.done $0x0  }
0xa4: {  	s25 =	simm.s32 $0x1B8E;
	s24 =	sld [smem:$0x3FFE];
	[sflag:s23] =	ssyncadd.s32 $0xFFFFFFFF  }
0xa5: {  	s26 =	simm.s32 $execute0_lowered;
	[smem:$0x3FD2] =	sst s25  }
0xa6: {  	s5 =	sshll.u32 s26, $0x1;
	_ =	strace $0x80000046;
	[dreg:$0x1] =	wrdreg $0xFFFFFFFF  }
0xa7: {  	s28 =	simm.s32 $_size_execute0_lowered;
	s3 =	sadd.s32 s3, s5;
	[dreg:$0x0] =	wrdreg $0x0  }
0xa8: {  	s5 =	sshll.u32 s28, $0x1;
	[dreg:$0x2] =	wrdreg s3  }
0xa9: {  	[dreg:$0x3] =	wrdreg s5  }
0xaa: {  	[dreg:$0x4] =	wrdreg $0xC0  }
0xab: {  	_ =	task [dreg:s7], $0x5FFFF  }
0xac: {  	[dreg:$0x1] =	wrdreg $0xFFFFFFFF  }
0xad: {  	[dreg:$0x0] =	wrdreg $0x60  }
0xae: {  	[dreg:$0x2] =	wrdreg s2  }
0xaf: {  	[dreg:$0x3] =	wrdreg s24  }
0xb0: {  	[dreg:$0x4] =	wrdreg $0xF2000  }
0xb1: {  	[dreg:$0x5] =	wrdreg $0x11A000  }
0xb2: {  	[dreg:$0x6] =	wrdreg $0x9  }
0xb3: {  	_ =	task.clear_ibuf [dreg:s7], $0x7FFFF;
	_ =	strace $0x90000046  }
0xb4: {  	s29 =	simm.s32 $0x9;
	_ =	strace $0x80000048  }
0xb5: {  	_ =	swait.ge [sflag:s29], $0x1  }
0xb6: {  	[sflag:s29] =	ssyncadd.s32 $0xFFFFFFFF  }
0xb7: {  	_ =	strace $0x90000048  }
0xb8: {  	_ =	sfence  }
0xb9: {  	s30 =	sld [smem:$0x0];
	_ =	sdelay $0x2  }
0xba: {  	s31 =	sshll.u32 s1, $0xD;
	s1 =	sshrl.u32 s1, $0x2  }
0xbb: {  	s3 =	sand.u32 $0x4000, s31;
	s1 =	sadd.s32 s1, s30  }
0xbc: {  	s0 =	sor.u32 s3, s0;
	s1 =	sshll.u32 s1, $0x11  }
0xbd: {  	s0 =	sor.u32 s1, s0  }
0xbe: {  	s0 =	sadd.s32 $0x8F2B, s0  }
0xbf: {  	[sflag:s0] =	ssyncadd.remote.s32 $0x1  }
0xc0: {  	_ =	sfence.sel $0xFFFF  }
0xc1: {  	[dreg:$0x0] =	wrdreg $0xFFFFFFFF;
	(pc) =	sbr.abs _section_cstart, $3  }
0xc2: {  	[dreg:$0x1] =	wrdreg $0xFFFFFFFF  }
0xc3: {  	_ =	task.clear_ibuf [dreg:s7], $0x2FFFF;
	_ =	strace $0x9FFFFFFF  }
0xc4: {  	(tm) =	ssettm $0x7FFFFFFF  }
0xc5: {  	_ =	shalt  }
tec
execute0_lowered:
.L_overlay_start_1:
0x0: {  	(tag) =	ssettag $0x1  }
0x1: {  	s4 =	rddreg [dreg:$0x0]  }
0x2: {  	s5 =	rddreg [dreg:$0x1]  }
0x3: {  	s7 =	rddreg [dreg:$0x2]  }
0x4: {  	s2 =	rddreg [dreg:$0x3]  }
0x5: {  	s0 =	srdreg.scid;
	s1 =	rddreg [dreg:$0x4];
	s3 =	simm.s32 $0x0  }
0x6: {  	s14 =	simm.s32 $0x9D00;
	s15 =	simm.s32 $0x80;
	s6 =	sand.u32 $0x1, s0  }
0x7: {  	s16 =	simm.s32 $0x400;
	s0 =	stileid.u32;
	s8 =	smul.u32 $0x4E200, s6  }
0x8: {  	s17 =	simm.s32 $0xED00;
	s18 =	simm.s32 $0xEF80;
	s9 =	smul.u32 $0x4E20, s0  }
0x9: {  	s19 =	simm.s32 $0xC500;
	[smem:$0x7FF] =	sst s3;
	s10 =	smul.u32 $0x280, s0  }
0xa: {  	s20 =	simm.s32 $0x0;
	s24 =	smul.u32 $0x5000, s6;
	_ =	strace $0x80000047  }
0xb: {  	s6 =	ssub.s32 $0x2, s6;
	s12 =	sshrl.u32 s0, $0x3;
	s29 =	smul.u32 $0x5000, s0  }
0xc: {  	s30 =	sshll.u32 s0, $0x7;
	s25 =	sshrl.u32 s6, $0x1;
	s26 =	smul.u32 $0x50000, s12  }
0xd: {  	s12 =	simm.s32 $0x1;
	s8 =	sadd.s32 s9, s8;
	s9 =	sadd.s32 s10, s24  }
0xe: {  	s28 =	ssub.s32 s6, s25;
	s8 =	sshrl.u32 s8, $0x3;
	s9 =	sshrl.u32 s9, $0x3  }
0xf: {  	s31 =	sshrl.u32 s29, $0x2;
	s11 =	sadd.s32 s8, s5;
	s13 =	sadd.s32 s9, s5  }
0x10: {  	s4 =	sadd.s32 s4, s8;
	s9 =	sshrl.u32 s26, $0x2;
	s8 =	sand.u32 $0x380, s30  }
0x11: {  	s5 =	sadd.s32 $0x1800, s11;
	s9 =	sadd.s32 s9, s7;
	s7 =	sadd.s32 s31, s7  }
0x12: {  	s11 =	smax.u32 s28, $0x1;
	s6 =	sadd.s32 s8, s9;
	s8 =	sadd.s32 $0x15200, s13  }
0x13: {  	v0 =	vimm.f32 $0.0e+00;
	v1 =	vimm.f32 $1.000000000e+00;
	s9 =	sadd.s32 s10, s2;
	s10 =	sadd.s32 $0x15700, s13;
	s13 =	simm.s32 $0x4E80  }
.LBB2_1:
0x14: {  	[tilespmem:s3], [sflag:$0x1] =	stream.linear.gather [hbm4b:s4+s3], $0x4E20, $0x38;
	[tilespmem:$0x11C80] =	vst v63  }
0x15: {  	_ =	swait.ge [sflag:s12], $0x4E20  }
0x16: {  	[sflag:s12] =	ssyncset.done $0x0  }
0x17: {  	[sflag:s12] =	ssyncadd.s32 $0xFFFFB1E0  }
0x18: {  	[tilespmem:s13], [sflag:$0x1] =	stream.linear.gather [hbm4b:s5+s3], $0x4E20, $0x38;
	[tilespmem:$0x11C80] =	vst v63  }
0x19: {  	_ =	swait.ge [sflag:s12], $0x4E20  }
0x1a: {  	[sflag:s12] =	ssyncset.done $0x0  }
0x1b: {  	s21 =	simm.s32 $0x0;
	[sflag:s12] =	ssyncadd.s32 $0xFFFFB1E0  }
.LBB2_2:
0x1c: {  	p0 =	sne.s32 s21, $0x9FC0  }
.Ltmp0:
0x1d: {  	_ = 	snop;
	(pc) =	sbr.rel @p0 .LBB2_2-.Ltmp0, $3  }
0x1e: {  	_ =	sdelay $0x1  }
0x1f: {  	s22 =	sshra.s32 s21, $0x2  }
0x20: {  	s21 =	sadd.s32 $0x40, s21;
	[tilespmem:s22+$0x9D00] =	vst v0  }
0x21: {  	s22 =	simm.s32 $0x0;
	s21 =	simm.s32 $0x40  }
.LBB2_4:
0x22: {  	p0 =	sne.s32 s21, $0x13840;
	v2 =	vld [tilespmem:s22+$0x0];
	_ =	sdelay $0x3  }
.Ltmp1:
0x23: {  	(pc) =	sbr.rel @p0 .LBB2_4-.Ltmp1, $2  }
0x24: {  	_ =	sdelay $0x2  }
0x25: {  	s22 =	sshra.s32 s21, $0x2;
	s21 =	sadd.s32 $0x40, s21;
	[tilespmem:v2+s14+$0x0] =	vst.idx.add.f32.msk $0xffff, v1  }
0x26: {  	v2 =	vld [tilespmem:s22+$0x0];
	_ =	sdelay $0x7  }
0x27: {  	s21 =	simm.s32 $0x1;
	[tilespmem:v2+s14+$0x0] =	vst.idx.add.f32.msk $0xffff, v1  }
0x28: {  	[spmem:s6] =	stream.strided.scatter [tilespmem:s14], [sflag:$0x1], $0x2800, s16, s15, $0x38;
	[tilespmem:$0x11C80] =	vst v63  }
0x29: {  	_ =	swait.ge [sflag:s21], $0x2800  }
0x2a: {  	[sflag:s21] =	ssyncset.done $0x0  }
0x2b: {  	[sflag:s21] =	ssyncadd.s32 $0xFFFFD800  }
0x2c: {  	[bflag:$0x0] =	sbarrier.arrive $0xFFFF  }
0x2d: {  	[tilespmem:s17], [sflag:$0x1] =	stream.strided.gather [spmem:s7], $0x280, s16, s15, $0x38;
	[tilespmem:$0x11C80] =	vst v63  }
0x2e: {  	_ =	swait.ge [sflag:s21], $0x280  }
0x2f: {  	[sflag:s21] =	ssyncset.done $0x0  }
0x30: {  	[sflag:s21] =	ssyncadd.s32 $0xFFFFFD80  }
.LBB2_6:
0x31: {  	s22 =	sshrl.u32 s21, $0x3  }
0x32: {  	s22 =	smul.u32 $0x50000, s22;
	_ =	sdelay $0x1  }
0x33: {  	s23 =	sshll.u32 s21, $0x7;
	s22 =	sshra.s32 s22, $0x2  }
0x34: {  	s23 =	sand.u32 $0x380, s23;
	s22 =	sadd.s32 s22, s7  }
0x35: {  	s22 =	sadd.s32 s23, s22  }
0x36: {  	[tilespmem:s18], [sflag:$0x1] =	stream.strided.gather [spmem:s22], $0x280, s16, s15, $0x38;
	[tilespmem:$0x11C80] =	vst v63  }
0x37: {  	_ =	swait.ge [sflag:s12], $0x280  }
0x38: {  	[sflag:s12] =	ssyncset.done $0x0  }
0x39: {  	s22 =	simm.s32 $0x0;
	[sflag:s12] =	ssyncadd.s32 $0xFFFFFD80  }
0x3a: {  	s23 =	simm.s32 $0x40;
	v2 =	vld [tilespmem:s22+$0xEF80]  }
.LBB2_7:
0x3b: {  	p0 =	sne.s32 s23, $0x9C0;
	v3 =	vld [tilespmem:s22+$0xED00];
	_ =	sdelay $0x2  }
.Ltmp2:
0x3c: {  	(pc) =	sbr.rel @p0 .LBB2_7-.Ltmp2, $4  }
0x3d: {  	_ = 	snop  }
0x3e: {  	v3 =	vadd.f32 v2, v3  }
0x3f: {  	s24 =	sshra.s32 s23, $0x2  }
0x40: {  	s23 =	sadd.s32 $0x40, s23;
	v2 =	vld [tilespmem:s24+$0xEF80];
	[tilespmem:s22+$0xED00] =	vst v3;
	s22 =	smov.u32 s24  }
0x41: {  	v3 =	vld [tilespmem:s22+$0xED00]  }
0x42: {  	s21 =	sadd.s32 $0x1, s21  }
0x43: {  	p0 =	sne.s32 s21, $0x10  }
.Ltmp3:
0x44: {  	_ = 	snop;
	(pc) =	sbr.rel @p0 .LBB2_6-.Ltmp3, $3  }
0x45: {  	_ = 	snop  }
0x46: {  	v2 =	vadd.f32 v2, v3;
	_ =	sdelay $0x1  }
0x47: {  	[tilespmem:s22+$0xED00] =	vst v2  }
0x48: {  	s21 =	simm.s32 $0x0;
	s22 =	simm.s32 $0x40  }
.LBB2_10:
0x49: {  	p0 =	sne.s32 s22, $0x9C0;
	v2 =	vld [tilespmem:s21+$0xED00];
	_ =	sdelay $0x4  }
0x4a: {  	v3 =	vshra.s32 v2, $0x1;
	v4 =	vmul.f32 $5.000000000e-01, v2  }
0x4b: {  	v3 =	vsub.s32 $0x5F3759DF, v3  }
0x4c: {  	v5 =	vmul.f32 v3, v4;
	_ =	sdelay $0x1  }
0x4d: {  	v5 =	vmul.f32 v3, v5;
	_ =	sdelay $0x1  }
0x4e: {  	v5 =	vsub.f32 $1.500000000e+00, v5;
	_ =	sdelay $0x1  }
0x4f: {  	v3 =	vmul.f32 v3, v5;
	_ =	sdelay $0x1  }
0x50: {  	v5 =	vmul.f32 v3, v4;
	_ =	sdelay $0x1  }
0x51: {  	v5 =	vmul.f32 v5, v3;
	_ =	sdelay $0x1  }
0x52: {  	v5 =	vsub.f32 $1.500000000e+00, v5;
	_ =	sdelay $0x1  }
0x53: {  	v3 =	vmul.f32 v5, v3;
	_ =	sdelay $0x1  }
0x54: {  	v4 =	vmul.f32 v3, v4;
	_ =	sdelay $0x1  }
0x55: {  	v4 =	vmul.f32 v4, v3;
	_ =	sdelay $0x1  }
0x56: {  	v4 =	vsub.f32 $1.500000000e+00, v4  }
.Ltmp4:
0x57: {  	(pc) =	sbr.rel @p0 .LBB2_10-.Ltmp4, $4  }
0x58: {  	v3 =	vmul.f32 v4, v3  }
0x59: {  	vm0 =	vgt.f32 v2, $0.0e+00  }
0x5a: {  	v2 =	vnsel vm0, $0x0, v3  }
0x5b: {  	[tilespmem:s21+$0xED00] =	vst v2;
	s21 =	sshra.s32 s22, $0x2;
	s22 =	sadd.s32 $0x40, s22  }
0x5c: {  	v2 =	vld [tilespmem:s21+$0xED00];
	_ =	sdelay $0x4  }
0x5d: {  	v3 =	vshra.s32 v2, $0x1;
	v4 =	vmul.f32 $5.000000000e-01, v2  }
0x5e: {  	v3 =	vsub.s32 $0x5F3759DF, v3  }
0x5f: {  	v5 =	vmul.f32 v3, v4;
	_ =	sdelay $0x1  }
0x60: {  	v5 =	vmul.f32 v3, v5;
	_ =	sdelay $0x1  }
0x61: {  	v5 =	vsub.f32 $1.500000000e+00, v5;
	_ =	sdelay $0x1  }
0x62: {  	v3 =	vmul.f32 v3, v5;
	_ =	sdelay $0x1  }
0x63: {  	v5 =	vmul.f32 v3, v4;
	_ =	sdelay $0x1  }
0x64: {  	v5 =	vmul.f32 v5, v3;
	_ =	sdelay $0x1  }
0x65: {  	v5 =	vsub.f32 $1.500000000e+00, v5;
	_ =	sdelay $0x1  }
0x66: {  	v3 =	vmul.f32 v5, v3;
	_ =	sdelay $0x1  }
0x67: {  	v4 =	vmul.f32 v3, v4;
	_ =	sdelay $0x1  }
0x68: {  	v4 =	vmul.f32 v4, v3;
	_ =	sdelay $0x1  }
0x69: {  	v4 =	vsub.f32 $1.500000000e+00, v4;
	_ =	sdelay $0x1  }
0x6a: {  	v3 =	vmul.f32 v4, v3  }
0x6b: {  	vm0 =	vgt.f32 v2, $0.0e+00  }
0x6c: {  	v2 =	vnsel vm0, $0x0, v3  }
0x6d: {  	s31 =	simm.s32 $0x0;
	[tilespmem:s21+$0xED00] =	vst v2  }
0x6e: {  	[hbm4b:s8+s31] =	stream.linear.scatter [tilespmem:s17], [sflag:$0x1], $0x280, $0x38;
	[tilespmem:$0x11C80] =	vst v63  }
0x6f: {  	_ =	swait.ge [sflag:s12], $0x280  }
0x70: {  	[sflag:s12] =	ssyncset.done $0x0  }
0x71: {  	[sflag:s12] =	ssyncadd.s32 $0xFFFFFD80  }
0x72: {  	[spmem:s9] =	stream.linear.scatter [tilespmem:s17], [sflag:$0x1], $0x280, $0x38;
	[tilespmem:$0x11C80] =	vst v63  }
0x73: {  	_ =	swait.ge [sflag:s12], $0x280  }
0x74: {  	[sflag:s12] =	ssyncset.done $0x0  }
0x75: {  	[sflag:s12] =	ssyncadd.s32 $0xFFFFFD80  }
0x76: {  	[bflag:$0x0] =	sbarrier.arrive $0xFFFF  }
0x77: {  	[tilespmem:s19], [sflag:$0x1] =	stream.linear.gather [spmem:s2], $0x2800, $0x38;
	[tilespmem:$0x11C80] =	vst v63  }
0x78: {  	_ =	swait.ge [sflag:s12], $0x2800  }
0x79: {  	[sflag:s12] =	ssyncset.done $0x0  }
0x7a: {  	s22 =	simm.s32 $0x0;
	s21 =	simm.s32 $0x40;
	[sflag:s12] =	ssyncadd.s32 $0xFFFFD800  }
.LBB2_12:
0x7b: {  	p0 =	sne.s32 s21, $0x9FC0;
	[tilespmem:s22+$0x9D00] =	vst v0;
	s22 =	smov.u32 s21;
	s21 =	sadd.s32 $0x40, s21  }
.Ltmp5:
0x7c: {  	(pc) =	sbr.rel @p0 .LBB2_12-.Ltmp5, $2  }
0x7d: {  	_ =	sdelay $0x2  }
0x7e: {  	s22 =	sshra.s32 s22, $0x2  }
0x7f: {  	[tilespmem:s22+$0x9D00] =	vst v0;
	s22 =	simm.s32 $0x0;
	s21 =	simm.s32 $0x40  }
.LBB2_14:
0x80: {  	p0 =	sne.s32 s21, $0x13840;
	v2 =	vld [tilespmem:s22+$0x0];
	_ =	sdelay $0x5  }
0x81: {  	v3 =	vld [tilespmem:s22+$0x4E80];
	_ =	sdelay $0x1  }
0x82: {  	v2 =	vld.idx.msk [tilespmem:v2+s19+$0x0], $0xffff;
	_ =	sdelay $0x1  }
.Ltmp6:
0x83: {  	(pc) =	sbr.rel @p0 .LBB2_14-.Ltmp6, $2  }
0x84: {  	_ =	sdelay $0x2  }
0x85: {  	s22 =	sshra.s32 s21, $0x2;
	s21 =	sadd.s32 $0x40, s21;
	[tilespmem:v3+s14+$0x0] =	vst.idx.add.f32.msk $0xffff, v2  }
0x86: {  	v2 =	vld [tilespmem:s22+$0x0];
	_ =	sdelay $0x4  }
0x87: {  	v3 =	vld [tilespmem:s22+$0x4E80];
	_ =	sdelay $0x2  }
0x88: {  	v2 =	vld.idx.msk [tilespmem:v2+s19+$0x0], $0xffff;
	_ =	sdelay $0x4  }
0x89: {  	s21 =	simm.s32 $0x1;
	[tilespmem:v3+s14+$0x0] =	vst.idx.add.f32.msk $0xffff, v2  }
0x8a: {  	[spmem:s6] =	stream.strided.scatter [tilespmem:s14], [sflag:$0x1], $0x2800, s16, s15, $0x38;
	[tilespmem:$0x11C80] =	vst v63  }
0x8b: {  	_ =	swait.ge [sflag:s21], $0x2800  }
0x8c: {  	[sflag:s21] =	ssyncset.done $0x0  }
0x8d: {  	[sflag:s21] =	ssyncadd.s32 $0xFFFFD800  }
0x8e: {  	[bflag:$0x0] =	sbarrier.arrive $0xFFFF  }
0x8f: {  	[tilespmem:s17], [sflag:$0x1] =	stream.strided.gather [spmem:s7], $0x280, s16, s15, $0x38;
	[tilespmem:$0x11C80] =	vst v63  }
0x90: {  	_ =	swait.ge [sflag:s21], $0x280  }
0x91: {  	[sflag:s21] =	ssyncset.done $0x0  }
0x92: {  	[sflag:s21] =	ssyncadd.s32 $0xFFFFFD80  }
.LBB2_16:
0x93: {  	s22 =	sshrl.u32 s21, $0x3  }
0x94: {  	s22 =	smul.u32 $0x50000, s22;
	_ =	sdelay $0x1  }
0x95: {  	s23 =	sshll.u32 s21, $0x7;
	s22 =	sshra.s32 s22, $0x2  }
0x96: {  	s23 =	sand.u32 $0x380, s23;
	s22 =	sadd.s32 s22, s7  }
0x97: {  	s22 =	sadd.s32 s23, s22  }
0x98: {  	[tilespmem:s18], [sflag:$0x1] =	stream.strided.gather [spmem:s22], $0x280, s16, s15, $0x38;
	[tilespmem:$0x11C80] =	vst v63  }
0x99: {  	_ =	swait.ge [sflag:s12], $0x280  }
0x9a: {  	[sflag:s12] =	ssyncset.done $0x0  }
0x9b: {  	s22 =	simm.s32 $0x0;
	[sflag:s12] =	ssyncadd.s32 $0xFFFFFD80  }
0x9c: {  	s23 =	simm.s32 $0x40;
	v2 =	vld [tilespmem:s22+$0xEF80]  }
.LBB2_17:
0x9d: {  	p0 =	sne.s32 s23, $0x9C0;
	v3 =	vld [tilespmem:s22+$0xED00];
	_ =	sdelay $0x2  }
.Ltmp7:
0x9e: {  	(pc) =	sbr.rel @p0 .LBB2_17-.Ltmp7, $4  }
0x9f: {  	_ = 	snop  }
0xa0: {  	v3 =	vadd.f32 v2, v3  }
0xa1: {  	s24 =	sshra.s32 s23, $0x2  }
0xa2: {  	s23 =	sadd.s32 $0x40, s23;
	v2 =	vld [tilespmem:s24+$0xEF80];
	[tilespmem:s22+$0xED00] =	vst v3;
	s22 =	smov.u32 s24  }
0xa3: {  	v3 =	vld [tilespmem:s22+$0xED00]  }
0xa4: {  	s21 =	sadd.s32 $0x1, s21  }
0xa5: {  	p0 =	sne.s32 s21, $0x10  }
.Ltmp8:
0xa6: {  	_ = 	snop;
	(pc) =	sbr.rel @p0 .LBB2_16-.Ltmp8, $3  }
0xa7: {  	_ = 	snop  }
0xa8: {  	v2 =	vadd.f32 v2, v3;
	_ =	sdelay $0x1  }
0xa9: {  	[tilespmem:s22+$0xED00] =	vst v2  }
0xaa: {  	s21 =	simm.s32 $0x0;
	s22 =	simm.s32 $0x40  }
.LBB2_20:
0xab: {  	p0 =	sne.s32 s22, $0x9C0;
	v2 =	vld [tilespmem:s21+$0xED00];
	_ =	sdelay $0x4  }
0xac: {  	v3 =	vshra.s32 v2, $0x1;
	v4 =	vmul.f32 $5.000000000e-01, v2  }
0xad: {  	v3 =	vsub.s32 $0x5F3759DF, v3  }
0xae: {  	v5 =	vmul.f32 v3, v4;
	_ =	sdelay $0x1  }
0xaf: {  	v5 =	vmul.f32 v3, v5;
	_ =	sdelay $0x1  }
0xb0: {  	v5 =	vsub.f32 $1.500000000e+00, v5;
	_ =	sdelay $0x1  }
0xb1: {  	v3 =	vmul.f32 v3, v5;
	_ =	sdelay $0x1  }
0xb2: {  	v5 =	vmul.f32 v3, v4;
	_ =	sdelay $0x1  }
0xb3: {  	v5 =	vmul.f32 v5, v3;
	_ =	sdelay $0x1  }
0xb4: {  	v5 =	vsub.f32 $1.500000000e+00, v5;
	_ =	sdelay $0x1  }
0xb5: {  	v3 =	vmul.f32 v5, v3;
	_ =	sdelay $0x1  }
0xb6: {  	v4 =	vmul.f32 v3, v4;
	_ =	sdelay $0x1  }
0xb7: {  	v4 =	vmul.f32 v4, v3;
	_ =	sdelay $0x1  }
0xb8: {  	v4 =	vsub.f32 $1.500000000e+00, v4  }
.Ltmp9:
0xb9: {  	(pc) =	sbr.rel @p0 .LBB2_20-.Ltmp9, $4  }
0xba: {  	v3 =	vmul.f32 v4, v3  }
0xbb: {  	vm0 =	vgt.f32 v2, $0.0e+00  }
0xbc: {  	v2 =	vnsel vm0, $0x0, v3  }
0xbd: {  	[tilespmem:s21+$0xED00] =	vst v2;
	s21 =	sshra.s32 s22, $0x2;
	s22 =	sadd.s32 $0x40, s22  }
0xbe: {  	v2 =	vld [tilespmem:s21+$0xED00];
	_ =	sdelay $0x4  }
0xbf: {  	v3 =	vshra.s32 v2, $0x1;
	v4 =	vmul.f32 $5.000000000e-01, v2  }
0xc0: {  	v3 =	vsub.s32 $0x5F3759DF, v3  }
0xc1: {  	v5 =	vmul.f32 v3, v4;
	_ =	sdelay $0x1  }
0xc2: {  	v5 =	vmul.f32 v3, v5;
	_ =	sdelay $0x1  }
0xc3: {  	v5 =	vsub.f32 $1.500000000e+00, v5;
	_ =	sdelay $0x1  }
0xc4: {  	v3 =	vmul.f32 v3, v5;
	_ =	sdelay $0x1  }
0xc5: {  	v5 =	vmul.f32 v3, v4;
	_ =	sdelay $0x1  }
0xc6: {  	v5 =	vmul.f32 v5, v3;
	_ =	sdelay $0x1  }
0xc7: {  	v5 =	vsub.f32 $1.500000000e+00, v5;
	_ =	sdelay $0x1  }
0xc8: {  	v3 =	vmul.f32 v5, v3;
	_ =	sdelay $0x1  }
0xc9: {  	v4 =	vmul.f32 v3, v4;
	_ =	sdelay $0x1  }
0xca: {  	v4 =	vmul.f32 v4, v3;
	_ =	sdelay $0x1  }
0xcb: {  	v4 =	vsub.f32 $1.500000000e+00, v4;
	_ =	sdelay $0x1  }
0xcc: {  	v3 =	vmul.f32 v4, v3  }
0xcd: {  	s20 =	sadd.s32 $0x1, s20;
	vm0 =	vgt.f32 v2, $0.0e+00  }
0xce: {  	p0 =	sne.s32 s20, s11;
	v2 =	vnsel vm0, $0x0, v3  }
.Ltmp10:
0xcf: {  	[tilespmem:s21+$0xED00] =	vst v2;
	(pc) =	sbr.rel @p0 .LBB2_1-.Ltmp10, $4  }
0xd0: {  	[hbm4b:s10+s3] =	stream.linear.scatter [tilespmem:s17], [sflag:$0x1], $0x280, $0x38;
	[tilespmem:$0x11C80] =	vst v63  }
0xd1: {  	_ =	swait.ge [sflag:s12], $0x280  }
0xd2: {  	[sflag:s12] =	ssyncset.done $0x0  }
0xd3: {  	[sflag:s12] =	ssyncadd.s32 $0xFFFFFD80  }
0xd4: {  	_ =	sfence.sel $0x180000  }
0xd5: {  	[bflag:$0x0] =	sbarrier.arrive $0xFFFF  }
0xd6: {  	p0 =	sne.s32 s0, $0x0;
	_ =	strace $0x90000047  }
0xd7: {  	s0 =	sadd.s32 @!p0 $0x100000, s1;
	[bflag:$0x2] =	sbarrier.arrive $0xFFFF  }
0xd8: {  	[sflag:s0] =	ssyncadd.tile.s32 @!p0 $0x1;
	_ =	shalt  }
.Lfunc_end2:
_tile_overlayer_lowered:
.L_overlay_start_2:
0xd9: {  	(tag) =	ssettag $0x2  }
0xda: {  	s0 =	rddreg [dreg:$0x0];
	s2 =	stileid.u32  }
0xdb: {  	s1 =	rddreg [dreg:$0x1];
	p0 =	sne.s32 s2, $0x0  }
0xdc: {  	s3 =	rddreg [dreg:$0x2];
	[bflag:$0x3] =	sbarrier.arrive $0xFFFF;
	s2 =	simm.s32 @!p0 $0x1C01  }
0xdd: {  	[timem:s3], [sflag:s2] =	dma.local @!p0 [hbm:s0], s1  }
0xde: {  	s0 =	simm.s32 @!p0 $0x1  }
0xdf: {  	_ =	swait.ge @!p0 [sflag:s0], s1  }
0xe0: {  	s1 =	ssub.s32 @!p0 $0x0, s1;
	[sflag:s0] =	ssyncset.done @!p0 $0x0  }
0xe1: {  	[sflag:s0] =	ssyncadd.s32 @!p0 s1  }
0xe2: {  	[bflag:$0x3] =	sbarrier.arrive $0xFFFF  }
0xe3: {  	_ =	shalt  }

</sc_bundles>
